<compile_context>
chip_gen: v7x
topology: tpu7x:2x2x1
jax: 0.10.2.dev20260603
libtpu: 0.0.44.dev20260713+nightly
codegen_flags: <defaults>
</compile_context>

<pallas_src>
import functools

import numpy as np
import jax
import jax.numpy as jnp
from jax import lax
from jax.experimental import pallas as pl
from jax.experimental.pallas import tpu as pltpu
from jax.experimental.pallas import tpu_sc as plsc

D_MODEL = 768
HEADS = 12
DH = 64
D_FF = 512
S = 4096
U = 45
UP = 48
BR = 512

NTILES = 32
CHUNK = 512
NCH = S // CHUNK
NTASKS = HEADS * NCH
TPW = NTASKS // NTILES
DSL = 8
NPASS = DH // DSL


_rng = np.random.default_rng(0)
_IDX = _rng.integers(0, S, size=(S, U)).astype(np.int32)
_IDXT = np.ascontiguousarray(
    _IDX.T.reshape(45, S // 512, 512).transpose(1, 0, 2).reshape(S // 512, -1))


def _proj_body(x_ref, wq_ref, wk_ref, wv_ref, q_ref, v_ref, qt_ref, kt_ref):
    x = x_ref[...]
    yq = jnp.dot(x, wq_ref[...], preferred_element_type=jnp.float32)
    yk = jnp.dot(x, wk_ref[...], preferred_element_type=jnp.float32)
    yv = jnp.dot(x.astype(jnp.bfloat16), wv_ref[...].astype(jnp.bfloat16),
                 preferred_element_type=jnp.float32)
    for h in range(HEADS):
        sq = yq[:, h * DH:(h + 1) * DH]
        q_ref[h] = sq
        v_ref[h] = yv[:, h * DH:(h + 1) * DH]
        qt_ref[0, h] = sq.T
        kt_ref[h] = yk[:, h * DH:(h + 1) * DH].T


def _sc_measure(qt_hbm, kt_hbm, idxt_hbm, m_hbm,
                kt_buf, qt_buf, idx_buf, p_buf, m_buf):
    wid = lax.axis_index("s") * 2 + lax.axis_index("c")

    def task_body(j, carry0):
        task = wid * TPW + j
        head = task // NCH
        chunk = task % NCH
        q0 = chunk * CHUNK
        pltpu.sync_copy(idxt_hbm.at[chunk], idx_buf)
        pltpu.sync_copy(qt_hbm.at[chunk, head], qt_buf)

        def zero_body(g, carry):
            p_buf[pl.ds(g * 16, 16)] = jnp.zeros((16,), jnp.float32)
            return carry

        lax.fori_loop(0, CHUNK // 16 * U, zero_body, 0)

        def pass_body(dsl, carry):
            pltpu.sync_copy(
                kt_hbm.at[head, pl.ds(dsl * (DSL * S), DSL * S)], kt_buf)

            def pair_body(p, carry2):
                for grp in range(2):
                    lanes0 = p * 32 + grp * 16
                    qv = [qt_buf[pl.ds(dsl * (DSL * CHUNK) + dd * CHUNK
                                       + lanes0, 16)]
                          for dd in range(DSL)]
                    gl = p * 2 + grp
                    @functools.partial(plsc.parallel_loop, 0, U, unroll=9)
                    def _u_body(u):
                        keys = idx_buf[pl.ds(u * CHUNK + lanes0, 16)]
                        row = (gl * U + u) * 16
                        pold = p_buf[pl.ds(row, 16)]
                        gs = [plsc.load_gather(kt_buf, [keys])]
                        for dd in range(1, DSL):
                            gs.append(plsc.load_gather(
                                kt_buf, [keys + jnp.int32(dd * S)]))
                        ps = [g * qq for g, qq in zip(gs, qv)]
                        while len(ps) > 1:
                            ps = [ps[i] + ps[i + 1]
                                  for i in range(0, len(ps), 2)]
                        p_buf[pl.ds(row, 16)] = pold + ps[0]
                return carry2

            lax.fori_loop(0, CHUNK // 32, pair_body, 0)
            return carry

        lax.fori_loop(0, NPASS, pass_body, 0)

        def fin_body(g, carry):
            mmax = p_buf[pl.ds(g * U * 16, 16)]
            msum = p_buf[pl.ds(g * U * 16, 16)]
            for u in range(1, U):
                v = p_buf[pl.ds((g * U + u) * 16, 16)]
                mmax = jnp.maximum(mmax, v)
                msum = msum + v
            m_buf[pl.ds(g * 16, 16)] = mmax - msum * (1.0 / U)
            return carry

        lax.fori_loop(0, CHUNK // 16, fin_body, 0)
        pltpu.sync_copy(m_buf, m_hbm.at[head, pl.ds(q0, CHUNK)])
        return carry0

    lax.fori_loop(0, TPW, task_body, 0)


def _topk_body(m_ref, top_ref, scr):
    scr[...] = m_ref[...]
    iota = jax.lax.broadcasted_iota(jnp.int32, (HEADS, S), 1)
    lane64 = jax.lax.broadcasted_iota(jnp.int32, (HEADS, 64), 1)

    def step(u, acc):
        row = scr[...]
        mx = jnp.max(row, axis=1, keepdims=True)
        idx = jnp.min(jnp.where(row == mx, iota, jnp.int32(2**30)),
                      axis=1, keepdims=True)
        scr[...] = jnp.where(iota == idx, -jnp.inf, row)
        return jnp.where(lane64 == u, idx, acc)

    top_ref[...] = jax.lax.fori_loop(
        0, U, step, jnp.full((HEADS, 64), -1, jnp.int32))


def _attn_body(top_smem, q_ref, kt_ref, v_ref, out_ref, qsel):
    h = pl.program_id(0)
    for u in range(U):
        i = top_smem[h * 64 + u]
        qsel[pl.ds(u, 1), :] = q_ref[0, pl.ds(i, 1), :]
    scores = jax.lax.dot_general(
        qsel[...].astype(jnp.bfloat16), kt_ref[0].astype(jnp.bfloat16),
        (((1,), (0,)), ((), ())),
        preferred_element_type=jnp.float32) * (1.0 / 8.0)
    smax = jnp.max(scores, axis=1, keepdims=True)
    e = jnp.exp(scores - smax)
    att = e / jnp.sum(e, axis=1, keepdims=True)
    ctx = jnp.dot(att.astype(jnp.bfloat16), v_ref[0].astype(jnp.bfloat16),
                  preferred_element_type=jnp.float32)
    vmean = jnp.mean(v_ref[0], axis=0, keepdims=True)
    out_ref[0] = jnp.broadcast_to(vmean, (S, DH))
    for u in range(U):
        i = top_smem[h * 64 + u]
        out_ref[0, pl.ds(i, 1), :] = ctx[u:u + 1, :]


def _ln(y, g, b):
    mu = jnp.mean(y, axis=-1, keepdims=True)
    var = jnp.mean((y - mu) ** 2, axis=-1, keepdims=True)
    return (y - mu) / jnp.sqrt(var + 1e-3) * g + b


def _epilogue_body(ctx_ref, x_ref, wo_ref, wff1_ref, bff1_ref, wff2_ref,
                   bff2_ref, g1_ref, b1_ref, g2_ref, b2_ref, out_ref):
    ctx = jnp.concatenate([ctx_ref[h] for h in range(HEADS)], axis=1)
    attn = jnp.dot(ctx.astype(jnp.bfloat16), wo_ref[...].astype(jnp.bfloat16),
                   preferred_element_type=jnp.float32)
    h1 = _ln(x_ref[...] + attn, g1_ref[...], b1_ref[...])
    ffa = jnp.maximum(
        jnp.dot(h1.astype(jnp.bfloat16), wff1_ref[...].astype(jnp.bfloat16),
                preferred_element_type=jnp.float32)
        + bff1_ref[...], 0.0)
    ff = jnp.dot(ffa.astype(jnp.bfloat16), wff2_ref[...].astype(jnp.bfloat16),
                 preferred_element_type=jnp.float32) + bff2_ref[...]
    out_ref[...] = _ln(h1 + ff, g2_ref[...], b2_ref[...])


def kernel(x, Wq, Wk, Wv, Wo, Wff1, bff1, Wff2, bff2, ln1_g, ln1_b, ln2_g, ln2_b):
    B = x.shape[0]
    x2 = x.reshape(S, D_MODEL)

    q, v, qt, kt = pl.pallas_call(
        _proj_body,
        grid=(S // BR,),
        in_specs=[
            pl.BlockSpec((BR, D_MODEL), lambda i: (i, 0)),
            pl.BlockSpec((D_MODEL, D_MODEL), lambda i: (0, 0)),
            pl.BlockSpec((D_MODEL, D_MODEL), lambda i: (0, 0)),
            pl.BlockSpec((D_MODEL, D_MODEL), lambda i: (0, 0)),
        ],
        out_specs=[
            pl.BlockSpec((HEADS, BR, DH), lambda i: (0, i, 0)),
            pl.BlockSpec((HEADS, BR, DH), lambda i: (0, i, 0)),
            pl.BlockSpec((1, HEADS, DH, BR), lambda i: (i, 0, 0, 0)),
            pl.BlockSpec((HEADS, DH, BR), lambda i: (0, 0, i)),
        ],
        out_shape=[
            jax.ShapeDtypeStruct((HEADS, S, DH), jnp.float32),
            jax.ShapeDtypeStruct((HEADS, S, DH), jnp.float32),
            jax.ShapeDtypeStruct((S // BR, HEADS, DH, BR), jnp.float32),
            jax.ShapeDtypeStruct((HEADS, DH, S), jnp.float32),
        ],
    )(x2, Wq, Wk, Wv)

    idxt = jnp.asarray(_IDXT)
    m = pl.kernel(
        _sc_measure,
        out_type=jax.ShapeDtypeStruct((HEADS, S), jnp.float32),
        mesh=plsc.VectorSubcoreMesh(core_axis_name="c", subcore_axis_name="s"),
        compiler_params=pltpu.CompilerParams(needs_layout_passes=False),
        scratch_types=[
            pltpu.VMEM((DSL * S,), jnp.float32),
            pltpu.VMEM((DH * CHUNK,), jnp.float32),
            pltpu.VMEM((U * CHUNK,), jnp.int32),
            pltpu.VMEM((CHUNK // 16 * U * 16,), jnp.float32),
            pltpu.VMEM((CHUNK,), jnp.float32),
        ],
    )(qt.reshape(NCH, HEADS, DH * CHUNK), kt.reshape(HEADS, DH * S), idxt)

    m_top = pl.pallas_call(
        _topk_body,
        in_specs=[pl.BlockSpec((HEADS, S), lambda: (0, 0))],
        out_specs=pl.BlockSpec((HEADS, 64), lambda: (0, 0)),
        out_shape=jax.ShapeDtypeStruct((HEADS, 64), jnp.int32),
        scratch_shapes=[pltpu.VMEM((HEADS, S), jnp.float32)],
    )(m)

    ctx = pl.pallas_call(
        _attn_body,
        grid_spec=pltpu.PrefetchScalarGridSpec(
            num_scalar_prefetch=1,
            grid=(HEADS,),
            in_specs=[
                pl.BlockSpec((1, S, DH), lambda h, *_: (h, 0, 0)),
                pl.BlockSpec((1, DH, S), lambda h, *_: (h, 0, 0)),
                pl.BlockSpec((1, S, DH), lambda h, *_: (h, 0, 0)),
            ],
            out_specs=pl.BlockSpec((1, S, DH), lambda h, *_: (h, 0, 0)),
            scratch_shapes=[pltpu.VMEM((UP, DH), jnp.float32)],
        ),
        out_shape=jax.ShapeDtypeStruct((HEADS, S, DH), jnp.float32),
    )(m_top.reshape(-1), q, kt, v)

    out = pl.pallas_call(
        _epilogue_body,
        grid=(S // BR,),
        in_specs=[
            pl.BlockSpec((HEADS, BR, DH), lambda i: (0, i, 0)),
            pl.BlockSpec((BR, D_MODEL), lambda i: (i, 0)),
            pl.BlockSpec((D_MODEL, D_MODEL), lambda i: (0, 0)),
            pl.BlockSpec((D_MODEL, D_FF), lambda i: (0, 0)),
            pl.BlockSpec((1, D_FF), lambda i: (0, 0)),
            pl.BlockSpec((D_FF, D_MODEL), lambda i: (0, 0)),
            pl.BlockSpec((1, D_MODEL), lambda i: (0, 0)),
            pl.BlockSpec((1, D_MODEL), lambda i: (0, 0)),
            pl.BlockSpec((1, D_MODEL), lambda i: (0, 0)),
            pl.BlockSpec((1, D_MODEL), lambda i: (0, 0)),
            pl.BlockSpec((1, D_MODEL), lambda i: (0, 0)),
        ],
        out_specs=pl.BlockSpec((BR, D_MODEL), lambda i: (i, 0)),
        out_shape=jax.ShapeDtypeStruct((S, D_MODEL), jnp.float32),
    )(ctx, x2, Wo, Wff1, bff1.reshape(1, -1), Wff2, bff2.reshape(1, -1),
      ln1_g.reshape(1, -1), ln1_b.reshape(1, -1),
      ln2_g.reshape(1, -1), ln2_b.reshape(1, -1))

    return out.reshape(B, S, D_MODEL)

# --- scband reference (transcript-rebuilt; emitter-appended) ---
"""Pipeline reference for scband-informer-29566554866206 (READ-ONLY COPY).

The authoritative reference and input builder live on the scoring server;
editing this copy changes nothing except your own understanding.
"""

import jax, jax.numpy as jnp
import numpy as np

D_MODEL = 768
HEADS = 12
D_FF = 512
C = 5


def _layer_norm(x, g, b, eps=1e-3):
    mu = jnp.mean(x, axis=-1, keepdims=True)
    var = jnp.var(x, axis=-1, keepdims=True)
    return (x - mu) / jnp.sqrt(var + eps) * g + b


def _prob_sparse_attention(Q, K, V, c):
    # Q,K,V: [B, H, L, Dh]  (ProbSparse self-attention from Informer, non-masked encoder)
    B, H, L, Dh = Q.shape
    L_K = K.shape[2]
    U_part = min(int(c * np.ceil(np.log(L_K))), L_K)
    u = min(int(c * np.ceil(np.log(L))), L)
    # deterministic key sampling (constant indices, matches informer's random key subsample)
    rng = np.random.default_rng(0)
    idx = jnp.asarray(rng.integers(0, L_K, size=(L, U_part)), dtype=jnp.int32)
    K_sample = K[:, :, idx, :]                                   # [B,H,L,U_part,Dh] (large gather)
    QK_sample = jnp.einsum('bhld,bhlud->bhlu', Q, K_sample)      # [B,H,L,U_part]
    M = jnp.max(QK_sample, axis=-1) - jnp.mean(QK_sample, axis=-1)  # sparsity measure [B,H,L]
    _, M_top = jax.lax.top_k(M, u)                               # [B,H,u]
    Q_reduce = jnp.take_along_axis(Q, M_top[..., None], axis=2)  # [B,H,u,Dh]
    scores = jnp.einsum('bhud,bhkd->bhuk', Q_reduce, K) / jnp.sqrt(jnp.float32(Dh))
    attn = jax.nn.softmax(scores, axis=-1)                       # [B,H,u,L_K]
    ctx_top = jnp.einsum('bhuk,bhkd->bhud', attn, V)             # [B,H,u,Dh]
    # lazy context for non-selected queries: mean of V
    context = jnp.broadcast_to(jnp.mean(V, axis=2, keepdims=True), (B, H, L, Dh))
    b_idx = jnp.arange(B)[:, None, None]
    h_idx = jnp.arange(H)[None, :, None]
    context = context.at[b_idx, h_idx, M_top].set(ctx_top)       # scatter top-u contexts
    return context


def setup_inputs(seed: int = 0) -> dict:
    key = jax.random.key(seed)
    ks = jax.random.split(key, 8)
    B, S = 1, 4096
    sc = 0.02
    return {
        'x': jax.random.normal(ks[0], (B, S, D_MODEL), dtype=jnp.float32),
        'Wq': jax.random.normal(ks[1], (D_MODEL, D_MODEL), dtype=jnp.float32) * sc,
        'Wk': jax.random.normal(ks[2], (D_MODEL, D_MODEL), dtype=jnp.float32) * sc,
        'Wv': jax.random.normal(ks[3], (D_MODEL, D_MODEL), dtype=jnp.float32) * sc,
        'Wo': jax.random.normal(ks[4], (D_MODEL, D_MODEL), dtype=jnp.float32) * sc,
        'Wff1': jax.random.normal(ks[5], (D_MODEL, D_FF), dtype=jnp.float32) * sc,
        'bff1': jnp.zeros((D_FF,), dtype=jnp.float32),
        'Wff2': jax.random.normal(ks[6], (D_FF, D_MODEL), dtype=jnp.float32) * sc,
        'bff2': jnp.zeros((D_MODEL,), dtype=jnp.float32),
        'ln1_g': jnp.ones((D_MODEL,), dtype=jnp.float32),
        'ln1_b': jnp.zeros((D_MODEL,), dtype=jnp.float32),
        'ln2_g': jnp.ones((D_MODEL,), dtype=jnp.float32),
        'ln2_b': jnp.zeros((D_MODEL,), dtype=jnp.float32),
    }


def reference(x, Wq, Wk, Wv, Wo, Wff1, bff1, Wff2, bff2, ln1_g, ln1_b, ln2_g, ln2_b):
    B, S, _ = x.shape
    H = HEADS
    Dh = D_MODEL // H
    q = (x @ Wq).reshape(B, S, H, Dh).transpose(0, 2, 1, 3)
    k = (x @ Wk).reshape(B, S, H, Dh).transpose(0, 2, 1, 3)
    v = (x @ Wv).reshape(B, S, H, Dh).transpose(0, 2, 1, 3)
    ctx = _prob_sparse_attention(q, k, v, C)
    attn_out = ctx.transpose(0, 2, 1, 3).reshape(B, S, D_MODEL) @ Wo
    # dropout is identity at inference
    h1 = _layer_norm(x + attn_out, ln1_g, ln1_b)
    ff = jax.nn.relu(h1 @ Wff1 + bff1) @ Wff2 + bff2
    out = _layer_norm(h1 + ff, ln2_g, ln2_b)
    return out

if __name__ == "__main__":
    import jax
    _d = setup_inputs()
    print(jax.jit(kernel)(*tuple(_d.values())))

</pallas_src>

<mosaic_0001>
#map = affine_map<(d0, d1) -> (0, 0, 0)>
#map1 = affine_map<(d0, d1) -> (0, 0)>
module attributes {stable_mosaic.version = 14 : i64} {
  func.func @_sc_measure(%arg0: i32, %arg1: i32, %arg2: memref<8x12x32768xf32, #tpu.memory_space<hbm>>, %arg3: memref<12x262144xf32, #tpu.memory_space<hbm>>, %arg4: memref<8x23040xi32, #tpu.memory_space<hbm>>, %arg5: memref<12x4096xf32, #tpu.memory_space<hbm>>, %arg6: memref<32768xf32, #tpu.memory_space<vmem>>, %arg7: memref<32768xf32, #tpu.memory_space<vmem>>, %arg8: memref<23040xi32, #tpu.memory_space<vmem>>, %arg9: memref<23040xf32, #tpu.memory_space<vmem>>, %arg10: memref<512xf32, #tpu.memory_space<vmem>>) attributes {dimension_semantics = [#tpu.dimension_semantics<core_parallel>, #tpu.dimension_semantics<subcore_parallel>], iteration_bounds = array<i64: 2, 16>, scalar_prefetch = 0 : i64, scratch_operands = 5 : i64, tpu.core_type = #tpu.core_type<sc_vector_subcore>, window_params = [{transform_indices = #map}, {transform_indices = #map1}, {transform_indices = #map1}, {transform_indices = #map1}]} {
    %mul3A = arith.constant 2 : i32
    %mul3A_0 = arith.muli %arg1, %mul3A : i32
    %add3A = arith.addi %mul3A_0, %arg0 : i32
    %scan3A = arith.constant 0 : i32
    %scan3A_1 = arith.constant 0 : i32
    %scan3A_2 = arith.constant 3 : i32
    %scan3A_3 = arith.addi %scan3A_1, %scan3A_2 : i32
    %scan3A_4 = arith.constant 1 : i32
    scf.for %scan3A_6 = %scan3A_1 to %scan3A_3 step %scan3A_4  : i32 {
      %mul3A_7 = arith.constant 3 : i32
      %mul3A_8 = arith.muli %add3A, %mul3A_7 : i32
      %add3A_9 = arith.addi %mul3A_8, %scan3A_6 : i32
      %jit3A = arith.constant 8 : i32
      %div3A = arith.divsi %add3A_9, %jit3A : i32
      %sign3A = arith.constant 0 : i32
      %sign3A_10 = arith.cmpi sgt, %add3A_9, %sign3A : i32
      %sign3A_11 = arith.extui %sign3A_10 : i1 to i32
      %sign3A_12 = arith.constant 0 : i32
      %sign3A_13 = arith.cmpi slt, %add3A_9, %sign3A_12 : i32
      %sign3A_14 = arith.extui %sign3A_13 : i1 to i32
      %sign3A_15 = arith.subi %sign3A_11, %sign3A_14 : i32
      %sign3A_16 = arith.constant 0 : i32
      %sign3A_17 = arith.cmpi sgt, %jit3A, %sign3A_16 : i32
      %sign3A_18 = arith.extui %sign3A_17 : i1 to i32
      %sign3A_19 = arith.constant 0 : i32
      %sign3A_20 = arith.cmpi slt, %jit3A, %sign3A_19 : i32
      %sign3A_21 = arith.extui %sign3A_20 : i1 to i32
      %sign3A_22 = arith.subi %sign3A_18, %sign3A_21 : i32
      %ne3A = arith.cmpi ne, %sign3A_15, %sign3A_22 : i32
      %rem3A = arith.remsi %add3A_9, %jit3A : i32
      %ne3A_23 = arith.constant 0 : i32
      %ne3A_24 = arith.cmpi ne, %rem3A, %ne3A_23 : i32
      %and3A = arith.andi %ne3A, %ne3A_24 : i1
      %sub3A = arith.constant 1 : i32
      %sub3A_25 = arith.subi %div3A, %sub3A : i32
      %select_n3A = arith.select %and3A, %sub3A_25, %div3A : i32
      %jit3A_26 = arith.constant 8 : i32
      %eq3A = arith.constant 0 : i32
      %eq3A_27 = arith.cmpi eq, %jit3A_26, %eq3A : i32
      %jit3A_28 = arith.constant 1 : i32
      %select_n3A_29 = arith.select %eq3A_27, %jit3A_28, %jit3A_26 : i32
      %rem3A_30 = arith.remsi %add3A_9, %select_n3A_29 : i32
      %ne3A_31 = arith.constant 0 : i32
      %ne3A_32 = arith.cmpi ne, %rem3A_30, %ne3A_31 : i32
      %lt3A = arith.constant 0 : i32
      %lt3A_33 = arith.cmpi slt, %rem3A_30, %lt3A : i32
      %lt3A_34 = arith.constant 0 : i32
      %lt3A_35 = arith.cmpi slt, %select_n3A_29, %lt3A_34 : i32
      %ne3A_36 = arith.xori %lt3A_33, %lt3A_35 : i1
      %and3A_37 = arith.andi %ne3A_36, %ne3A_32 : i1
      %add3A_38 = arith.addi %rem3A_30, %select_n3A_29 : i32
      %select_n3A_39 = arith.select %and3A_37, %add3A_38, %rem3A_30 : i32
      %mul3A_40 = arith.constant 512 : i32
      %mul3A_41 = arith.muli %select_n3A_39, %mul3A_40 : i32
      "tpu.region"() ({
        %run_scoped3A = tpu.sem_alloc : memref<!tpu.dma_semaphore, #tpu.memory_space<semaphore_mem>>
        %dma_start3A = arith.constant 0 : i32
        %dma_start3A_60 = tpu.memref_slice %arg4[%select_n3A_39, %dma_start3A] : memref<8x23040xi32, #tpu.memory_space<hbm>> -> memref<1x23040xi32, #tpu.memory_space<hbm>>
        %dma_start3A_61 = tpu.memref_squeeze %dma_start3A_60 : memref<1x23040xi32, #tpu.memory_space<hbm>> -> memref<23040xi32, #tpu.memory_space<hbm>>
        %dma_start3A_62 = arith.constant 0 : i32
        %dma_start3A_63 = tpu.memref_slice %arg4[%select_n3A_39, %dma_start3A_62] : memref<8x23040xi32, #tpu.memory_space<hbm>> -> memref<1x23040xi32, #tpu.memory_space<hbm>>
        %dma_start3A_64 = tpu.memref_squeeze %dma_start3A_63 : memref<1x23040xi32, #tpu.memory_space<hbm>> -> memref<23040xi32, #tpu.memory_space<hbm>>
        tpu.enqueue_dma source(%dma_start3A_64 : memref<23040xi32, #tpu.memory_space<hbm>>) target(%arg8 : memref<23040xi32, #tpu.memory_space<vmem>>) target_semaphore(%run_scoped3A : memref<!tpu.dma_semaphore, #tpu.memory_space<semaphore_mem>>)
        %dma_wait3A = arith.constant 0 : i32
        %dma_wait3A_65 = tpu.memref_slice %arg4[%select_n3A_39, %dma_wait3A] : memref<8x23040xi32, #tpu.memory_space<hbm>> -> memref<1x23040xi32, #tpu.memory_space<hbm>>
        %dma_wait3A_66 = tpu.memref_squeeze %dma_wait3A_65 : memref<1x23040xi32, #tpu.memory_space<hbm>> -> memref<23040xi32, #tpu.memory_space<hbm>>
        %dma_wait3A_67 = arith.constant 0 : i32
        %dma_wait3A_68 = tpu.memref_slice %arg4[%select_n3A_39, %dma_wait3A_67] : memref<8x23040xi32, #tpu.memory_space<hbm>> -> memref<1x23040xi32, #tpu.memory_space<hbm>>
        %dma_wait3A_69 = tpu.memref_squeeze %dma_wait3A_68 : memref<1x23040xi32, #tpu.memory_space<hbm>> -> memref<23040xi32, #tpu.memory_space<hbm>>
        tpu.wait_dma2 semaphore(%run_scoped3A : memref<!tpu.dma_semaphore, #tpu.memory_space<semaphore_mem>>) src(%dma_wait3A_69 : memref<23040xi32, #tpu.memory_space<hbm>>) dst(%arg8 : memref<23040xi32, #tpu.memory_space<vmem>>)
        tpu.yield
      }) : () -> ()
      "tpu.region"() ({
        %run_scoped3A = tpu.sem_alloc : memref<!tpu.dma_semaphore, #tpu.memory_space<semaphore_mem>>
        %dma_start3A = arith.constant 0 : i32
        %dma_start3A_60 = tpu.memref_slice %arg2[%select_n3A_39, %select_n3A, %dma_start3A] : memref<8x12x32768xf32, #tpu.memory_space<hbm>> -> memref<1x1x32768xf32, #tpu.memory_space<hbm>>
        %dma_start3A_61 = tpu.memref_squeeze %dma_start3A_60 : memref<1x1x32768xf32, #tpu.memory_space<hbm>> -> memref<32768xf32, #tpu.memory_space<hbm>>
        %dma_start3A_62 = arith.constant 0 : i32
        %dma_start3A_63 = tpu.memref_slice %arg2[%select_n3A_39, %select_n3A, %dma_start3A_62] : memref<8x12x32768xf32, #tpu.memory_space<hbm>> -> memref<1x1x32768xf32, #tpu.memory_space<hbm>>
        %dma_start3A_64 = tpu.memref_squeeze %dma_start3A_63 : memref<1x1x32768xf32, #tpu.memory_space<hbm>> -> memref<32768xf32, #tpu.memory_space<hbm>>
        tpu.enqueue_dma source(%dma_start3A_64 : memref<32768xf32, #tpu.memory_space<hbm>>) target(%arg7 : memref<32768xf32, #tpu.memory_space<vmem>>) target_semaphore(%run_scoped3A : memref<!tpu.dma_semaphore, #tpu.memory_space<semaphore_mem>>)
        %dma_wait3A = arith.constant 0 : i32
        %dma_wait3A_65 = tpu.memref_slice %arg2[%select_n3A_39, %select_n3A, %dma_wait3A] : memref<8x12x32768xf32, #tpu.memory_space<hbm>> -> memref<1x1x32768xf32, #tpu.memory_space<hbm>>
        %dma_wait3A_66 = tpu.memref_squeeze %dma_wait3A_65 : memref<1x1x32768xf32, #tpu.memory_space<hbm>> -> memref<32768xf32, #tpu.memory_space<hbm>>
        %dma_wait3A_67 = arith.constant 0 : i32
        %dma_wait3A_68 = tpu.memref_slice %arg2[%select_n3A_39, %select_n3A, %dma_wait3A_67] : memref<8x12x32768xf32, #tpu.memory_space<hbm>> -> memref<1x1x32768xf32, #tpu.memory_space<hbm>>
        %dma_wait3A_69 = tpu.memref_squeeze %dma_wait3A_68 : memref<1x1x32768xf32, #tpu.memory_space<hbm>> -> memref<32768xf32, #tpu.memory_space<hbm>>
        tpu.wait_dma2 semaphore(%run_scoped3A : memref<!tpu.dma_semaphore, #tpu.memory_space<semaphore_mem>>) src(%dma_wait3A_69 : memref<32768xf32, #tpu.memory_space<hbm>>) dst(%arg7 : memref<32768xf32, #tpu.memory_space<vmem>>)
        tpu.yield
      }) : () -> ()
      %scan3A_42 = arith.constant 0 : i32
      %scan3A_43 = arith.constant 0 : i32
      %scan3A_44 = arith.constant 1440 : i32
      %scan3A_45 = arith.addi %scan3A_43, %scan3A_44 : i32
      %scan3A_46 = arith.constant 1 : i32
      scf.for %scan3A_60 = %scan3A_43 to %scan3A_45 step %scan3A_46  : i32 {
        %broadcast_in_dim3A = arith.constant 0.000000e+00 : f32
        %broadcast_in_dim3A_61 = vector.broadcast %broadcast_in_dim3A : f32 to vector<16xf32>
        %mul3A_62 = arith.constant 16 : i32
        %mul3A_63 = arith.muli %scan3A_60, %mul3A_62 : i32
        %swap3A = arith.index_cast %mul3A_63 : i32 to index
        %swap3A_64 = tpu.vector_load %arg9[%swap3A] {strides = array<i32>} : memref<23040xf32, #tpu.memory_space<vmem>>, vector<16xf32>,
        tpu.vector_store %arg9[%swap3A], %broadcast_in_dim3A_61 {strides = array<i32>} : memref<23040xf32, #tpu.memory_space<vmem>>, vector<16xf32>,
      }
      %scan3A_47 = arith.constant 1440 : i32
      %scan3A_48 = arith.constant 0 : i32
      %scan3A_49 = arith.constant 0 : i32
      %scan3A_50 = arith.constant 8 : i32
      %scan3A_51 = arith.addi %scan3A_49, %scan3A_50 : i32
      %scan3A_52 = arith.constant 1 : i32
      scf.for %scan3A_60 = %scan3A_49 to %scan3A_51 step %scan3A_52  : i32 {
        %mul3A_61 = arith.constant 32768 : i32
        %mul3A_62 = arith.muli %scan3A_60, %mul3A_61 : i32
        "tpu.region"() ({
          %run_scoped3A = tpu.sem_alloc : memref<!tpu.dma_semaphore, #tpu.memory_space<semaphore_mem>>
          %dma_start3A = tpu.memref_slice %arg3[%select_n3A, %mul3A_62] : memref<12x262144xf32, #tpu.memory_space<hbm>> -> memref<1x32768xf32, #tpu.memory_space<hbm>>
          %dma_start3A_69 = tpu.memref_squeeze %dma_start3A : memref<1x32768xf32, #tpu.memory_space<hbm>> -> memref<32768xf32, #tpu.memory_space<hbm>>
          %dma_start3A_70 = tpu.memref_slice %arg3[%select_n3A, %mul3A_62] : memref<12x262144xf32, #tpu.memory_space<hbm>> -> memref<1x32768xf32, #tpu.memory_space<hbm>>
          %dma_start3A_71 = tpu.memref_squeeze %dma_start3A_70 : memref<1x32768xf32, #tpu.memory_space<hbm>> -> memref<32768xf32, #tpu.memory_space<hbm>>
          tpu.enqueue_dma source(%dma_start3A_71 : memref<32768xf32, #tpu.memory_space<hbm>>) target(%arg6 : memref<32768xf32, #tpu.memory_space<vmem>>) target_semaphore(%run_scoped3A : memref<!tpu.dma_semaphore, #tpu.memory_space<semaphore_mem>>)
          %dma_wait3A = tpu.memref_slice %arg3[%select_n3A, %mul3A_62] : memref<12x262144xf32, #tpu.memory_space<hbm>> -> memref<1x32768xf32, #tpu.memory_space<hbm>>
          %dma_wait3A_72 = tpu.memref_squeeze %dma_wait3A : memref<1x32768xf32, #tpu.memory_space<hbm>> -> memref<32768xf32, #tpu.memory_space<hbm>>
          %dma_wait3A_73 = tpu.memref_slice %arg3[%select_n3A, %mul3A_62] : memref<12x262144xf32, #tpu.memory_space<hbm>> -> memref<1x32768xf32, #tpu.memory_space<hbm>>
          %dma_wait3A_74 = tpu.memref_squeeze %dma_wait3A_73 : memref<1x32768xf32, #tpu.memory_space<hbm>> -> memref<32768xf32, #tpu.memory_space<hbm>>
          tpu.wait_dma2 semaphore(%run_scoped3A : memref<!tpu.dma_semaphore, #tpu.memory_space<semaphore_mem>>) src(%dma_wait3A_74 : memref<32768xf32, #tpu.memory_space<hbm>>) dst(%arg6 : memref<32768xf32, #tpu.memory_space<vmem>>)
          tpu.yield
        }) : () -> ()
        %scan3A_63 = arith.constant 0 : i32
        %scan3A_64 = arith.constant 0 : i32
        %scan3A_65 = arith.constant 16 : i32
        %scan3A_66 = arith.addi %scan3A_64, %scan3A_65 : i32
        %scan3A_67 = arith.constant 1 : i32
        scf.for %scan3A_69 = %scan3A_64 to %scan3A_66 step %scan3A_67  : i32 {
          %mul3A_70 = arith.constant 32 : i32
          %mul3A_71 = arith.muli %scan3A_69, %mul3A_70 : i32
          %add3A_72 = arith.constant 0 : i32
          %add3A_73 = arith.addi %mul3A_71, %add3A_72 : i32
          %mul3A_74 = arith.constant 4096 : i32
          %mul3A_75 = arith.muli %scan3A_60, %mul3A_74 : i32
          %add3A_76 = arith.constant 0 : i32
          %add3A_77 = arith.addi %mul3A_75, %add3A_76 : i32
          %add3A_78 = arith.addi %add3A_77, %add3A_73 : i32
          %get3A = arith.index_cast %add3A_78 : i32 to index
          %get3A_79 = tpu.vector_load %arg7[%get3A] {strides = array<i32>} : memref<32768xf32, #tpu.memory_space<vmem>>, vector<16xf32>,
          %mul3A_80 = arith.constant 4096 : i32
          %mul3A_81 = arith.muli %scan3A_60, %mul3A_80 : i32
          %add3A_82 = arith.constant 512 : i32
          %add3A_83 = arith.addi %mul3A_81, %add3A_82 : i32
          %add3A_84 = arith.addi %add3A_83, %add3A_73 : i32
          %get3A_85 = arith.index_cast %add3A_84 : i32 to index
          %get3A_86 = tpu.vector_load %arg7[%get3A_85] {strides = array<i32>} : memref<32768xf32, #tpu.memory_space<vmem>>, vector<16xf32>,
          %mul3A_87 = arith.constant 4096 : i32
          %mul3A_88 = arith.muli %scan3A_60, %mul3A_87 : i32
          %add3A_89 = arith.constant 1024 : i32
          %add3A_90 = arith.addi %mul3A_88, %add3A_89 : i32
          %add3A_91 = arith.addi %add3A_90, %add3A_73 : i32
          %get3A_92 = arith.index_cast %add3A_91 : i32 to index
          %get3A_93 = tpu.vector_load %arg7[%get3A_92] {strides = array<i32>} : memref<32768xf32, #tpu.memory_space<vmem>>, vector<16xf32>,
          %mul3A_94 = arith.constant 4096 : i32
          %mul3A_95 = arith.muli %scan3A_60, %mul3A_94 : i32
          %add3A_96 = arith.constant 1536 : i32
          %add3A_97 = arith.addi %mul3A_95, %add3A_96 : i32
          %add3A_98 = arith.addi %add3A_97, %add3A_73 : i32
          %get3A_99 = arith.index_cast %add3A_98 : i32 to index
          %get3A_100 = tpu.vector_load %arg7[%get3A_99] {strides = array<i32>} : memref<32768xf32, #tpu.memory_space<vmem>>, vector<16xf32>,
          %mul3A_101 = arith.constant 4096 : i32
          %mul3A_102 = arith.muli %scan3A_60, %mul3A_101 : i32
          %add3A_103 = arith.constant 2048 : i32
          %add3A_104 = arith.addi %mul3A_102, %add3A_103 : i32
          %add3A_105 = arith.addi %add3A_104, %add3A_73 : i32
          %get3A_106 = arith.index_cast %add3A_105 : i32 to index
          %get3A_107 = tpu.vector_load %arg7[%get3A_106] {strides = array<i32>} : memref<32768xf32, #tpu.memory_space<vmem>>, vector<16xf32>,
          %mul3A_108 = arith.constant 4096 : i32
          %mul3A_109 = arith.muli %scan3A_60, %mul3A_108 : i32
          %add3A_110 = arith.constant 2560 : i32
          %add3A_111 = arith.addi %mul3A_109, %add3A_110 : i32
          %add3A_112 = arith.addi %add3A_111, %add3A_73 : i32
          %get3A_113 = arith.index_cast %add3A_112 : i32 to index
          %get3A_114 = tpu.vector_load %arg7[%get3A_113] {strides = array<i32>} : memref<32768xf32, #tpu.memory_space<vmem>>, vector<16xf32>,
          %mul3A_115 = arith.constant 4096 : i32
          %mul3A_116 = arith.muli %scan3A_60, %mul3A_115 : i32
          %add3A_117 = arith.constant 3072 : i32
          %add3A_118 = arith.addi %mul3A_116, %add3A_117 : i32
          %add3A_119 = arith.addi %add3A_118, %add3A_73 : i32
          %get3A_120 = arith.index_cast %add3A_119 : i32 to index
          %get3A_121 = tpu.vector_load %arg7[%get3A_120] {strides = array<i32>} : memref<32768xf32, #tpu.memory_space<vmem>>, vector<16xf32>,
          %mul3A_122 = arith.constant 4096 : i32
          %mul3A_123 = arith.muli %scan3A_60, %mul3A_122 : i32
          %add3A_124 = arith.constant 3584 : i32
          %add3A_125 = arith.addi %mul3A_123, %add3A_124 : i32
          %add3A_126 = arith.addi %add3A_125, %add3A_73 : i32
          %get3A_127 = arith.index_cast %add3A_126 : i32 to index
          %get3A_128 = tpu.vector_load %arg7[%get3A_127] {strides = array<i32>} : memref<32768xf32, #tpu.memory_space<vmem>>, vector<16xf32>,
          %mul3A_129 = arith.constant 2 : i32
          %mul3A_130 = arith.muli %scan3A_69, %mul3A_129 : i32
          %add3A_131 = arith.constant 0 : i32
          %add3A_132 = arith.addi %mul3A_130, %add3A_131 : i32
          %mul3A_133 = arith.constant 32 : i32
          %mul3A_134 = arith.muli %scan3A_69, %mul3A_133 : i32
          %add3A_135 = arith.constant 16 : i32
          %add3A_136 = arith.addi %mul3A_134, %add3A_135 : i32
          %mul3A_137 = arith.constant 4096 : i32
          %mul3A_138 = arith.muli %scan3A_60, %mul3A_137 : i32
          %add3A_139 = arith.constant 0 : i32
          %add3A_140 = arith.addi %mul3A_138, %add3A_139 : i32
          %add3A_141 = arith.addi %add3A_140, %add3A_136 : i32
          %get3A_142 = arith.index_cast %add3A_141 : i32 to index
          %get3A_143 = tpu.vector_load %arg7[%get3A_142] {strides = array<i32>} : memref<32768xf32, #tpu.memory_space<vmem>>, vector<16xf32>,
          %mul3A_144 = arith.constant 4096 : i32
          %mul3A_145 = arith.muli %scan3A_60, %mul3A_144 : i32
          %add3A_146 = arith.constant 512 : i32
          %add3A_147 = arith.addi %mul3A_145, %add3A_146 : i32
          %add3A_148 = arith.addi %add3A_147, %add3A_136 : i32
          %get3A_149 = arith.index_cast %add3A_148 : i32 to index
          %get3A_150 = tpu.vector_load %arg7[%get3A_149] {strides = array<i32>} : memref<32768xf32, #tpu.memory_space<vmem>>, vector<16xf32>,
          %mul3A_151 = arith.constant 4096 : i32
          %mul3A_152 = arith.muli %scan3A_60, %mul3A_151 : i32
          %add3A_153 = arith.constant 1024 : i32
          %add3A_154 = arith.addi %mul3A_152, %add3A_153 : i32
          %add3A_155 = arith.addi %add3A_154, %add3A_136 : i32
          %get3A_156 = arith.index_cast %add3A_155 : i32 to index
          %get3A_157 = tpu.vector_load %arg7[%get3A_156] {strides = array<i32>} : memref<32768xf32, #tpu.memory_space<vmem>>, vector<16xf32>,
          %mul3A_158 = arith.constant 4096 : i32
          %mul3A_159 = arith.muli %scan3A_60, %mul3A_158 : i32
          %add3A_160 = arith.constant 1536 : i32
          %add3A_161 = arith.addi %mul3A_159, %add3A_160 : i32
          %add3A_162 = arith.addi %add3A_161, %add3A_136 : i32
          %get3A_163 = arith.index_cast %add3A_162 : i32 to index
          %get3A_164 = tpu.vector_load %arg7[%get3A_163] {strides = array<i32>} : memref<32768xf32, #tpu.memory_space<vmem>>, vector<16xf32>,
          %mul3A_165 = arith.constant 4096 : i32
          %mul3A_166 = arith.muli %scan3A_60, %mul3A_165 : i32
          %add3A_167 = arith.constant 2048 : i32
          %add3A_168 = arith.addi %mul3A_166, %add3A_167 : i32
          %add3A_169 = arith.addi %add3A_168, %add3A_136 : i32
          %get3A_170 = arith.index_cast %add3A_169 : i32 to index
          %get3A_171 = tpu.vector_load %arg7[%get3A_170] {strides = array<i32>} : memref<32768xf32, #tpu.memory_space<vmem>>, vector<16xf32>,
          %mul3A_172 = arith.constant 4096 : i32
          %mul3A_173 = arith.muli %scan3A_60, %mul3A_172 : i32
          %add3A_174 = arith.constant 2560 : i32
          %add3A_175 = arith.addi %mul3A_173, %add3A_174 : i32
          %add3A_176 = arith.addi %add3A_175, %add3A_136 : i32
          %get3A_177 = arith.index_cast %add3A_176 : i32 to index
          %get3A_178 = tpu.vector_load %arg7[%get3A_177] {strides = array<i32>} : memref<32768xf32, #tpu.memory_space<vmem>>, vector<16xf32>,
          %mul3A_179 = arith.constant 4096 : i32
          %mul3A_180 = arith.muli %scan3A_60, %mul3A_179 : i32
          %add3A_181 = arith.constant 3072 : i32
          %add3A_182 = arith.addi %mul3A_180, %add3A_181 : i32
          %add3A_183 = arith.addi %add3A_182, %add3A_136 : i32
          %get3A_184 = arith.index_cast %add3A_183 : i32 to index
          %get3A_185 = tpu.vector_load %arg7[%get3A_184] {strides = array<i32>} : memref<32768xf32, #tpu.memory_space<vmem>>, vector<16xf32>,
          %mul3A_186 = arith.constant 4096 : i32
          %mul3A_187 = arith.muli %scan3A_60, %mul3A_186 : i32
          %add3A_188 = arith.constant 3584 : i32
          %add3A_189 = arith.addi %mul3A_187, %add3A_188 : i32
          %add3A_190 = arith.addi %add3A_189, %add3A_136 : i32
          %get3A_191 = arith.index_cast %add3A_190 : i32 to index
          %get3A_192 = tpu.vector_load %arg7[%get3A_191] {strides = array<i32>} : memref<32768xf32, #tpu.memory_space<vmem>>, vector<16xf32>,
          %mul3A_193 = arith.constant 2 : i32
          %mul3A_194 = arith.muli %scan3A_69, %mul3A_193 : i32
          %add3A_195 = arith.constant 1 : i32
          %add3A_196 = arith.addi %mul3A_194, %add3A_195 : i32
        }
        %scan3A_68 = arith.constant 16 : i32
      }
      %scan3A_53 = arith.constant 8 : i32
      %scan3A_54 = arith.constant 0 : i32
      %scan3A_55 = arith.constant 0 : i32
      %scan3A_56 = arith.constant 32 : i32
      %scan3A_57 = arith.addi %scan3A_55, %scan3A_56 : i32
      %scan3A_58 = arith.constant 1 : i32
      scf.for %scan3A_60 = %scan3A_55 to %scan3A_57 step %scan3A_58  : i32 {
        %mul3A_61 = arith.constant 45 : i32
        %mul3A_62 = arith.muli %scan3A_60, %mul3A_61 : i32
        %mul3A_63 = arith.constant 16 : i32
        %mul3A_64 = arith.muli %mul3A_62, %mul3A_63 : i32
        %get3A = arith.index_cast %mul3A_64 : i32 to index
        %get3A_65 = tpu.vector_load %arg9[%get3A] {strides = array<i32>} : memref<23040xf32, #tpu.memory_space<vmem>>, vector<16xf32>,
        %mul3A_66 = arith.constant 45 : i32
        %mul3A_67 = arith.muli %scan3A_60, %mul3A_66 : i32
        %mul3A_68 = arith.constant 16 : i32
        %mul3A_69 = arith.muli %mul3A_67, %mul3A_68 : i32
        %get3A_70 = arith.index_cast %mul3A_69 : i32 to index
        %get3A_71 = tpu.vector_load %arg9[%get3A_70] {strides = array<i32>} : memref<23040xf32, #tpu.memory_space<vmem>>, vector<16xf32>,
        %mul3A_72 = arith.constant 45 : i32
        %mul3A_73 = arith.muli %scan3A_60, %mul3A_72 : i32
        %add3A_74 = arith.constant 1 : i32
        %add3A_75 = arith.addi %mul3A_73, %add3A_74 : i32
        %mul3A_76 = arith.constant 16 : i32
        %mul3A_77 = arith.muli %add3A_75, %mul3A_76 : i32
        %get3A_78 = arith.index_cast %mul3A_77 : i32 to index
        %get3A_79 = tpu.vector_load %arg9[%get3A_78] {strides = array<i32>} : memref<23040xf32, #tpu.memory_space<vmem>>, vector<16xf32>,
        %max3A = arith.maximumf %get3A_65, %get3A_79 : vector<16xf32>
        %add3A_80 = arith.addf %get3A_71, %get3A_79 : vector<16xf32>
        %mul3A_81 = arith.constant 45 : i32
        %mul3A_82 = arith.muli %scan3A_60, %mul3A_81 : i32
        %add3A_83 = arith.constant 2 : i32
        %add3A_84 = arith.addi %mul3A_82, %add3A_83 : i32
        %mul3A_85 = arith.constant 16 : i32
        %mul3A_86 = arith.muli %add3A_84, %mul3A_85 : i32
        %get3A_87 = arith.index_cast %mul3A_86 : i32 to index
        %get3A_88 = tpu.vector_load %arg9[%get3A_87] {strides = array<i32>} : memref<23040xf32, #tpu.memory_space<vmem>>, vector<16xf32>,
        %max3A_89 = arith.maximumf %max3A, %get3A_88 : vector<16xf32>
        %add3A_90 = arith.addf %add3A_80, %get3A_88 : vector<16xf32>
        %mul3A_91 = arith.constant 45 : i32
        %mul3A_92 = arith.muli %scan3A_60, %mul3A_91 : i32
        %add3A_93 = arith.constant 3 : i32
        %add3A_94 = arith.addi %mul3A_92, %add3A_93 : i32
        %mul3A_95 = arith.constant 16 : i32
        %mul3A_96 = arith.muli %add3A_94, %mul3A_95 : i32
        %get3A_97 = arith.index_cast %mul3A_96 : i32 to index
        %get3A_98 = tpu.vector_load %arg9[%get3A_97] {strides = array<i32>} : memref<23040xf32, #tpu.memory_space<vmem>>, vector<16xf32>,
        %max3A_99 = arith.maximumf %max3A_89, %get3A_98 : vector<16xf32>
        %add3A_100 = arith.addf %add3A_90, %get3A_98 : vector<16xf32>
        %mul3A_101 = arith.constant 45 : i32
        %mul3A_102 = arith.muli %scan3A_60, %mul3A_101 : i32
        %add3A_103 = arith.constant 4 : i32
        %add3A_104 = arith.addi %mul3A_102, %add3A_103 : i32
        %mul3A_105 = arith.constant 16 : i32
        %mul3A_106 = arith.muli %add3A_104, %mul3A_105 : i32
        %get3A_107 = arith.index_cast %mul3A_106 : i32 to index
        %get3A_108 = tpu.vector_load %arg9[%get3A_107] {strides = array<i32>} : memref<23040xf32, #tpu.memory_space<vmem>>, vector<16xf32>,
        %max3A_109 = arith.maximumf %max3A_99, %get3A_108 : vector<16xf32>
        %add3A_110 = arith.addf %add3A_100, %get3A_108 : vector<16xf32>
        %mul3A_111 = arith.constant 45 : i32
        %mul3A_112 = arith.muli %scan3A_60, %mul3A_111 : i32
        %add3A_113 = arith.constant 5 : i32
        %add3A_114 = arith.addi %mul3A_112, %add3A_113 : i32
        %mul3A_115 = arith.constant 16 : i32
        %mul3A_116 = arith.muli %add3A_114, %mul3A_115 : i32
        %get3A_117 = arith.index_cast %mul3A_116 : i32 to index
        %get3A_118 = tpu.vector_load %arg9[%get3A_117] {strides = array<i32>} : memref<23040xf32, #tpu.memory_space<vmem>>, vector<16xf32>,
        %max3A_119 = arith.maximumf %max3A_109, %get3A_118 : vector<16xf32>
        %add3A_120 = arith.addf %add3A_110, %get3A_118 : vector<16xf32>
        %mul3A_121 = arith.constant 45 : i32
        %mul3A_122 = arith.muli %scan3A_60, %mul3A_121 : i32
        %add3A_123 = arith.constant 6 : i32
        %add3A_124 = arith.addi %mul3A_122, %add3A_123 : i32
        %mul3A_125 = arith.constant 16 : i32
        %mul3A_126 = arith.muli %add3A_124, %mul3A_125 : i32
        %get3A_127 = arith.index_cast %mul3A_126 : i32 to index
        %get3A_128 = tpu.vector_load %arg9[%get3A_127] {strides = array<i32>} : memref<23040xf32, #tpu.memory_space<vmem>>, vector<16xf32>,
        %max3A_129 = arith.maximumf %max3A_119, %get3A_128 : vector<16xf32>
        %add3A_130 = arith.addf %add3A_120, %get3A_128 : vector<16xf32>
        %mul3A_131 = arith.constant 45 : i32
        %mul3A_132 = arith.muli %scan3A_60, %mul3A_131 : i32
        %add3A_133 = arith.constant 7 : i32
        %add3A_134 = arith.addi %mul3A_132, %add3A_133 : i32
        %mul3A_135 = arith.constant 16 : i32
        %mul3A_136 = arith.muli %add3A_134, %mul3A_135 : i32
        %get3A_137 = arith.index_cast %mul3A_136 : i32 to index
        %get3A_138 = tpu.vector_load %arg9[%get3A_137] {strides = array<i32>} : memref<23040xf32, #tpu.memory_space<vmem>>, vector<16xf32>,
        %max3A_139 = arith.maximumf %max3A_129, %get3A_138 : vector<16xf32>
        %add3A_140 = arith.addf %add3A_130, %get3A_138 : vector<16xf32>
        %mul3A_141 = arith.constant 45 : i32
        %mul3A_142 = arith.muli %scan3A_60, %mul3A_141 : i32
        %add3A_143 = arith.constant 8 : i32
        %add3A_144 = arith.addi %mul3A_142, %add3A_143 : i32
        %mul3A_145 = arith.constant 16 : i32
        %mul3A_146 = arith.muli %add3A_144, %mul3A_145 : i32
        %get3A_147 = arith.index_cast %mul3A_146 : i32 to index
        %get3A_148 = tpu.vector_load %arg9[%get3A_147] {strides = array<i32>} : memref<23040xf32, #tpu.memory_space<vmem>>, vector<16xf32>,
        %max3A_149 = arith.maximumf %max3A_139, %get3A_148 : vector<16xf32>
        %add3A_150 = arith.addf %add3A_140, %get3A_148 : vector<16xf32>
        %mul3A_151 = arith.constant 45 : i32
        %mul3A_152 = arith.muli %scan3A_60, %mul3A_151 : i32
        %add3A_153 = arith.constant 9 : i32
        %add3A_154 = arith.addi %mul3A_152, %add3A_153 : i32
        %mul3A_155 = arith.constant 16 : i32
        %mul3A_156 = arith.muli %add3A_154, %mul3A_155 : i32
        %get3A_157 = arith.index_cast %mul3A_156 : i32 to index
        %get3A_158 = tpu.vector_load %arg9[%get3A_157] {strides = array<i32>} : memref<23040xf32, #tpu.memory_space<vmem>>, vector<16xf32>,
        %max3A_159 = arith.maximumf %max3A_149, %get3A_158 : vector<16xf32>
        %add3A_160 = arith.addf %add3A_150, %get3A_158 : vector<16xf32>
        %mul3A_161 = arith.constant 45 : i32
        %mul3A_162 = arith.muli %scan3A_60, %mul3A_161 : i32
        %add3A_163 = arith.constant 10 : i32
        %add3A_164 = arith.addi %mul3A_162, %add3A_163 : i32
        %mul3A_165 = arith.constant 16 : i32
        %mul3A_166 = arith.muli %add3A_164, %mul3A_165 : i32
        %get3A_167 = arith.index_cast %mul3A_166 : i32 to index
        %get3A_168 = tpu.vector_load %arg9[%get3A_167] {strides = array<i32>} : memref<23040xf32, #tpu.memory_space<vmem>>, vector<16xf32>,
        %max3A_169 = arith.maximumf %max3A_159, %get3A_168 : vector<16xf32>
        %add3A_170 = arith.addf %add3A_160, %get3A_168 : vector<16xf32>
        %mul3A_171 = arith.constant 45 : i32
        %mul3A_172 = arith.muli %scan3A_60, %mul3A_171 : i32
        %add3A_173 = arith.constant 11 : i32
        %add3A_174 = arith.addi %mul3A_172, %add3A_173 : i32
        %mul3A_175 = arith.constant 16 : i32
        %mul3A_176 = arith.muli %add3A_174, %mul3A_175 : i32
        %get3A_177 = arith.index_cast %mul3A_176 : i32 to index
        %get3A_178 = tpu.vector_load %arg9[%get3A_177] {strides = array<i32>} : memref<23040xf32, #tpu.memory_space<vmem>>, vector<16xf32>,
        %max3A_179 = arith.maximumf %max3A_169, %get3A_178 : vector<16xf32>
        %add3A_180 = arith.addf %add3A_170, %get3A_178 : vector<16xf32>
        %mul3A_181 = arith.constant 45 : i32
        %mul3A_182 = arith.muli %scan3A_60, %mul3A_181 : i32
        %add3A_183 = arith.constant 12 : i32
        %add3A_184 = arith.addi %mul3A_182, %add3A_183 : i32
        %mul3A_185 = arith.constant 16 : i32
        %mul3A_186 = arith.muli %add3A_184, %mul3A_185 : i32
        %get3A_187 = arith.index_cast %mul3A_186 : i32 to index
        %get3A_188 = tpu.vector_load %arg9[%get3A_187] {strides = array<i32>} : memref<23040xf32, #tpu.memory_space<vmem>>, vector<16xf32>,
        %max3A_189 = arith.maximumf %max3A_179, %get3A_188 : vector<16xf32>
        %add3A_190 = arith.addf %add3A_180, %get3A_188 : vector<16xf32>
        %mul3A_191 = arith.constant 45 : i32
        %mul3A_192 = arith.muli %scan3A_60, %mul3A_191 : i32
        %add3A_193 = arith.constant 13 : i32
        %add3A_194 = arith.addi %mul3A_192, %add3A_193 : i32
        %mul3A_195 = arith.constant 16 : i32
        %mul3A_196 = arith.muli %add3A_194, %mul3A_195 : i32
        %get3A_197 = arith.index_cast %mul3A_196 : i32 to index
        %get3A_198 = tpu.vector_load %arg9[%get3A_197] {strides = array<i32>} : memref<23040xf32, #tpu.memory_space<vmem>>, vector<16xf32>,
        %max3A_199 = arith.maximumf %max3A_189, %get3A_198 : vector<16xf32>
        %add3A_200 = arith.addf %add3A_190, %get3A_198 : vector<16xf32>
        %mul3A_201 = arith.constant 45 : i32
        %mul3A_202 = arith.muli %scan3A_60, %mul3A_201 : i32
        %add3A_203 = arith.constant 14 : i32
        %add3A_204 = arith.addi %mul3A_202, %add3A_203 : i32
        %mul3A_205 = arith.constant 16 : i32
        %mul3A_206 = arith.muli %add3A_204, %mul3A_205 : i32
        %get3A_207 = arith.index_cast %mul3A_206 : i32 to index
        %get3A_208 = tpu.vector_load %arg9[%get3A_207] {strides = array<i32>} : memref<23040xf32, #tpu.memory_space<vmem>>, vector<16xf32>,
        %max3A_209 = arith.maximumf %max3A_199, %get3A_208 : vector<16xf32>
        %add3A_210 = arith.addf %add3A_200, %get3A_208 : vector<16xf32>
        %mul3A_211 = arith.constant 45 : i32
        %mul3A_212 = arith.muli %scan3A_60, %mul3A_211 : i32
        %add3A_213 = arith.constant 15 : i32
        %add3A_214 = arith.addi %mul3A_212, %add3A_213 : i32
        %mul3A_215 = arith.constant 16 : i32
        %mul3A_216 = arith.muli %add3A_214, %mul3A_215 : i32
        %get3A_217 = arith.index_cast %mul3A_216 : i32 to index
        %get3A_218 = tpu.vector_load %arg9[%get3A_217] {strides = array<i32>} : memref<23040xf32, #tpu.memory_space<vmem>>, vector<16xf32>,
        %max3A_219 = arith.maximumf %max3A_209, %get3A_218 : vector<16xf32>
        %add3A_220 = arith.addf %add3A_210, %get3A_218 : vector<16xf32>
        %mul3A_221 = arith.constant 45 : i32
        %mul3A_222 = arith.muli %scan3A_60, %mul3A_221 : i32
        %add3A_223 = arith.constant 16 : i32
        %add3A_224 = arith.addi %mul3A_222, %add3A_223 : i32
        %mul3A_225 = arith.constant 16 : i32
        %mul3A_226 = arith.muli %add3A_224, %mul3A_225 : i32
        %get3A_227 = arith.index_cast %mul3A_226 : i32 to index
        %get3A_228 = tpu.vector_load %arg9[%get3A_227] {strides = array<i32>} : memref<23040xf32, #tpu.memory_space<vmem>>, vector<16xf32>,
        %max3A_229 = arith.maximumf %max3A_219, %get3A_228 : vector<16xf32>
        %add3A_230 = arith.addf %add3A_220, %get3A_228 : vector<16xf32>
        %mul3A_231 = arith.constant 45 : i32
        %mul3A_232 = arith.muli %scan3A_60, %mul3A_231 : i32
        %add3A_233 = arith.constant 17 : i32
        %add3A_234 = arith.addi %mul3A_232, %add3A_233 : i32
        %mul3A_235 = arith.constant 16 : i32
        %mul3A_236 = arith.muli %add3A_234, %mul3A_235 : i32
        %get3A_237 = arith.index_cast %mul3A_236 : i32 to index
        %get3A_238 = tpu.vector_load %arg9[%get3A_237] {strides = array<i32>} : memref<23040xf32, #tpu.memory_space<vmem>>, vector<16xf32>,
        %max3A_239 = arith.maximumf %max3A_229, %get3A_238 : vector<16xf32>
        %add3A_240 = arith.addf %add3A_230, %get3A_238 : vector<16xf32>
        %mul3A_241 = arith.constant 45 : i32
        %mul3A_242 = arith.muli %scan3A_60, %mul3A_241 : i32
        %add3A_243 = arith.constant 18 : i32
        %add3A_244 = arith.addi %mul3A_242, %add3A_243 : i32
        %mul3A_245 = arith.constant 16 : i32
        %mul3A_246 = arith.muli %add3A_244, %mul3A_245 : i32
        %get3A_247 = arith.index_cast %mul3A_246 : i32 to index
        %get3A_248 = tpu.vector_load %arg9[%get3A_247] {strides = array<i32>} : memref<23040xf32, #tpu.memory_space<vmem>>, vector<16xf32>,
        %max3A_249 = arith.maximumf %max3A_239, %get3A_248 : vector<16xf32>
        %add3A_250 = arith.addf %add3A_240, %get3A_248 : vector<16xf32>
        %mul3A_251 = arith.constant 45 : i32
        %mul3A_252 = arith.muli %scan3A_60, %mul3A_251 : i32
        %add3A_253 = arith.constant 19 : i32
        %add3A_254 = arith.addi %mul3A_252, %add3A_253 : i32
        %mul3A_255 = arith.constant 16 : i32
        %mul3A_256 = arith.muli %add3A_254, %mul3A_255 : i32
        %get3A_257 = arith.index_cast %mul3A_256 : i32 to index
        %get3A_258 = tpu.vector_load %arg9[%get3A_257] {strides = array<i32>} : memref<23040xf32, #tpu.memory_space<vmem>>, vector<16xf32>,
        %max3A_259 = arith.maximumf %max3A_249, %get3A_258 : vector<16xf32>
        %add3A_260 = arith.addf %add3A_250, %get3A_258 : vector<16xf32>
        %mul3A_261 = arith.constant 45 : i32
        %mul3A_262 = arith.muli %scan3A_60, %mul3A_261 : i32
        %add3A_263 = arith.constant 20 : i32
        %add3A_264 = arith.addi %mul3A_262, %add3A_263 : i32
        %mul3A_265 = arith.constant 16 : i32
        %mul3A_266 = arith.muli %add3A_264, %mul3A_265 : i32
        %get3A_267 = arith.index_cast %mul3A_266 : i32 to index
        %get3A_268 = tpu.vector_load %arg9[%get3A_267] {strides = array<i32>} : memref<23040xf32, #tpu.memory_space<vmem>>, vector<16xf32>,
        %max3A_269 = arith.maximumf %max3A_259, %get3A_268 : vector<16xf32>
        %add3A_270 = arith.addf %add3A_260, %get3A_268 : vector<16xf32>
        %mul3A_271 = arith.constant 45 : i32
        %mul3A_272 = arith.muli %scan3A_60, %mul3A_271 : i32
        %add3A_273 = arith.constant 21 : i32
        %add3A_274 = arith.addi %mul3A_272, %add3A_273 : i32
        %mul3A_275 = arith.constant 16 : i32
        %mul3A_276 = arith.muli %add3A_274, %mul3A_275 : i32
        %get3A_277 = arith.index_cast %mul3A_276 : i32 to index
        %get3A_278 = tpu.vector_load %arg9[%get3A_277] {strides = array<i32>} : memref<23040xf32, #tpu.memory_space<vmem>>, vector<16xf32>,
        %max3A_279 = arith.maximumf %max3A_269, %get3A_278 : vector<16xf32>
        %add3A_280 = arith.addf %add3A_270, %get3A_278 : vector<16xf32>
        %mul3A_281 = arith.constant 45 : i32
        %mul3A_282 = arith.muli %scan3A_60, %mul3A_281 : i32
        %add3A_283 = arith.constant 22 : i32
        %add3A_284 = arith.addi %mul3A_282, %add3A_283 : i32
        %mul3A_285 = arith.constant 16 : i32
        %mul3A_286 = arith.muli %add3A_284, %mul3A_285 : i32
        %get3A_287 = arith.index_cast %mul3A_286 : i32 to index
        %get3A_288 = tpu.vector_load %arg9[%get3A_287] {strides = array<i32>} : memref<23040xf32, #tpu.memory_space<vmem>>, vector<16xf32>,
        %max3A_289 = arith.maximumf %max3A_279, %get3A_288 : vector<16xf32>
        %add3A_290 = arith.addf %add3A_280, %get3A_288 : vector<16xf32>
        %mul3A_291 = arith.constant 45 : i32
        %mul3A_292 = arith.muli %scan3A_60, %mul3A_291 : i32
        %add3A_293 = arith.constant 23 : i32
        %add3A_294 = arith.addi %mul3A_292, %add3A_293 : i32
        %mul3A_295 = arith.constant 16 : i32
        %mul3A_296 = arith.muli %add3A_294, %mul3A_295 : i32
        %get3A_297 = arith.index_cast %mul3A_296 : i32 to index
        %get3A_298 = tpu.vector_load %arg9[%get3A_297] {strides = array<i32>} : memref<23040xf32, #tpu.memory_space<vmem>>, vector<16xf32>,
        %max3A_299 = arith.maximumf %max3A_289, %get3A_298 : vector<16xf32>
        %add3A_300 = arith.addf %add3A_290, %get3A_298 : vector<16xf32>
        %mul3A_301 = arith.constant 45 : i32
        %mul3A_302 = arith.muli %scan3A_60, %mul3A_301 : i32
        %add3A_303 = arith.constant 24 : i32
        %add3A_304 = arith.addi %mul3A_302, %add3A_303 : i32
        %mul3A_305 = arith.constant 16 : i32
        %mul3A_306 = arith.muli %add3A_304, %mul3A_305 : i32
        %get3A_307 = arith.index_cast %mul3A_306 : i32 to index
        %get3A_308 = tpu.vector_load %arg9[%get3A_307] {strides = array<i32>} : memref<23040xf32, #tpu.memory_space<vmem>>, vector<16xf32>,
        %max3A_309 = arith.maximumf %max3A_299, %get3A_308 : vector<16xf32>
        %add3A_310 = arith.addf %add3A_300, %get3A_308 : vector<16xf32>
        %mul3A_311 = arith.constant 45 : i32
        %mul3A_312 = arith.muli %scan3A_60, %mul3A_311 : i32
        %add3A_313 = arith.constant 25 : i32
        %add3A_314 = arith.addi %mul3A_312, %add3A_313 : i32
        %mul3A_315 = arith.constant 16 : i32
        %mul3A_316 = arith.muli %add3A_314, %mul3A_315 : i32
        %get3A_317 = arith.index_cast %mul3A_316 : i32 to index
        %get3A_318 = tpu.vector_load %arg9[%get3A_317] {strides = array<i32>} : memref<23040xf32, #tpu.memory_space<vmem>>, vector<16xf32>,
        %max3A_319 = arith.maximumf %max3A_309, %get3A_318 : vector<16xf32>
        %add3A_320 = arith.addf %add3A_310, %get3A_318 : vector<16xf32>
        %mul3A_321 = arith.constant 45 : i32
        %mul3A_322 = arith.muli %scan3A_60, %mul3A_321 : i32
        %add3A_323 = arith.constant 26 : i32
        %add3A_324 = arith.addi %mul3A_322, %add3A_323 : i32
        %mul3A_325 = arith.constant 16 : i32
        %mul3A_326 = arith.muli %add3A_324, %mul3A_325 : i32
        %get3A_327 = arith.index_cast %mul3A_326 : i32 to index
        %get3A_328 = tpu.vector_load %arg9[%get3A_327] {strides = array<i32>} : memref<23040xf32, #tpu.memory_space<vmem>>, vector<16xf32>,
        %max3A_329 = arith.maximumf %max3A_319, %get3A_328 : vector<16xf32>
        %add3A_330 = arith.addf %add3A_320, %get3A_328 : vector<16xf32>
        %mul3A_331 = arith.constant 45 : i32
        %mul3A_332 = arith.muli %scan3A_60, %mul3A_331 : i32
        %add3A_333 = arith.constant 27 : i32
        %add3A_334 = arith.addi %mul3A_332, %add3A_333 : i32
        %mul3A_335 = arith.constant 16 : i32
        %mul3A_336 = arith.muli %add3A_334, %mul3A_335 : i32
        %get3A_337 = arith.index_cast %mul3A_336 : i32 to index
        %get3A_338 = tpu.vector_load %arg9[%get3A_337] {strides = array<i32>} : memref<23040xf32, #tpu.memory_space<vmem>>, vector<16xf32>,
        %max3A_339 = arith.maximumf %max3A_329, %get3A_338 : vector<16xf32>
        %add3A_340 = arith.addf %add3A_330, %get3A_338 : vector<16xf32>
        %mul3A_341 = arith.constant 45 : i32
        %mul3A_342 = arith.muli %scan3A_60, %mul3A_341 : i32
        %add3A_343 = arith.constant 28 : i32
        %add3A_344 = arith.addi %mul3A_342, %add3A_343 : i32
        %mul3A_345 = arith.constant 16 : i32
        %mul3A_346 = arith.muli %add3A_344, %mul3A_345 : i32
        %get3A_347 = arith.index_cast %mul3A_346 : i32 to index
        %get3A_348 = tpu.vector_load %arg9[%get3A_347] {strides = array<i32>} : memref<23040xf32, #tpu.memory_space<vmem>>, vector<16xf32>,
        %max3A_349 = arith.maximumf %max3A_339, %get3A_348 : vector<16xf32>
        %add3A_350 = arith.addf %add3A_340, %get3A_348 : vector<16xf32>
        %mul3A_351 = arith.constant 45 : i32
        %mul3A_352 = arith.muli %scan3A_60, %mul3A_351 : i32
        %add3A_353 = arith.constant 29 : i32
        %add3A_354 = arith.addi %mul3A_352, %add3A_353 : i32
        %mul3A_355 = arith.constant 16 : i32
        %mul3A_356 = arith.muli %add3A_354, %mul3A_355 : i32
        %get3A_357 = arith.index_cast %mul3A_356 : i32 to index
        %get3A_358 = tpu.vector_load %arg9[%get3A_357] {strides = array<i32>} : memref<23040xf32, #tpu.memory_space<vmem>>, vector<16xf32>,
        %max3A_359 = arith.maximumf %max3A_349, %get3A_358 : vector<16xf32>
        %add3A_360 = arith.addf %add3A_350, %get3A_358 : vector<16xf32>
        %mul3A_361 = arith.constant 45 : i32
        %mul3A_362 = arith.muli %scan3A_60, %mul3A_361 : i32
        %add3A_363 = arith.constant 30 : i32
        %add3A_364 = arith.addi %mul3A_362, %add3A_363 : i32
        %mul3A_365 = arith.constant 16 : i32
        %mul3A_366 = arith.muli %add3A_364, %mul3A_365 : i32
        %get3A_367 = arith.index_cast %mul3A_366 : i32 to index
        %get3A_368 = tpu.vector_load %arg9[%get3A_367] {strides = array<i32>} : memref<23040xf32, #tpu.memory_space<vmem>>, vector<16xf32>,
        %max3A_369 = arith.maximumf %max3A_359, %get3A_368 : vector<16xf32>
        %add3A_370 = arith.addf %add3A_360, %get3A_368 : vector<16xf32>
        %mul3A_371 = arith.constant 45 : i32
        %mul3A_372 = arith.muli %scan3A_60, %mul3A_371 : i32
        %add3A_373 = arith.constant 31 : i32
        %add3A_374 = arith.addi %mul3A_372, %add3A_373 : i32
        %mul3A_375 = arith.constant 16 : i32
        %mul3A_376 = arith.muli %add3A_374, %mul3A_375 : i32
        %get3A_377 = arith.index_cast %mul3A_376 : i32 to index
        %get3A_378 = tpu.vector_load %arg9[%get3A_377] {strides = array<i32>} : memref<23040xf32, #tpu.memory_space<vmem>>, vector<16xf32>,
        %max3A_379 = arith.maximumf %max3A_369, %get3A_378 : vector<16xf32>
        %add3A_380 = arith.addf %add3A_370, %get3A_378 : vector<16xf32>
        %mul3A_381 = arith.constant 45 : i32
        %mul3A_382 = arith.muli %scan3A_60, %mul3A_381 : i32
        %add3A_383 = arith.constant 32 : i32
        %add3A_384 = arith.addi %mul3A_382, %add3A_383 : i32
        %mul3A_385 = arith.constant 16 : i32
        %mul3A_386 = arith.muli %add3A_384, %mul3A_385 : i32
        %get3A_387 = arith.index_cast %mul3A_386 : i32 to index
        %get3A_388 = tpu.vector_load %arg9[%get3A_387] {strides = array<i32>} : memref<23040xf32, #tpu.memory_space<vmem>>, vector<16xf32>,
        %max3A_389 = arith.maximumf %max3A_379, %get3A_388 : vector<16xf32>
        %add3A_390 = arith.addf %add3A_380, %get3A_388 : vector<16xf32>
        %mul3A_391 = arith.constant 45 : i32
        %mul3A_392 = arith.muli %scan3A_60, %mul3A_391 : i32
        %add3A_393 = arith.constant 33 : i32
        %add3A_394 = arith.addi %mul3A_392, %add3A_393 : i32
        %mul3A_395 = arith.constant 16 : i32
        %mul3A_396 = arith.muli %add3A_394, %mul3A_395 : i32
        %get3A_397 = arith.index_cast %mul3A_396 : i32 to index
        %get3A_398 = tpu.vector_load %arg9[%get3A_397] {strides = array<i32>} : memref<23040xf32, #tpu.memory_space<vmem>>, vector<16xf32>,
        %max3A_399 = arith.maximumf %max3A_389, %get3A_398 : vector<16xf32>
        %add3A_400 = arith.addf %add3A_390, %get3A_398 : vector<16xf32>
        %mul3A_401 = arith.constant 45 : i32
        %mul3A_402 = arith.muli %scan3A_60, %mul3A_401 : i32
        %add3A_403 = arith.constant 34 : i32
        %add3A_404 = arith.addi %mul3A_402, %add3A_403 : i32
        %mul3A_405 = arith.constant 16 : i32
        %mul3A_406 = arith.muli %add3A_404, %mul3A_405 : i32
        %get3A_407 = arith.index_cast %mul3A_406 : i32 to index
        %get3A_408 = tpu.vector_load %arg9[%get3A_407] {strides = array<i32>} : memref<23040xf32, #tpu.memory_space<vmem>>, vector<16xf32>,
        %max3A_409 = arith.maximumf %max3A_399, %get3A_408 : vector<16xf32>
        %add3A_410 = arith.addf %add3A_400, %get3A_408 : vector<16xf32>
        %mul3A_411 = arith.constant 45 : i32
        %mul3A_412 = arith.muli %scan3A_60, %mul3A_411 : i32
        %add3A_413 = arith.constant 35 : i32
        %add3A_414 = arith.addi %mul3A_412, %add3A_413 : i32
        %mul3A_415 = arith.constant 16 : i32
        %mul3A_416 = arith.muli %add3A_414, %mul3A_415 : i32
        %get3A_417 = arith.index_cast %mul3A_416 : i32 to index
        %get3A_418 = tpu.vector_load %arg9[%get3A_417] {strides = array<i32>} : memref<23040xf32, #tpu.memory_space<vmem>>, vector<16xf32>,
        %max3A_419 = arith.maximumf %max3A_409, %get3A_418 : vector<16xf32>
        %add3A_420 = arith.addf %add3A_410, %get3A_418 : vector<16xf32>
        %mul3A_421 = arith.constant 45 : i32
        %mul3A_422 = arith.muli %scan3A_60, %mul3A_421 : i32
        %add3A_423 = arith.constant 36 : i32
        %add3A_424 = arith.addi %mul3A_422, %add3A_423 : i32
        %mul3A_425 = arith.constant 16 : i32
        %mul3A_426 = arith.muli %add3A_424, %mul3A_425 : i32
        %get3A_427 = arith.index_cast %mul3A_426 : i32 to index
        %get3A_428 = tpu.vector_load %arg9[%get3A_427] {strides = array<i32>} : memref<23040xf32, #tpu.memory_space<vmem>>, vector<16xf32>,
        %max3A_429 = arith.maximumf %max3A_419, %get3A_428 : vector<16xf32>
        %add3A_430 = arith.addf %add3A_420, %get3A_428 : vector<16xf32>
        %mul3A_431 = arith.constant 45 : i32
        %mul3A_432 = arith.muli %scan3A_60, %mul3A_431 : i32
        %add3A_433 = arith.constant 37 : i32
        %add3A_434 = arith.addi %mul3A_432, %add3A_433 : i32
        %mul3A_435 = arith.constant 16 : i32
        %mul3A_436 = arith.muli %add3A_434, %mul3A_435 : i32
        %get3A_437 = arith.index_cast %mul3A_436 : i32 to index
        %get3A_438 = tpu.vector_load %arg9[%get3A_437] {strides = array<i32>} : memref<23040xf32, #tpu.memory_space<vmem>>, vector<16xf32>,
        %max3A_439 = arith.maximumf %max3A_429, %get3A_438 : vector<16xf32>
        %add3A_440 = arith.addf %add3A_430, %get3A_438 : vector<16xf32>
        %mul3A_441 = arith.constant 45 : i32
        %mul3A_442 = arith.muli %scan3A_60, %mul3A_441 : i32
        %add3A_443 = arith.constant 38 : i32
        %add3A_444 = arith.addi %mul3A_442, %add3A_443 : i32
        %mul3A_445 = arith.constant 16 : i32
        %mul3A_446 = arith.muli %add3A_444, %mul3A_445 : i32
        %get3A_447 = arith.index_cast %mul3A_446 : i32 to index
        %get3A_448 = tpu.vector_load %arg9[%get3A_447] {strides = array<i32>} : memref<23040xf32, #tpu.memory_space<vmem>>, vector<16xf32>,
        %max3A_449 = arith.maximumf %max3A_439, %get3A_448 : vector<16xf32>
        %add3A_450 = arith.addf %add3A_440, %get3A_448 : vector<16xf32>
        %mul3A_451 = arith.constant 45 : i32
        %mul3A_452 = arith.muli %scan3A_60, %mul3A_451 : i32
        %add3A_453 = arith.constant 39 : i32
        %add3A_454 = arith.addi %mul3A_452, %add3A_453 : i32
        %mul3A_455 = arith.constant 16 : i32
        %mul3A_456 = arith.muli %add3A_454, %mul3A_455 : i32
        %get3A_457 = arith.index_cast %mul3A_456 : i32 to index
        %get3A_458 = tpu.vector_load %arg9[%get3A_457] {strides = array<i32>} : memref<23040xf32, #tpu.memory_space<vmem>>, vector<16xf32>,
        %max3A_459 = arith.maximumf %max3A_449, %get3A_458 : vector<16xf32>
        %add3A_460 = arith.addf %add3A_450, %get3A_458 : vector<16xf32>
        %mul3A_461 = arith.constant 45 : i32
        %mul3A_462 = arith.muli %scan3A_60, %mul3A_461 : i32
        %add3A_463 = arith.constant 40 : i32
        %add3A_464 = arith.addi %mul3A_462, %add3A_463 : i32
        %mul3A_465 = arith.constant 16 : i32
        %mul3A_466 = arith.muli %add3A_464, %mul3A_465 : i32
        %get3A_467 = arith.index_cast %mul3A_466 : i32 to index
        %get3A_468 = tpu.vector_load %arg9[%get3A_467] {strides = array<i32>} : memref<23040xf32, #tpu.memory_space<vmem>>, vector<16xf32>,
        %max3A_469 = arith.maximumf %max3A_459, %get3A_468 : vector<16xf32>
        %add3A_470 = arith.addf %add3A_460, %get3A_468 : vector<16xf32>
        %mul3A_471 = arith.constant 45 : i32
        %mul3A_472 = arith.muli %scan3A_60, %mul3A_471 : i32
        %add3A_473 = arith.constant 41 : i32
        %add3A_474 = arith.addi %mul3A_472, %add3A_473 : i32
        %mul3A_475 = arith.constant 16 : i32
        %mul3A_476 = arith.muli %add3A_474, %mul3A_475 : i32
        %get3A_477 = arith.index_cast %mul3A_476 : i32 to index
        %get3A_478 = tpu.vector_load %arg9[%get3A_477] {strides = array<i32>} : memref<23040xf32, #tpu.memory_space<vmem>>, vector<16xf32>,
        %max3A_479 = arith.maximumf %max3A_469, %get3A_478 : vector<16xf32>
        %add3A_480 = arith.addf %add3A_470, %get3A_478 : vector<16xf32>
        %mul3A_481 = arith.constant 45 : i32
        %mul3A_482 = arith.muli %scan3A_60, %mul3A_481 : i32
        %add3A_483 = arith.constant 42 : i32
        %add3A_484 = arith.addi %mul3A_482, %add3A_483 : i32
        %mul3A_485 = arith.constant 16 : i32
        %mul3A_486 = arith.muli %add3A_484, %mul3A_485 : i32
        %get3A_487 = arith.index_cast %mul3A_486 : i32 to index
        %get3A_488 = tpu.vector_load %arg9[%get3A_487] {strides = array<i32>} : memref<23040xf32, #tpu.memory_space<vmem>>, vector<16xf32>,
        %max3A_489 = arith.maximumf %max3A_479, %get3A_488 : vector<16xf32>
        %add3A_490 = arith.addf %add3A_480, %get3A_488 : vector<16xf32>
        %mul3A_491 = arith.constant 45 : i32
        %mul3A_492 = arith.muli %scan3A_60, %mul3A_491 : i32
        %add3A_493 = arith.constant 43 : i32
        %add3A_494 = arith.addi %mul3A_492, %add3A_493 : i32
        %mul3A_495 = arith.constant 16 : i32
        %mul3A_496 = arith.muli %add3A_494, %mul3A_495 : i32
        %get3A_497 = arith.index_cast %mul3A_496 : i32 to index
        %get3A_498 = tpu.vector_load %arg9[%get3A_497] {strides = array<i32>} : memref<23040xf32, #tpu.memory_space<vmem>>, vector<16xf32>,
        %max3A_499 = arith.maximumf %max3A_489, %get3A_498 : vector<16xf32>
        %add3A_500 = arith.addf %add3A_490, %get3A_498 : vector<16xf32>
        %mul3A_501 = arith.constant 45 : i32
        %mul3A_502 = arith.muli %scan3A_60, %mul3A_501 : i32
        %add3A_503 = arith.constant 44 : i32
        %add3A_504 = arith.addi %mul3A_502, %add3A_503 : i32
        %mul3A_505 = arith.constant 16 : i32
        %mul3A_506 = arith.muli %add3A_504, %mul3A_505 : i32
        %get3A_507 = arith.index_cast %mul3A_506 : i32 to index
        %get3A_508 = tpu.vector_load %arg9[%get3A_507] {strides = array<i32>} : memref<23040xf32, #tpu.memory_space<vmem>>, vector<16xf32>,
        %max3A_509 = arith.maximumf %max3A_499, %get3A_508 : vector<16xf32>
        %add3A_510 = arith.addf %add3A_500, %get3A_508 : vector<16xf32>
        %mul3A_511 = arith.constant 0.0222222228 : f32
        %mul3A_512 = vector.broadcast %mul3A_511 : f32 to vector<16xf32>
        %mul3A_513 = arith.mulf %add3A_510, %mul3A_512 : vector<16xf32>
        %sub3A_514 = arith.subf %max3A_509, %mul3A_513 : vector<16xf32>
        %mul3A_515 = arith.constant 16 : i32
        %mul3A_516 = arith.muli %scan3A_60, %mul3A_515 : i32
        %swap3A = arith.index_cast %mul3A_516 : i32 to index
        %swap3A_517 = tpu.vector_load %arg10[%swap3A] {strides = array<i32>} : memref<512xf32, #tpu.memory_space<vmem>>, vector<16xf32>,
        tpu.vector_store %arg10[%swap3A], %sub3A_514 {strides = array<i32>} : memref<512xf32, #tpu.memory_space<vmem>>, vector<16xf32>,
      }
      %scan3A_59 = arith.constant 32 : i32
      "tpu.region"() ({
        %run_scoped3A = tpu.sem_alloc : memref<!tpu.dma_semaphore, #tpu.memory_space<semaphore_mem>>
        %dma_start3A = tpu.memref_slice %arg5[%select_n3A, %mul3A_41] : memref<12x4096xf32, #tpu.memory_space<hbm>> -> memref<1x512xf32, #tpu.memory_space<hbm>>
        %dma_start3A_60 = tpu.memref_squeeze %dma_start3A : memref<1x512xf32, #tpu.memory_space<hbm>> -> memref<512xf32, #tpu.memory_space<hbm>>
        %dma_start3A_61 = tpu.memref_slice %arg5[%select_n3A, %mul3A_41] : memref<12x4096xf32, #tpu.memory_space<hbm>> -> memref<1x512xf32, #tpu.memory_space<hbm>>
        %dma_start3A_62 = tpu.memref_squeeze %dma_start3A_61 : memref<1x512xf32, #tpu.memory_space<hbm>> -> memref<512xf32, #tpu.memory_space<hbm>>
        tpu.enqueue_dma source(%arg10 : memref<512xf32, #tpu.memory_space<vmem>>) target(%dma_start3A_62 : memref<512xf32, #tpu.memory_space<hbm>>) target_semaphore(%run_scoped3A : memref<!tpu.dma_semaphore, #tpu.memory_space<semaphore_mem>>)
        %dma_wait3A = tpu.memref_slice %arg5[%select_n3A, %mul3A_41] : memref<12x4096xf32, #tpu.memory_space<hbm>> -> memref<1x512xf32, #tpu.memory_space<hbm>>
        %dma_wait3A_63 = tpu.memref_squeeze %dma_wait3A : memref<1x512xf32, #tpu.memory_space<hbm>> -> memref<512xf32, #tpu.memory_space<hbm>>
        %dma_wait3A_64 = tpu.memref_slice %arg5[%select_n3A, %mul3A_41] : memref<12x4096xf32, #tpu.memory_space<hbm>> -> memref<1x512xf32, #tpu.memory_space<hbm>>
        %dma_wait3A_65 = tpu.memref_squeeze %dma_wait3A_64 : memref<1x512xf32, #tpu.memory_space<hbm>> -> memref<512xf32, #tpu.memory_space<hbm>>
        tpu.wait_dma2 semaphore(%run_scoped3A : memref<!tpu.dma_semaphore, #tpu.memory_space<semaphore_mem>>) src(%arg10 : memref<512xf32, #tpu.memory_space<vmem>>) dst(%dma_wait3A_65 : memref<512xf32, #tpu.memory_space<hbm>>)
        tpu.yield
      }) : () -> ()
    }
    %scan3A_5 = arith.constant 3 : i32
    return
  }
}

module attributes {stable_mosaic.version = 14 : i64} {
  func.func @_proj_body(%arg0: i32, %arg1: memref<512x768xf32, #tpu.memory_space<vmem>>, %arg2: memref<768x768xf32, #tpu.memory_space<vmem>>, %arg3: memref<768x768xf32, #tpu.memory_space<vmem>>, %arg4: memref<768x768xf32, #tpu.memory_space<vmem>>, %arg5: memref<12x512x64xf32, #tpu.memory_space<vmem>>, %arg6: memref<12x512x64xf32, #tpu.memory_space<vmem>>, %arg7: memref<1x12x64x512xf32, #tpu.memory_space<vmem>>, %arg8: memref<12x64x512xf32, #tpu.memory_space<vmem>>) attributes {dimension_semantics = [#tpu.dimension_semantics<arbitrary>], iteration_bounds = array<i64: 8>, scalar_prefetch = 0 : i64, scratch_operands = 0 : i64, tpu.core_type = #tpu.core_type<tc>, window_params = [{transform_indices = @transform_0, window_bounds = array<i64: 512, 768>}, {pipeline_mode = #tpu.pipeline_mode<synchronous>, transform_indices = @transform_1, window_bounds = array<i64: 768, 768>}, {pipeline_mode = #tpu.pipeline_mode<synchronous>, transform_indices = @transform_2, window_bounds = array<i64: 768, 768>}, {pipeline_mode = #tpu.pipeline_mode<synchronous>, transform_indices = @transform_3, window_bounds = array<i64: 768, 768>}, {transform_indices = @transform_4, window_bounds = array<i64: 12, 512, 64>}, {transform_indices = @transform_5, window_bounds = array<i64: 12, 512, 64>}, {transform_indices = @transform_6, window_bounds = array<i64: 1, 12, 64, 512>}, {transform_indices = @transform_7, window_bounds = array<i64: 12, 64, 512>}]} {
    %get3A = arith.constant 0 : index
    %get3A_0 = arith.constant 0 : index
    %get3A_1 = vector.load %arg1[%get3A, %get3A_0] : memref<512x768xf32, #tpu.memory_space<vmem>>, vector<512x768xf32>
    %get3A_2 = arith.constant 0 : index
    %get3A_3 = arith.constant 0 : index
    %get3A_4 = vector.load %arg2[%get3A_2, %get3A_3] : memref<768x768xf32, #tpu.memory_space<vmem>>, vector<768x768xf32>
    %dot_general3A = arith.constant dense<0.000000e+00> : vector<512x768xf32>
    %dot_general3A_5 = tpu.matmul %get3A_1, %get3A_4, %dot_general3A {dimension_numbers = #tpu.dot_dimension_numbers<[1], [0], [0], [1], [0, 0, 1, 1], [], []>, transpose_lhs_hint = false} : vector<512x768xf32>, vector<768x768xf32>, vector<512x768xf32> -> vector<512x768xf32>
    %get3A_6 = arith.constant 0 : index
    %get3A_7 = arith.constant 0 : index
    %get3A_8 = vector.load %arg3[%get3A_6, %get3A_7] : memref<768x768xf32, #tpu.memory_space<vmem>>, vector<768x768xf32>
    %dot_general3A_9 = arith.constant dense<0.000000e+00> : vector<512x768xf32>
    %dot_general3A_10 = tpu.matmul %get3A_1, %get3A_8, %dot_general3A_9 {dimension_numbers = #tpu.dot_dimension_numbers<[1], [0], [0], [1], [0, 0, 1, 1], [], []>, transpose_lhs_hint = false} : vector<512x768xf32>, vector<768x768xf32>, vector<512x768xf32> -> vector<512x768xf32>
    %convert_element_type3A = arith.truncf %get3A_1 : vector<512x768xf32> to vector<512x768xbf16>
    %get3A_11 = arith.constant 0 : index
    %get3A_12 = arith.constant 0 : index
    %get3A_13 = vector.load %arg4[%get3A_11, %get3A_12] : memref<768x768xf32, #tpu.memory_space<vmem>>, vector<768x768xf32>
    %convert_element_type3A_14 = arith.truncf %get3A_13 : vector<768x768xf32> to vector<768x768xbf16>
    %dot_general3A_15 = arith.constant dense<0.000000e+00> : vector<512x768xf32>
    %dot_general3A_16 = tpu.matmul %convert_element_type3A, %convert_element_type3A_14, %dot_general3A_15 {dimension_numbers = #tpu.dot_dimension_numbers<[1], [0], [0], [1], [0, 0, 1, 1], [], []>, transpose_lhs_hint = false} : vector<512x768xbf16>, vector<768x768xbf16>, vector<512x768xf32> -> vector<512x768xf32>
    %slice3A = vector.extract_strided_slice %dot_general3A_5 {offsets = [0, 0], sizes = [512, 64], strides = [1, 1]} : vector<512x768xf32> to vector<512x64xf32>
    %swap3A = arith.constant 0 : index
    %swap3A_17 = arith.constant 0 : index
    %swap3A_18 = arith.constant 0 : index
    %swap3A_19 = vector.load %arg5[%swap3A, %swap3A_17, %swap3A_18] : memref<12x512x64xf32, #tpu.memory_space<vmem>>, vector<1x512x64xf32>
    %swap3A_20 = vector.shape_cast %swap3A_19 : vector<1x512x64xf32> to vector<512x64xf32>
    %swap3A_21 = vector.shape_cast %slice3A : vector<512x64xf32> to vector<1x512x64xf32>
    tpu.vector_store %arg5[%swap3A, %swap3A_17, %swap3A_18], %swap3A_21 {strides = array<i32>} : memref<12x512x64xf32, #tpu.memory_space<vmem>>, vector<1x512x64xf32>,
    %slice3A_22 = vector.extract_strided_slice %dot_general3A_16 {offsets = [0, 0], sizes = [512, 64], strides = [1, 1]} : vector<512x768xf32> to vector<512x64xf32>
    %swap3A_23 = arith.constant 0 : index
    %swap3A_24 = arith.constant 0 : index
    %swap3A_25 = arith.constant 0 : index
    %swap3A_26 = vector.load %arg6[%swap3A_23, %swap3A_24, %swap3A_25] : memref<12x512x64xf32, #tpu.memory_space<vmem>>, vector<1x512x64xf32>
    %swap3A_27 = vector.shape_cast %swap3A_26 : vector<1x512x64xf32> to vector<512x64xf32>
    %swap3A_28 = vector.shape_cast %slice3A_22 : vector<512x64xf32> to vector<1x512x64xf32>
    tpu.vector_store %arg6[%swap3A_23, %swap3A_24, %swap3A_25], %swap3A_28 {strides = array<i32>} : memref<12x512x64xf32, #tpu.memory_space<vmem>>, vector<1x512x64xf32>,
    %transpose3A = tpu.transpose %slice3A, [1, 0] : vector<512x64xf32> -> vector<64x512xf32>
    %swap3A_29 = arith.constant 0 : index
    %swap3A_30 = arith.constant 0 : index
    %swap3A_31 = arith.constant 0 : index
    %swap3A_32 = arith.constant 0 : index
    %swap3A_33 = vector.load %arg7[%swap3A_29, %swap3A_30, %swap3A_31, %swap3A_32] : memref<1x12x64x512xf32, #tpu.memory_space<vmem>>, vector<1x1x64x512xf32>
    %swap3A_34 = vector.shape_cast %swap3A_33 : vector<1x1x64x512xf32> to vector<64x512xf32>
    %swap3A_35 = vector.shape_cast %transpose3A : vector<64x512xf32> to vector<1x1x64x512xf32>
    tpu.vector_store %arg7[%swap3A_29, %swap3A_30, %swap3A_31, %swap3A_32], %swap3A_35 {strides = array<i32>} : memref<1x12x64x512xf32, #tpu.memory_space<vmem>>, vector<1x1x64x512xf32>,
    %slice3A_36 = vector.extract_strided_slice %dot_general3A_10 {offsets = [0, 0], sizes = [512, 64], strides = [1, 1]} : vector<512x768xf32> to vector<512x64xf32>
    %transpose3A_37 = tpu.transpose %slice3A_36, [1, 0] : vector<512x64xf32> -> vector<64x512xf32>
    %swap3A_38 = arith.constant 0 : index
    %swap3A_39 = arith.constant 0 : index
    %swap3A_40 = arith.constant 0 : index
    %swap3A_41 = vector.load %arg8[%swap3A_38, %swap3A_39, %swap3A_40] : memref<12x64x512xf32, #tpu.memory_space<vmem>>, vector<1x64x512xf32>
    %swap3A_42 = vector.shape_cast %swap3A_41 : vector<1x64x512xf32> to vector<64x512xf32>
    %swap3A_43 = vector.shape_cast %transpose3A_37 : vector<64x512xf32> to vector<1x64x512xf32>
    tpu.vector_store %arg8[%swap3A_38, %swap3A_39, %swap3A_40], %swap3A_43 {strides = array<i32>} : memref<12x64x512xf32, #tpu.memory_space<vmem>>, vector<1x64x512xf32>,
    %slice3A_44 = vector.extract_strided_slice %dot_general3A_5 {offsets = [0, 64], sizes = [512, 64], strides = [1, 1]} : vector<512x768xf32> to vector<512x64xf32>
    %swap3A_45 = arith.constant 1 : index
    %swap3A_46 = arith.constant 0 : index
    %swap3A_47 = arith.constant 0 : index
    %swap3A_48 = vector.load %arg5[%swap3A_45, %swap3A_46, %swap3A_47] : memref<12x512x64xf32, #tpu.memory_space<vmem>>, vector<1x512x64xf32>
    %swap3A_49 = vector.shape_cast %swap3A_48 : vector<1x512x64xf32> to vector<512x64xf32>
    %swap3A_50 = vector.shape_cast %slice3A_44 : vector<512x64xf32> to vector<1x512x64xf32>
    tpu.vector_store %arg5[%swap3A_45, %swap3A_46, %swap3A_47], %swap3A_50 {strides = array<i32>} : memref<12x512x64xf32, #tpu.memory_space<vmem>>, vector<1x512x64xf32>,
    %slice3A_51 = vector.extract_strided_slice %dot_general3A_16 {offsets = [0, 64], sizes = [512, 64], strides = [1, 1]} : vector<512x768xf32> to vector<512x64xf32>
    %swap3A_52 = arith.constant 1 : index
    %swap3A_53 = arith.constant 0 : index
    %swap3A_54 = arith.constant 0 : index
    %swap3A_55 = vector.load %arg6[%swap3A_52, %swap3A_53, %swap3A_54] : memref<12x512x64xf32, #tpu.memory_space<vmem>>, vector<1x512x64xf32>
    %swap3A_56 = vector.shape_cast %swap3A_55 : vector<1x512x64xf32> to vector<512x64xf32>
    %swap3A_57 = vector.shape_cast %slice3A_51 : vector<512x64xf32> to vector<1x512x64xf32>
    tpu.vector_store %arg6[%swap3A_52, %swap3A_53, %swap3A_54], %swap3A_57 {strides = array<i32>} : memref<12x512x64xf32, #tpu.memory_space<vmem>>, vector<1x512x64xf32>,
    %transpose3A_58 = tpu.transpose %slice3A_44, [1, 0] : vector<512x64xf32> -> vector<64x512xf32>
    %swap3A_59 = arith.constant 0 : index
    %swap3A_60 = arith.constant 1 : index
    %swap3A_61 = arith.constant 0 : index
    %swap3A_62 = arith.constant 0 : index
    %swap3A_63 = vector.load %arg7[%swap3A_59, %swap3A_60, %swap3A_61, %swap3A_62] : memref<1x12x64x512xf32, #tpu.memory_space<vmem>>, vector<1x1x64x512xf32>
    %swap3A_64 = vector.shape_cast %swap3A_63 : vector<1x1x64x512xf32> to vector<64x512xf32>
    %swap3A_65 = vector.shape_cast %transpose3A_58 : vector<64x512xf32> to vector<1x1x64x512xf32>
    tpu.vector_store %arg7[%swap3A_59, %swap3A_60, %swap3A_61, %swap3A_62], %swap3A_65 {strides = array<i32>} : memref<1x12x64x512xf32, #tpu.memory_space<vmem>>, vector<1x1x64x512xf32>,
    %slice3A_66 = vector.extract_strided_slice %dot_general3A_10 {offsets = [0, 64], sizes = [512, 64], strides = [1, 1]} : vector<512x768xf32> to vector<512x64xf32>
    %transpose3A_67 = tpu.transpose %slice3A_66, [1, 0] : vector<512x64xf32> -> vector<64x512xf32>
    %swap3A_68 = arith.constant 1 : index
    %swap3A_69 = arith.constant 0 : index
    %swap3A_70 = arith.constant 0 : index
    %swap3A_71 = vector.load %arg8[%swap3A_68, %swap3A_69, %swap3A_70] : memref<12x64x512xf32, #tpu.memory_space<vmem>>, vector<1x64x512xf32>
    %swap3A_72 = vector.shape_cast %swap3A_71 : vector<1x64x512xf32> to vector<64x512xf32>
    %swap3A_73 = vector.shape_cast %transpose3A_67 : vector<64x512xf32> to vector<1x64x512xf32>
    tpu.vector_store %arg8[%swap3A_68, %swap3A_69, %swap3A_70], %swap3A_73 {strides = array<i32>} : memref<12x64x512xf32, #tpu.memory_space<vmem>>, vector<1x64x512xf32>,
    %slice3A_74 = vector.extract_strided_slice %dot_general3A_5 {offsets = [0, 128], sizes = [512, 64], strides = [1, 1]} : vector<512x768xf32> to vector<512x64xf32>
    %swap3A_75 = arith.constant 2 : index
    %swap3A_76 = arith.constant 0 : index
    %swap3A_77 = arith.constant 0 : index
    %swap3A_78 = vector.load %arg5[%swap3A_75, %swap3A_76, %swap3A_77] : memref<12x512x64xf32, #tpu.memory_space<vmem>>, vector<1x512x64xf32>
    %swap3A_79 = vector.shape_cast %swap3A_78 : vector<1x512x64xf32> to vector<512x64xf32>
    %swap3A_80 = vector.shape_cast %slice3A_74 : vector<512x64xf32> to vector<1x512x64xf32>
    tpu.vector_store %arg5[%swap3A_75, %swap3A_76, %swap3A_77], %swap3A_80 {strides = array<i32>} : memref<12x512x64xf32, #tpu.memory_space<vmem>>, vector<1x512x64xf32>,
    %slice3A_81 = vector.extract_strided_slice %dot_general3A_16 {offsets = [0, 128], sizes = [512, 64], strides = [1, 1]} : vector<512x768xf32> to vector<512x64xf32>
    %swap3A_82 = arith.constant 2 : index
    %swap3A_83 = arith.constant 0 : index
    %swap3A_84 = arith.constant 0 : index
    %swap3A_85 = vector.load %arg6[%swap3A_82, %swap3A_83, %swap3A_84] : memref<12x512x64xf32, #tpu.memory_space<vmem>>, vector<1x512x64xf32>
    %swap3A_86 = vector.shape_cast %swap3A_85 : vector<1x512x64xf32> to vector<512x64xf32>
    %swap3A_87 = vector.shape_cast %slice3A_81 : vector<512x64xf32> to vector<1x512x64xf32>
    tpu.vector_store %arg6[%swap3A_82, %swap3A_83, %swap3A_84], %swap3A_87 {strides = array<i32>} : memref<12x512x64xf32, #tpu.memory_space<vmem>>, vector<1x512x64xf32>,
    %transpose3A_88 = tpu.transpose %slice3A_74, [1, 0] : vector<512x64xf32> -> vector<64x512xf32>
    %swap3A_89 = arith.constant 0 : index
    %swap3A_90 = arith.constant 2 : index
    %swap3A_91 = arith.constant 0 : index
    %swap3A_92 = arith.constant 0 : index
    %swap3A_93 = vector.load %arg7[%swap3A_89, %swap3A_90, %swap3A_91, %swap3A_92] : memref<1x12x64x512xf32, #tpu.memory_space<vmem>>, vector<1x1x64x512xf32>
    %swap3A_94 = vector.shape_cast %swap3A_93 : vector<1x1x64x512xf32> to vector<64x512xf32>
    %swap3A_95 = vector.shape_cast %transpose3A_88 : vector<64x512xf32> to vector<1x1x64x512xf32>
    tpu.vector_store %arg7[%swap3A_89, %swap3A_90, %swap3A_91, %swap3A_92], %swap3A_95 {strides = array<i32>} : memref<1x12x64x512xf32, #tpu.memory_space<vmem>>, vector<1x1x64x512xf32>,
    %slice3A_96 = vector.extract_strided_slice %dot_general3A_10 {offsets = [0, 128], sizes = [512, 64], strides = [1, 1]} : vector<512x768xf32> to vector<512x64xf32>
    %transpose3A_97 = tpu.transpose %slice3A_96, [1, 0] : vector<512x64xf32> -> vector<64x512xf32>
    %swap3A_98 = arith.constant 2 : index
    %swap3A_99 = arith.constant 0 : index
    %swap3A_100 = arith.constant 0 : index
    %swap3A_101 = vector.load %arg8[%swap3A_98, %swap3A_99, %swap3A_100] : memref<12x64x512xf32, #tpu.memory_space<vmem>>, vector<1x64x512xf32>
    %swap3A_102 = vector.shape_cast %swap3A_101 : vector<1x64x512xf32> to vector<64x512xf32>
    %swap3A_103 = vector.shape_cast %transpose3A_97 : vector<64x512xf32> to vector<1x64x512xf32>
    tpu.vector_store %arg8[%swap3A_98, %swap3A_99, %swap3A_100], %swap3A_103 {strides = array<i32>} : memref<12x64x512xf32, #tpu.memory_space<vmem>>, vector<1x64x512xf32>,
    %slice3A_104 = vector.extract_strided_slice %dot_general3A_5 {offsets = [0, 192], sizes = [512, 64], strides = [1, 1]} : vector<512x768xf32> to vector<512x64xf32>
    %swap3A_105 = arith.constant 3 : index
    %swap3A_106 = arith.constant 0 : index
    %swap3A_107 = arith.constant 0 : index
    %swap3A_108 = vector.load %arg5[%swap3A_105, %swap3A_106, %swap3A_107] : memref<12x512x64xf32, #tpu.memory_space<vmem>>, vector<1x512x64xf32>
    %swap3A_109 = vector.shape_cast %swap3A_108 : vector<1x512x64xf32> to vector<512x64xf32>
    %swap3A_110 = vector.shape_cast %slice3A_104 : vector<512x64xf32> to vector<1x512x64xf32>
    tpu.vector_store %arg5[%swap3A_105, %swap3A_106, %swap3A_107], %swap3A_110 {strides = array<i32>} : memref<12x512x64xf32, #tpu.memory_space<vmem>>, vector<1x512x64xf32>,
    %slice3A_111 = vector.extract_strided_slice %dot_general3A_16 {offsets = [0, 192], sizes = [512, 64], strides = [1, 1]} : vector<512x768xf32> to vector<512x64xf32>
    %swap3A_112 = arith.constant 3 : index
    %swap3A_113 = arith.constant 0 : index
    %swap3A_114 = arith.constant 0 : index
    %swap3A_115 = vector.load %arg6[%swap3A_112, %swap3A_113, %swap3A_114] : memref<12x512x64xf32, #tpu.memory_space<vmem>>, vector<1x512x64xf32>
    %swap3A_116 = vector.shape_cast %swap3A_115 : vector<1x512x64xf32> to vector<512x64xf32>
    %swap3A_117 = vector.shape_cast %slice3A_111 : vector<512x64xf32> to vector<1x512x64xf32>
    tpu.vector_store %arg6[%swap3A_112, %swap3A_113, %swap3A_114], %swap3A_117 {strides = array<i32>} : memref<12x512x64xf32, #tpu.memory_space<vmem>>, vector<1x512x64xf32>,
    %transpose3A_118 = tpu.transpose %slice3A_104, [1, 0] : vector<512x64xf32> -> vector<64x512xf32>
    %swap3A_119 = arith.constant 0 : index
    %swap3A_120 = arith.constant 3 : index
    %swap3A_121 = arith.constant 0 : index
    %swap3A_122 = arith.constant 0 : index
    %swap3A_123 = vector.load %arg7[%swap3A_119, %swap3A_120, %swap3A_121, %swap3A_122] : memref<1x12x64x512xf32, #tpu.memory_space<vmem>>, vector<1x1x64x512xf32>
    %swap3A_124 = vector.shape_cast %swap3A_123 : vector<1x1x64x512xf32> to vector<64x512xf32>
    %swap3A_125 = vector.shape_cast %transpose3A_118 : vector<64x512xf32> to vector<1x1x64x512xf32>
    tpu.vector_store %arg7[%swap3A_119, %swap3A_120, %swap3A_121, %swap3A_122], %swap3A_125 {strides = array<i32>} : memref<1x12x64x512xf32, #tpu.memory_space<vmem>>, vector<1x1x64x512xf32>,
    %slice3A_126 = vector.extract_strided_slice %dot_general3A_10 {offsets = [0, 192], sizes = [512, 64], strides = [1, 1]} : vector<512x768xf32> to vector<512x64xf32>
    %transpose3A_127 = tpu.transpose %slice3A_126, [1, 0] : vector<512x64xf32> -> vector<64x512xf32>
    %swap3A_128 = arith.constant 3 : index
    %swap3A_129 = arith.constant 0 : index
    %swap3A_130 = arith.constant 0 : index
    %swap3A_131 = vector.load %arg8[%swap3A_128, %swap3A_129, %swap3A_130] : memref<12x64x512xf32, #tpu.memory_space<vmem>>, vector<1x64x512xf32>
    %swap3A_132 = vector.shape_cast %swap3A_131 : vector<1x64x512xf32> to vector<64x512xf32>
    %swap3A_133 = vector.shape_cast %transpose3A_127 : vector<64x512xf32> to vector<1x64x512xf32>
    tpu.vector_store %arg8[%swap3A_128, %swap3A_129, %swap3A_130], %swap3A_133 {strides = array<i32>} : memref<12x64x512xf32, #tpu.memory_space<vmem>>, vector<1x64x512xf32>,
    %slice3A_134 = vector.extract_strided_slice %dot_general3A_5 {offsets = [0, 256], sizes = [512, 64], strides = [1, 1]} : vector<512x768xf32> to vector<512x64xf32>
    %swap3A_135 = arith.constant 4 : index
    %swap3A_136 = arith.constant 0 : index
    %swap3A_137 = arith.constant 0 : index
    %swap3A_138 = vector.load %arg5[%swap3A_135, %swap3A_136, %swap3A_137] : memref<12x512x64xf32, #tpu.memory_space<vmem>>, vector<1x512x64xf32>
    %swap3A_139 = vector.shape_cast %swap3A_138 : vector<1x512x64xf32> to vector<512x64xf32>
    %swap3A_140 = vector.shape_cast %slice3A_134 : vector<512x64xf32> to vector<1x512x64xf32>
    tpu.vector_store %arg5[%swap3A_135, %swap3A_136, %swap3A_137], %swap3A_140 {strides = array<i32>} : memref<12x512x64xf32, #tpu.memory_space<vmem>>, vector<1x512x64xf32>,
    %slice3A_141 = vector.extract_strided_slice %dot_general3A_16 {offsets = [0, 256], sizes = [512, 64], strides = [1, 1]} : vector<512x768xf32> to vector<512x64xf32>
    %swap3A_142 = arith.constant 4 : index
    %swap3A_143 = arith.constant 0 : index
    %swap3A_144 = arith.constant 0 : index
    %swap3A_145 = vector.load %arg6[%swap3A_142, %swap3A_143, %swap3A_144] : memref<12x512x64xf32, #tpu.memory_space<vmem>>, vector<1x512x64xf32>
    %swap3A_146 = vector.shape_cast %swap3A_145 : vector<1x512x64xf32> to vector<512x64xf32>
    %swap3A_147 = vector.shape_cast %slice3A_141 : vector<512x64xf32> to vector<1x512x64xf32>
    tpu.vector_store %arg6[%swap3A_142, %swap3A_143, %swap3A_144], %swap3A_147 {strides = array<i32>} : memref<12x512x64xf32, #tpu.memory_space<vmem>>, vector<1x512x64xf32>,
    %transpose3A_148 = tpu.transpose %slice3A_134, [1, 0] : vector<512x64xf32> -> vector<64x512xf32>
    %swap3A_149 = arith.constant 0 : index
    %swap3A_150 = arith.constant 4 : index
    %swap3A_151 = arith.constant 0 : index
    %swap3A_152 = arith.constant 0 : index
    %swap3A_153 = vector.load %arg7[%swap3A_149, %swap3A_150, %swap3A_151, %swap3A_152] : memref<1x12x64x512xf32, #tpu.memory_space<vmem>>, vector<1x1x64x512xf32>
    %swap3A_154 = vector.shape_cast %swap3A_153 : vector<1x1x64x512xf32> to vector<64x512xf32>
    %swap3A_155 = vector.shape_cast %transpose3A_148 : vector<64x512xf32> to vector<1x1x64x512xf32>
    tpu.vector_store %arg7[%swap3A_149, %swap3A_150, %swap3A_151, %swap3A_152], %swap3A_155 {strides = array<i32>} : memref<1x12x64x512xf32, #tpu.memory_space<vmem>>, vector<1x1x64x512xf32>,
    %slice3A_156 = vector.extract_strided_slice %dot_general3A_10 {offsets = [0, 256], sizes = [512, 64], strides = [1, 1]} : vector<512x768xf32> to vector<512x64xf32>
    %transpose3A_157 = tpu.transpose %slice3A_156, [1, 0] : vector<512x64xf32> -> vector<64x512xf32>
    %swap3A_158 = arith.constant 4 : index
    %swap3A_159 = arith.constant 0 : index
    %swap3A_160 = arith.constant 0 : index
    %swap3A_161 = vector.load %arg8[%swap3A_158, %swap3A_159, %swap3A_160] : memref<12x64x512xf32, #tpu.memory_space<vmem>>, vector<1x64x512xf32>
    %swap3A_162 = vector.shape_cast %swap3A_161 : vector<1x64x512xf32> to vector<64x512xf32>
    %swap3A_163 = vector.shape_cast %transpose3A_157 : vector<64x512xf32> to vector<1x64x512xf32>
    tpu.vector_store %arg8[%swap3A_158, %swap3A_159, %swap3A_160], %swap3A_163 {strides = array<i32>} : memref<12x64x512xf32, #tpu.memory_space<vmem>>, vector<1x64x512xf32>,
    %slice3A_164 = vector.extract_strided_slice %dot_general3A_5 {offsets = [0, 320], sizes = [512, 64], strides = [1, 1]} : vector<512x768xf32> to vector<512x64xf32>
    %swap3A_165 = arith.constant 5 : index
    %swap3A_166 = arith.constant 0 : index
    %swap3A_167 = arith.constant 0 : index
    %swap3A_168 = vector.load %arg5[%swap3A_165, %swap3A_166, %swap3A_167] : memref<12x512x64xf32, #tpu.memory_space<vmem>>, vector<1x512x64xf32>
    %swap3A_169 = vector.shape_cast %swap3A_168 : vector<1x512x64xf32> to vector<512x64xf32>
    %swap3A_170 = vector.shape_cast %slice3A_164 : vector<512x64xf32> to vector<1x512x64xf32>
    tpu.vector_store %arg5[%swap3A_165, %swap3A_166, %swap3A_167], %swap3A_170 {strides = array<i32>} : memref<12x512x64xf32, #tpu.memory_space<vmem>>, vector<1x512x64xf32>,
    %slice3A_171 = vector.extract_strided_slice %dot_general3A_16 {offsets = [0, 320], sizes = [512, 64], strides = [1, 1]} : vector<512x768xf32> to vector<512x64xf32>
    %swap3A_172 = arith.constant 5 : index
    %swap3A_173 = arith.constant 0 : index
    %swap3A_174 = arith.constant 0 : index
    %swap3A_175 = vector.load %arg6[%swap3A_172, %swap3A_173, %swap3A_174] : memref<12x512x64xf32, #tpu.memory_space<vmem>>, vector<1x512x64xf32>
    %swap3A_176 = vector.shape_cast %swap3A_175 : vector<1x512x64xf32> to vector<512x64xf32>
    %swap3A_177 = vector.shape_cast %slice3A_171 : vector<512x64xf32> to vector<1x512x64xf32>
    tpu.vector_store %arg6[%swap3A_172, %swap3A_173, %swap3A_174], %swap3A_177 {strides = array<i32>} : memref<12x512x64xf32, #tpu.memory_space<vmem>>, vector<1x512x64xf32>,
    %transpose3A_178 = tpu.transpose %slice3A_164, [1, 0] : vector<512x64xf32> -> vector<64x512xf32>
    %swap3A_179 = arith.constant 0 : index
    %swap3A_180 = arith.constant 5 : index
    %swap3A_181 = arith.constant 0 : index
    %swap3A_182 = arith.constant 0 : index
    %swap3A_183 = vector.load %arg7[%swap3A_179, %swap3A_180, %swap3A_181, %swap3A_182] : memref<1x12x64x512xf32, #tpu.memory_space<vmem>>, vector<1x1x64x512xf32>
    %swap3A_184 = vector.shape_cast %swap3A_183 : vector<1x1x64x512xf32> to vector<64x512xf32>
    %swap3A_185 = vector.shape_cast %transpose3A_178 : vector<64x512xf32> to vector<1x1x64x512xf32>
    tpu.vector_store %arg7[%swap3A_179, %swap3A_180, %swap3A_181, %swap3A_182], %swap3A_185 {strides = array<i32>} : memref<1x12x64x512xf32, #tpu.memory_space<vmem>>, vector<1x1x64x512xf32>,
    %slice3A_186 = vector.extract_strided_slice %dot_general3A_10 {offsets = [0, 320], sizes = [512, 64], strides = [1, 1]} : vector<512x768xf32> to vector<512x64xf32>
    %transpose3A_187 = tpu.transpose %slice3A_186, [1, 0] : vector<512x64xf32> -> vector<64x512xf32>
    %swap3A_188 = arith.constant 5 : index
    %swap3A_189 = arith.constant 0 : index
    %swap3A_190 = arith.constant 0 : index
    %swap3A_191 = vector.load %arg8[%swap3A_188, %swap3A_189, %swap3A_190] : memref<12x64x512xf32, #tpu.memory_space<vmem>>, vector<1x64x512xf32>
    %swap3A_192 = vector.shape_cast %swap3A_191 : vector<1x64x512xf32> to vector<64x512xf32>
    %swap3A_193 = vector.shape_cast %transpose3A_187 : vector<64x512xf32> to vector<1x64x512xf32>
    tpu.vector_store %arg8[%swap3A_188, %swap3A_189, %swap3A_190], %swap3A_193 {strides = array<i32>} : memref<12x64x512xf32, #tpu.memory_space<vmem>>, vector<1x64x512xf32>,
    %slice3A_194 = vector.extract_strided_slice %dot_general3A_5 {offsets = [0, 384], sizes = [512, 64], strides = [1, 1]} : vector<512x768xf32> to vector<512x64xf32>
    %swap3A_195 = arith.constant 6 : index
    %swap3A_196 = arith.constant 0 : index
    %swap3A_197 = arith.constant 0 : index
    %swap3A_198 = vector.load %arg5[%swap3A_195, %swap3A_196, %swap3A_197] : memref<12x512x64xf32, #tpu.memory_space<vmem>>, vector<1x512x64xf32>
    %swap3A_199 = vector.shape_cast %swap3A_198 : vector<1x512x64xf32> to vector<512x64xf32>
    %swap3A_200 = vector.shape_cast %slice3A_194 : vector<512x64xf32> to vector<1x512x64xf32>
    tpu.vector_store %arg5[%swap3A_195, %swap3A_196, %swap3A_197], %swap3A_200 {strides = array<i32>} : memref<12x512x64xf32, #tpu.memory_space<vmem>>, vector<1x512x64xf32>,
    %slice3A_201 = vector.extract_strided_slice %dot_general3A_16 {offsets = [0, 384], sizes = [512, 64], strides = [1, 1]} : vector<512x768xf32> to vector<512x64xf32>
    %swap3A_202 = arith.constant 6 : index
    %swap3A_203 = arith.constant 0 : index
    %swap3A_204 = arith.constant 0 : index
    %swap3A_205 = vector.load %arg6[%swap3A_202, %swap3A_203, %swap3A_204] : memref<12x512x64xf32, #tpu.memory_space<vmem>>, vector<1x512x64xf32>
    %swap3A_206 = vector.shape_cast %swap3A_205 : vector<1x512x64xf32> to vector<512x64xf32>
    %swap3A_207 = vector.shape_cast %slice3A_201 : vector<512x64xf32> to vector<1x512x64xf32>
    tpu.vector_store %arg6[%swap3A_202, %swap3A_203, %swap3A_204], %swap3A_207 {strides = array<i32>} : memref<12x512x64xf32, #tpu.memory_space<vmem>>, vector<1x512x64xf32>,
    %transpose3A_208 = tpu.transpose %slice3A_194, [1, 0] : vector<512x64xf32> -> vector<64x512xf32>
    %swap3A_209 = arith.constant 0 : index
    %swap3A_210 = arith.constant 6 : index
    %swap3A_211 = arith.constant 0 : index
    %swap3A_212 = arith.constant 0 : index
    %swap3A_213 = vector.load %arg7[%swap3A_209, %swap3A_210, %swap3A_211, %swap3A_212] : memref<1x12x64x512xf32, #tpu.memory_space<vmem>>, vector<1x1x64x512xf32>
    %swap3A_214 = vector.shape_cast %swap3A_213 : vector<1x1x64x512xf32> to vector<64x512xf32>
    %swap3A_215 = vector.shape_cast %transpose3A_208 : vector<64x512xf32> to vector<1x1x64x512xf32>
    tpu.vector_store %arg7[%swap3A_209, %swap3A_210, %swap3A_211, %swap3A_212], %swap3A_215 {strides = array<i32>} : memref<1x12x64x512xf32, #tpu.memory_space<vmem>>, vector<1x1x64x512xf32>,
    %slice3A_216 = vector.extract_strided_slice %dot_general3A_10 {offsets = [0, 384], sizes = [512, 64], strides = [1, 1]} : vector<512x768xf32> to vector<512x64xf32>
    %transpose3A_217 = tpu.transpose %slice3A_216, [1, 0] : vector<512x64xf32> -> vector<64x512xf32>
    %swap3A_218 = arith.constant 6 : index
    %swap3A_219 = arith.constant 0 : index
    %swap3A_220 = arith.constant 0 : index
    %swap3A_221 = vector.load %arg8[%swap3A_218, %swap3A_219, %swap3A_220] : memref<12x64x512xf32, #tpu.memory_space<vmem>>, vector<1x64x512xf32>
    %swap3A_222 = vector.shape_cast %swap3A_221 : vector<1x64x512xf32> to vector<64x512xf32>
    %swap3A_223 = vector.shape_cast %transpose3A_217 : vector<64x512xf32> to vector<1x64x512xf32>
    tpu.vector_store %arg8[%swap3A_218, %swap3A_219, %swap3A_220], %swap3A_223 {strides = array<i32>} : memref<12x64x512xf32, #tpu.memory_space<vmem>>, vector<1x64x512xf32>,
    %slice3A_224 = vector.extract_strided_slice %dot_general3A_5 {offsets = [0, 448], sizes = [512, 64], strides = [1, 1]} : vector<512x768xf32> to vector<512x64xf32>
    %swap3A_225 = arith.constant 7 : index
    %swap3A_226 = arith.constant 0 : index
    %swap3A_227 = arith.constant 0 : index
    %swap3A_228 = vector.load %arg5[%swap3A_225, %swap3A_226, %swap3A_227] : memref<12x512x64xf32, #tpu.memory_space<vmem>>, vector<1x512x64xf32>
    %swap3A_229 = vector.shape_cast %swap3A_228 : vector<1x512x64xf32> to vector<512x64xf32>
    %swap3A_230 = vector.shape_cast %slice3A_224 : vector<512x64xf32> to vector<1x512x64xf32>
    tpu.vector_store %arg5[%swap3A_225, %swap3A_226, %swap3A_227], %swap3A_230 {strides = array<i32>} : memref<12x512x64xf32, #tpu.memory_space<vmem>>, vector<1x512x64xf32>,
    %slice3A_231 = vector.extract_strided_slice %dot_general3A_16 {offsets = [0, 448], sizes = [512, 64], strides = [1, 1]} : vector<512x768xf32> to vector<512x64xf32>
    %swap3A_232 = arith.constant 7 : index
    %swap3A_233 = arith.constant 0 : index
    %swap3A_234 = arith.constant 0 : index
    %swap3A_235 = vector.load %arg6[%swap3A_232, %swap3A_233, %swap3A_234] : memref<12x512x64xf32, #tpu.memory_space<vmem>>, vector<1x512x64xf32>
    %swap3A_236 = vector.shape_cast %swap3A_235 : vector<1x512x64xf32> to vector<512x64xf32>
    %swap3A_237 = vector.shape_cast %slice3A_231 : vector<512x64xf32> to vector<1x512x64xf32>
    tpu.vector_store %arg6[%swap3A_232, %swap3A_233, %swap3A_234], %swap3A_237 {strides = array<i32>} : memref<12x512x64xf32, #tpu.memory_space<vmem>>, vector<1x512x64xf32>,
    %transpose3A_238 = tpu.transpose %slice3A_224, [1, 0] : vector<512x64xf32> -> vector<64x512xf32>
    %swap3A_239 = arith.constant 0 : index
    %swap3A_240 = arith.constant 7 : index
    %swap3A_241 = arith.constant 0 : index
    %swap3A_242 = arith.constant 0 : index
    %swap3A_243 = vector.load %arg7[%swap3A_239, %swap3A_240, %swap3A_241, %swap3A_242] : memref<1x12x64x512xf32, #tpu.memory_space<vmem>>, vector<1x1x64x512xf32>
    %swap3A_244 = vector.shape_cast %swap3A_243 : vector<1x1x64x512xf32> to vector<64x512xf32>
    %swap3A_245 = vector.shape_cast %transpose3A_238 : vector<64x512xf32> to vector<1x1x64x512xf32>
    tpu.vector_store %arg7[%swap3A_239, %swap3A_240, %swap3A_241, %swap3A_242], %swap3A_245 {strides = array<i32>} : memref<1x12x64x512xf32, #tpu.memory_space<vmem>>, vector<1x1x64x512xf32>,
    %slice3A_246 = vector.extract_strided_slice %dot_general3A_10 {offsets = [0, 448], sizes = [512, 64], strides = [1, 1]} : vector<512x768xf32> to vector<512x64xf32>
    %transpose3A_247 = tpu.transpose %slice3A_246, [1, 0] : vector<512x64xf32> -> vector<64x512xf32>
    %swap3A_248 = arith.constant 7 : index
    %swap3A_249 = arith.constant 0 : index
    %swap3A_250 = arith.constant 0 : index
    %swap3A_251 = vector.load %arg8[%swap3A_248, %swap3A_249, %swap3A_250] : memref<12x64x512xf32, #tpu.memory_space<vmem>>, vector<1x64x512xf32>
    %swap3A_252 = vector.shape_cast %swap3A_251 : vector<1x64x512xf32> to vector<64x512xf32>
    %swap3A_253 = vector.shape_cast %transpose3A_247 : vector<64x512xf32> to vector<1x64x512xf32>
    tpu.vector_store %arg8[%swap3A_248, %swap3A_249, %swap3A_250], %swap3A_253 {strides = array<i32>} : memref<12x64x512xf32, #tpu.memory_space<vmem>>, vector<1x64x512xf32>,
    %slice3A_254 = vector.extract_strided_slice %dot_general3A_5 {offsets = [0, 512], sizes = [512, 64], strides = [1, 1]} : vector<512x768xf32> to vector<512x64xf32>
    %swap3A_255 = arith.constant 8 : index
    %swap3A_256 = arith.constant 0 : index
    %swap3A_257 = arith.constant 0 : index
    %swap3A_258 = vector.load %arg5[%swap3A_255, %swap3A_256, %swap3A_257] : memref<12x512x64xf32, #tpu.memory_space<vmem>>, vector<1x512x64xf32>
    %swap3A_259 = vector.shape_cast %swap3A_258 : vector<1x512x64xf32> to vector<512x64xf32>
    %swap3A_260 = vector.shape_cast %slice3A_254 : vector<512x64xf32> to vector<1x512x64xf32>
    tpu.vector_store %arg5[%swap3A_255, %swap3A_256, %swap3A_257], %swap3A_260 {strides = array<i32>} : memref<12x512x64xf32, #tpu.memory_space<vmem>>, vector<1x512x64xf32>,
    %slice3A_261 = vector.extract_strided_slice %dot_general3A_16 {offsets = [0, 512], sizes = [512, 64], strides = [1, 1]} : vector<512x768xf32> to vector<512x64xf32>
    %swap3A_262 = arith.constant 8 : index
    %swap3A_263 = arith.constant 0 : index
    %swap3A_264 = arith.constant 0 : index
    %swap3A_265 = vector.load %arg6[%swap3A_262, %swap3A_263, %swap3A_264] : memref<12x512x64xf32, #tpu.memory_space<vmem>>, vector<1x512x64xf32>
    %swap3A_266 = vector.shape_cast %swap3A_265 : vector<1x512x64xf32> to vector<512x64xf32>
    %swap3A_267 = vector.shape_cast %slice3A_261 : vector<512x64xf32> to vector<1x512x64xf32>
    tpu.vector_store %arg6[%swap3A_262, %swap3A_263, %swap3A_264], %swap3A_267 {strides = array<i32>} : memref<12x512x64xf32, #tpu.memory_space<vmem>>, vector<1x512x64xf32>,
    %transpose3A_268 = tpu.transpose %slice3A_254, [1, 0] : vector<512x64xf32> -> vector<64x512xf32>
    %swap3A_269 = arith.constant 0 : index
    %swap3A_270 = arith.constant 8 : index
    %swap3A_271 = arith.constant 0 : index
    %swap3A_272 = arith.constant 0 : index
    %swap3A_273 = vector.load %arg7[%swap3A_269, %swap3A_270, %swap3A_271, %swap3A_272] : memref<1x12x64x512xf32, #tpu.memory_space<vmem>>, vector<1x1x64x512xf32>
    %swap3A_274 = vector.shape_cast %swap3A_273 : vector<1x1x64x512xf32> to vector<64x512xf32>
    %swap3A_275 = vector.shape_cast %transpose3A_268 : vector<64x512xf32> to vector<1x1x64x512xf32>
    tpu.vector_store %arg7[%swap3A_269, %swap3A_270, %swap3A_271, %swap3A_272], %swap3A_275 {strides = array<i32>} : memref<1x12x64x512xf32, #tpu.memory_space<vmem>>, vector<1x1x64x512xf32>,
    %slice3A_276 = vector.extract_strided_slice %dot_general3A_10 {offsets = [0, 512], sizes = [512, 64], strides = [1, 1]} : vector<512x768xf32> to vector<512x64xf32>
    %transpose3A_277 = tpu.transpose %slice3A_276, [1, 0] : vector<512x64xf32> -> vector<64x512xf32>
    %swap3A_278 = arith.constant 8 : index
    %swap3A_279 = arith.constant 0 : index
    %swap3A_280 = arith.constant 0 : index
    %swap3A_281 = vector.load %arg8[%swap3A_278, %swap3A_279, %swap3A_280] : memref<12x64x512xf32, #tpu.memory_space<vmem>>, vector<1x64x512xf32>
    %swap3A_282 = vector.shape_cast %swap3A_281 : vector<1x64x512xf32> to vector<64x512xf32>
    %swap3A_283 = vector.shape_cast %transpose3A_277 : vector<64x512xf32> to vector<1x64x512xf32>
    tpu.vector_store %arg8[%swap3A_278, %swap3A_279, %swap3A_280], %swap3A_283 {strides = array<i32>} : memref<12x64x512xf32, #tpu.memory_space<vmem>>, vector<1x64x512xf32>,
    %slice3A_284 = vector.extract_strided_slice %dot_general3A_5 {offsets = [0, 576], sizes = [512, 64], strides = [1, 1]} : vector<512x768xf32> to vector<512x64xf32>
    %swap3A_285 = arith.constant 9 : index
    %swap3A_286 = arith.constant 0 : index
    %swap3A_287 = arith.constant 0 : index
    %swap3A_288 = vector.load %arg5[%swap3A_285, %swap3A_286, %swap3A_287] : memref<12x512x64xf32, #tpu.memory_space<vmem>>, vector<1x512x64xf32>
    %swap3A_289 = vector.shape_cast %swap3A_288 : vector<1x512x64xf32> to vector<512x64xf32>
    %swap3A_290 = vector.shape_cast %slice3A_284 : vector<512x64xf32> to vector<1x512x64xf32>
    tpu.vector_store %arg5[%swap3A_285, %swap3A_286, %swap3A_287], %swap3A_290 {strides = array<i32>} : memref<12x512x64xf32, #tpu.memory_space<vmem>>, vector<1x512x64xf32>,
    %slice3A_291 = vector.extract_strided_slice %dot_general3A_16 {offsets = [0, 576], sizes = [512, 64], strides = [1, 1]} : vector<512x768xf32> to vector<512x64xf32>
    %swap3A_292 = arith.constant 9 : index
    %swap3A_293 = arith.constant 0 : index
    %swap3A_294 = arith.constant 0 : index
    %swap3A_295 = vector.load %arg6[%swap3A_292, %swap3A_293, %swap3A_294] : memref<12x512x64xf32, #tpu.memory_space<vmem>>, vector<1x512x64xf32>
    %swap3A_296 = vector.shape_cast %swap3A_295 : vector<1x512x64xf32> to vector<512x64xf32>
    %swap3A_297 = vector.shape_cast %slice3A_291 : vector<512x64xf32> to vector<1x512x64xf32>
    tpu.vector_store %arg6[%swap3A_292, %swap3A_293, %swap3A_294], %swap3A_297 {strides = array<i32>} : memref<12x512x64xf32, #tpu.memory_space<vmem>>, vector<1x512x64xf32>,
    %transpose3A_298 = tpu.transpose %slice3A_284, [1, 0] : vector<512x64xf32> -> vector<64x512xf32>
    %swap3A_299 = arith.constant 0 : index
    %swap3A_300 = arith.constant 9 : index
    %swap3A_301 = arith.constant 0 : index
    %swap3A_302 = arith.constant 0 : index
    %swap3A_303 = vector.load %arg7[%swap3A_299, %swap3A_300, %swap3A_301, %swap3A_302] : memref<1x12x64x512xf32, #tpu.memory_space<vmem>>, vector<1x1x64x512xf32>
    %swap3A_304 = vector.shape_cast %swap3A_303 : vector<1x1x64x512xf32> to vector<64x512xf32>
    %swap3A_305 = vector.shape_cast %transpose3A_298 : vector<64x512xf32> to vector<1x1x64x512xf32>
    tpu.vector_store %arg7[%swap3A_299, %swap3A_300, %swap3A_301, %swap3A_302], %swap3A_305 {strides = array<i32>} : memref<1x12x64x512xf32, #tpu.memory_space<vmem>>, vector<1x1x64x512xf32>,
    %slice3A_306 = vector.extract_strided_slice %dot_general3A_10 {offsets = [0, 576], sizes = [512, 64], strides = [1, 1]} : vector<512x768xf32> to vector<512x64xf32>
    %transpose3A_307 = tpu.transpose %slice3A_306, [1, 0] : vector<512x64xf32> -> vector<64x512xf32>
    %swap3A_308 = arith.constant 9 : index
    %swap3A_309 = arith.constant 0 : index
    %swap3A_310 = arith.constant 0 : index
    %swap3A_311 = vector.load %arg8[%swap3A_308, %swap3A_309, %swap3A_310] : memref<12x64x512xf32, #tpu.memory_space<vmem>>, vector<1x64x512xf32>
    %swap3A_312 = vector.shape_cast %swap3A_311 : vector<1x64x512xf32> to vector<64x512xf32>
    %swap3A_313 = vector.shape_cast %transpose3A_307 : vector<64x512xf32> to vector<1x64x512xf32>
    tpu.vector_store %arg8[%swap3A_308, %swap3A_309, %swap3A_310], %swap3A_313 {strides = array<i32>} : memref<12x64x512xf32, #tpu.memory_space<vmem>>, vector<1x64x512xf32>,
    %slice3A_314 = vector.extract_strided_slice %dot_general3A_5 {offsets = [0, 640], sizes = [512, 64], strides = [1, 1]} : vector<512x768xf32> to vector<512x64xf32>
    %swap3A_315 = arith.constant 10 : index
    %swap3A_316 = arith.constant 0 : index
    %swap3A_317 = arith.constant 0 : index
    %swap3A_318 = vector.load %arg5[%swap3A_315, %swap3A_316, %swap3A_317] : memref<12x512x64xf32, #tpu.memory_space<vmem>>, vector<1x512x64xf32>
    %swap3A_319 = vector.shape_cast %swap3A_318 : vector<1x512x64xf32> to vector<512x64xf32>
    %swap3A_320 = vector.shape_cast %slice3A_314 : vector<512x64xf32> to vector<1x512x64xf32>
    tpu.vector_store %arg5[%swap3A_315, %swap3A_316, %swap3A_317], %swap3A_320 {strides = array<i32>} : memref<12x512x64xf32, #tpu.memory_space<vmem>>, vector<1x512x64xf32>,
    %slice3A_321 = vector.extract_strided_slice %dot_general3A_16 {offsets = [0, 640], sizes = [512, 64], strides = [1, 1]} : vector<512x768xf32> to vector<512x64xf32>
    %swap3A_322 = arith.constant 10 : index
    %swap3A_323 = arith.constant 0 : index
    %swap3A_324 = arith.constant 0 : index
    %swap3A_325 = vector.load %arg6[%swap3A_322, %swap3A_323, %swap3A_324] : memref<12x512x64xf32, #tpu.memory_space<vmem>>, vector<1x512x64xf32>
    %swap3A_326 = vector.shape_cast %swap3A_325 : vector<1x512x64xf32> to vector<512x64xf32>
    %swap3A_327 = vector.shape_cast %slice3A_321 : vector<512x64xf32> to vector<1x512x64xf32>
    tpu.vector_store %arg6[%swap3A_322, %swap3A_323, %swap3A_324], %swap3A_327 {strides = array<i32>} : memref<12x512x64xf32, #tpu.memory_space<vmem>>, vector<1x512x64xf32>,
    %transpose3A_328 = tpu.transpose %slice3A_314, [1, 0] : vector<512x64xf32> -> vector<64x512xf32>
    %swap3A_329 = arith.constant 0 : index
    %swap3A_330 = arith.constant 10 : index
    %swap3A_331 = arith.constant 0 : index
    %swap3A_332 = arith.constant 0 : index
    %swap3A_333 = vector.load %arg7[%swap3A_329, %swap3A_330, %swap3A_331, %swap3A_332] : memref<1x12x64x512xf32, #tpu.memory_space<vmem>>, vector<1x1x64x512xf32>
    %swap3A_334 = vector.shape_cast %swap3A_333 : vector<1x1x64x512xf32> to vector<64x512xf32>
    %swap3A_335 = vector.shape_cast %transpose3A_328 : vector<64x512xf32> to vector<1x1x64x512xf32>
    tpu.vector_store %arg7[%swap3A_329, %swap3A_330, %swap3A_331, %swap3A_332], %swap3A_335 {strides = array<i32>} : memref<1x12x64x512xf32, #tpu.memory_space<vmem>>, vector<1x1x64x512xf32>,
    %slice3A_336 = vector.extract_strided_slice %dot_general3A_10 {offsets = [0, 640], sizes = [512, 64], strides = [1, 1]} : vector<512x768xf32> to vector<512x64xf32>
    %transpose3A_337 = tpu.transpose %slice3A_336, [1, 0] : vector<512x64xf32> -> vector<64x512xf32>
    %swap3A_338 = arith.constant 10 : index
    %swap3A_339 = arith.constant 0 : index
    %swap3A_340 = arith.constant 0 : index
    %swap3A_341 = vector.load %arg8[%swap3A_338, %swap3A_339, %swap3A_340] : memref<12x64x512xf32, #tpu.memory_space<vmem>>, vector<1x64x512xf32>
    %swap3A_342 = vector.shape_cast %swap3A_341 : vector<1x64x512xf32> to vector<64x512xf32>
    %swap3A_343 = vector.shape_cast %transpose3A_337 : vector<64x512xf32> to vector<1x64x512xf32>
    tpu.vector_store %arg8[%swap3A_338, %swap3A_339, %swap3A_340], %swap3A_343 {strides = array<i32>} : memref<12x64x512xf32, #tpu.memory_space<vmem>>, vector<1x64x512xf32>,
    %slice3A_344 = vector.extract_strided_slice %dot_general3A_5 {offsets = [0, 704], sizes = [512, 64], strides = [1, 1]} : vector<512x768xf32> to vector<512x64xf32>
    %swap3A_345 = arith.constant 11 : index
    %swap3A_346 = arith.constant 0 : index
    %swap3A_347 = arith.constant 0 : index
    %swap3A_348 = vector.load %arg5[%swap3A_345, %swap3A_346, %swap3A_347] : memref<12x512x64xf32, #tpu.memory_space<vmem>>, vector<1x512x64xf32>
    %swap3A_349 = vector.shape_cast %swap3A_348 : vector<1x512x64xf32> to vector<512x64xf32>
    %swap3A_350 = vector.shape_cast %slice3A_344 : vector<512x64xf32> to vector<1x512x64xf32>
    tpu.vector_store %arg5[%swap3A_345, %swap3A_346, %swap3A_347], %swap3A_350 {strides = array<i32>} : memref<12x512x64xf32, #tpu.memory_space<vmem>>, vector<1x512x64xf32>,
    %slice3A_351 = vector.extract_strided_slice %dot_general3A_16 {offsets = [0, 704], sizes = [512, 64], strides = [1, 1]} : vector<512x768xf32> to vector<512x64xf32>
    %swap3A_352 = arith.constant 11 : index
    %swap3A_353 = arith.constant 0 : index
    %swap3A_354 = arith.constant 0 : index
    %swap3A_355 = vector.load %arg6[%swap3A_352, %swap3A_353, %swap3A_354] : memref<12x512x64xf32, #tpu.memory_space<vmem>>, vector<1x512x64xf32>
    %swap3A_356 = vector.shape_cast %swap3A_355 : vector<1x512x64xf32> to vector<512x64xf32>
    %swap3A_357 = vector.shape_cast %slice3A_351 : vector<512x64xf32> to vector<1x512x64xf32>
    tpu.vector_store %arg6[%swap3A_352, %swap3A_353, %swap3A_354], %swap3A_357 {strides = array<i32>} : memref<12x512x64xf32, #tpu.memory_space<vmem>>, vector<1x512x64xf32>,
    %transpose3A_358 = tpu.transpose %slice3A_344, [1, 0] : vector<512x64xf32> -> vector<64x512xf32>
    %swap3A_359 = arith.constant 0 : index
    %swap3A_360 = arith.constant 11 : index
    %swap3A_361 = arith.constant 0 : index
    %swap3A_362 = arith.constant 0 : index
    %swap3A_363 = vector.load %arg7[%swap3A_359, %swap3A_360, %swap3A_361, %swap3A_362] : memref<1x12x64x512xf32, #tpu.memory_space<vmem>>, vector<1x1x64x512xf32>
    %swap3A_364 = vector.shape_cast %swap3A_363 : vector<1x1x64x512xf32> to vector<64x512xf32>
    %swap3A_365 = vector.shape_cast %transpose3A_358 : vector<64x512xf32> to vector<1x1x64x512xf32>
    tpu.vector_store %arg7[%swap3A_359, %swap3A_360, %swap3A_361, %swap3A_362], %swap3A_365 {strides = array<i32>} : memref<1x12x64x512xf32, #tpu.memory_space<vmem>>, vector<1x1x64x512xf32>,
    %slice3A_366 = vector.extract_strided_slice %dot_general3A_10 {offsets = [0, 704], sizes = [512, 64], strides = [1, 1]} : vector<512x768xf32> to vector<512x64xf32>
    %transpose3A_367 = tpu.transpose %slice3A_366, [1, 0] : vector<512x64xf32> -> vector<64x512xf32>
    %swap3A_368 = arith.constant 11 : index
    %swap3A_369 = arith.constant 0 : index
    %swap3A_370 = arith.constant 0 : index
    %swap3A_371 = vector.load %arg8[%swap3A_368, %swap3A_369, %swap3A_370] : memref<12x64x512xf32, #tpu.memory_space<vmem>>, vector<1x64x512xf32>
    %swap3A_372 = vector.shape_cast %swap3A_371 : vector<1x64x512xf32> to vector<64x512xf32>
    %swap3A_373 = vector.shape_cast %transpose3A_367 : vector<64x512xf32> to vector<1x64x512xf32>
    tpu.vector_store %arg8[%swap3A_368, %swap3A_369, %swap3A_370], %swap3A_373 {strides = array<i32>} : memref<12x64x512xf32, #tpu.memory_space<vmem>>, vector<1x64x512xf32>,
    return
  }
  func.func @transform_0(%arg0: i32) -> (i32, i32) {
    %c0_i32 = arith.constant 0 : i32
    %c0_i32_0 = arith.constant 0 : i32
    return %arg0, %c0_i32 : i32, i32
  }
  func.func @transform_1(%arg0: i32) -> (i32, i32) {
    %c0_i32 = arith.constant 0 : i32
    %c0_i32_0 = arith.constant 0 : i32
    %c0_i32_1 = arith.constant 0 : i32
    return %c0_i32, %c0_i32_0 : i32, i32
  }
  func.func @transform_2(%arg0: i32) -> (i32, i32) {
    %c0_i32 = arith.constant 0 : i32
    %c0_i32_0 = arith.constant 0 : i32
    %c0_i32_1 = arith.constant 0 : i32
    return %c0_i32, %c0_i32_0 : i32, i32
  }
  func.func @transform_3(%arg0: i32) -> (i32, i32) {
    %c0_i32 = arith.constant 0 : i32
    %c0_i32_0 = arith.constant 0 : i32
    %c0_i32_1 = arith.constant 0 : i32
    return %c0_i32, %c0_i32_0 : i32, i32
  }
  func.func @transform_4(%arg0: i32) -> (i32, i32, i32) {
    %c0_i32 = arith.constant 0 : i32
    %c0_i32_0 = arith.constant 0 : i32
    %c0_i32_1 = arith.constant 0 : i32
    return %c0_i32, %arg0, %c0_i32_0 : i32, i32, i32
  }
  func.func @transform_5(%arg0: i32) -> (i32, i32, i32) {
    %c0_i32 = arith.constant 0 : i32
    %c0_i32_0 = arith.constant 0 : i32
    %c0_i32_1 = arith.constant 0 : i32
    return %c0_i32, %arg0, %c0_i32_0 : i32, i32, i32
  }
  func.func @transform_6(%arg0: i32) -> (i32, i32, i32, i32) {
    %c0_i32 = arith.constant 0 : i32
    %c0_i32_0 = arith.constant 0 : i32
    %c0_i32_1 = arith.constant 0 : i32
    %c0_i32_2 = arith.constant 0 : i32
    return %arg0, %c0_i32, %c0_i32_0, %c0_i32_1 : i32, i32, i32, i32
  }
  func.func @transform_7(%arg0: i32) -> (i32, i32, i32) {
    %c0_i32 = arith.constant 0 : i32
    %c0_i32_0 = arith.constant 0 : i32
    %c0_i32_1 = arith.constant 0 : i32
    return %c0_i32, %c0_i32_0, %arg0 : i32, i32, i32
  }
}

module attributes {stable_mosaic.version = 14 : i64} {
  func.func @_topk_body(%arg0: memref<12x4096xf32, #tpu.memory_space<vmem>>, %arg1: memref<12x64xi32, #tpu.memory_space<vmem>>, %arg2: memref<12x4096xf32, #tpu.memory_space<vmem>>) attributes {dimension_semantics = [], scalar_prefetch = 0 : i64, scratch_operands = 1 : i64, tpu.core_type = #tpu.core_type<tc>} {
    %get3A = arith.constant 0 : index
    %get3A_0 = arith.constant 0 : index
    %get3A_1 = vector.load %arg0[%get3A, %get3A_0] : memref<12x4096xf32, #tpu.memory_space<vmem>>, vector<12x4096xf32>
    %swap3A = arith.constant 0 : index
    %swap3A_2 = arith.constant 0 : index
    %swap3A_3 = vector.load %arg2[%swap3A, %swap3A_2] : memref<12x4096xf32, #tpu.memory_space<vmem>>, vector<12x4096xf32>
    tpu.vector_store %arg2[%swap3A, %swap3A_2], %get3A_1 {strides = array<i32>} : memref<12x4096xf32, #tpu.memory_space<vmem>>, vector<12x4096xf32>,
    %iota3A = tpu.iota {dimensions = array<i32: 1>} : vector<12x4096xi32>
    %iota3A_4 = tpu.iota {dimensions = array<i32: 1>} : vector<12x64xi32>
    %broadcast_in_dim3A = arith.constant -1 : i32
    %broadcast_in_dim3A_5 = vector.broadcast %broadcast_in_dim3A : i32 to vector<12x64xi32>
    %scan3A = arith.constant 0 : i32
    %scan3A_6 = arith.constant 45 : i32
    %scan3A_7 = arith.addi %scan3A, %scan3A_6 : i32
    %scan3A_8 = arith.constant 1 : i32
    %scan3A_9 = scf.for %scan3A_14 = %scan3A to %scan3A_7 step %scan3A_8 iter_args(%scan3A_15 = %broadcast_in_dim3A_5) -> (vector<12x64xi32>)  : i32 {
      %get3A_16 = arith.constant 0 : index
      %get3A_17 = arith.constant 0 : index
      %get3A_18 = vector.load %arg2[%get3A_16, %get3A_17] : memref<12x4096xf32, #tpu.memory_space<vmem>>, vector<12x4096xf32>
      %reduce_max3A = arith.constant dense<0xFF800000> : vector<12xf32>
      %reduce_max3A_19 = vector.multi_reduction <maximumf>, %get3A_18, %reduce_max3A [1] : vector<12x4096xf32> to vector<12xf32>
      %broadcast_in_dim3A_20 = vector.shape_cast %reduce_max3A_19 : vector<12xf32> to vector<12x1xf32>
      %eq3A = vector.broadcast %broadcast_in_dim3A_20 : vector<12x1xf32> to vector<12x4096xf32>
      %eq3A_21 = arith.cmpf oeq, %get3A_18, %eq3A : vector<12x4096xf32>
      %jit3A = arith.constant 1073741824 : i32
      %broadcast_in_dim3A_22 = vector.broadcast %jit3A : i32 to vector<12x4096xi32>
      %select_n3A = arith.select %eq3A_21, %iota3A, %broadcast_in_dim3A_22 : vector<12x4096xi1>, vector<12x4096xi32>
      %reduce_min3A = arith.constant dense<2147483647> : vector<12xi32>
      %reduce_min3A_23 = vector.multi_reduction <minsi>, %select_n3A, %reduce_min3A [1] : vector<12x4096xi32> to vector<12xi32>
      %broadcast_in_dim3A_24 = vector.shape_cast %reduce_min3A_23 : vector<12xi32> to vector<12x1xi32>
      %eq3A_25 = vector.broadcast %broadcast_in_dim3A_24 : vector<12x1xi32> to vector<12x4096xi32>
      %eq3A_26 = arith.cmpi eq, %iota3A, %eq3A_25 : vector<12x4096xi32>
      %jit3A_27 = arith.constant 0xFF800000 : f32
      %broadcast_in_dim3A_28 = vector.broadcast %jit3A_27 : f32 to vector<12x4096xf32>
      %select_n3A_29 = arith.select %eq3A_26, %broadcast_in_dim3A_28, %get3A_18 : vector<12x4096xi1>, vector<12x4096xf32>
      %swap3A_30 = arith.constant 0 : index
      %swap3A_31 = arith.constant 0 : index
      %swap3A_32 = vector.load %arg2[%swap3A_30, %swap3A_31] : memref<12x4096xf32, #tpu.memory_space<vmem>>, vector<12x4096xf32>
      tpu.vector_store %arg2[%swap3A_30, %swap3A_31], %select_n3A_29 {strides = array<i32>} : memref<12x4096xf32, #tpu.memory_space<vmem>>, vector<12x4096xf32>,
      %eq3A_33 = vector.broadcast %scan3A_14 : i32 to vector<12x64xi32>
      %eq3A_34 = arith.cmpi eq, %iota3A_4, %eq3A_33 : vector<12x64xi32>
      %broadcast_in_dim3A_35 = vector.shape_cast %broadcast_in_dim3A_24 : vector<12x1xi32> to vector<12x1xi32>
      %broadcast_in_dim3A_36 = vector.broadcast %broadcast_in_dim3A_35 : vector<12x1xi32> to vector<12x64xi32>
      %select_n3A_37 = arith.select %eq3A_34, %broadcast_in_dim3A_36, %scan3A_15 : vector<12x64xi1>, vector<12x64xi32>
      scf.yield %select_n3A_37 : vector<12x64xi32>
    }
    %scan3A_10 = arith.constant 45 : i32
    %swap3A_11 = arith.constant 0 : index
    %swap3A_12 = arith.constant 0 : index
    %swap3A_13 = vector.load %arg1[%swap3A_11, %swap3A_12] : memref<12x64xi32, #tpu.memory_space<vmem>>, vector<12x64xi32>
    tpu.vector_store %arg1[%swap3A_11, %swap3A_12], %scan3A_9 {strides = array<i32>} : memref<12x64xi32, #tpu.memory_space<vmem>>, vector<12x64xi32>,
    return
  }
}

module attributes {stable_mosaic.version = 14 : i64} {
  func.func @_epilogue_body(%arg0: i32, %arg1: memref<12x512x64xf32, #tpu.memory_space<vmem>>, %arg2: memref<512x768xf32, #tpu.memory_space<vmem>>, %arg3: memref<768x768xf32, #tpu.memory_space<vmem>>, %arg4: memref<768x512xf32, #tpu.memory_space<vmem>>, %arg5: memref<1x512xf32, #tpu.memory_space<vmem>>, %arg6: memref<512x768xf32, #tpu.memory_space<vmem>>, %arg7: memref<1x768xf32, #tpu.memory_space<vmem>>, %arg8: memref<1x768xf32, #tpu.memory_space<vmem>>, %arg9: memref<1x768xf32, #tpu.memory_space<vmem>>, %arg10: memref<1x768xf32, #tpu.memory_space<vmem>>, %arg11: memref<1x768xf32, #tpu.memory_space<vmem>>, %arg12: memref<512x768xf32, #tpu.memory_space<vmem>>) attributes {dimension_semantics = [#tpu.dimension_semantics<arbitrary>], iteration_bounds = array<i64: 8>, scalar_prefetch = 0 : i64, scratch_operands = 0 : i64, tpu.core_type = #tpu.core_type<tc>, window_params = [{transform_indices = @transform_0, window_bounds = array<i64: 12, 512, 64>}, {transform_indices = @transform_1, window_bounds = array<i64: 512, 768>}, {pipeline_mode = #tpu.pipeline_mode<synchronous>, transform_indices = @transform_2, window_bounds = array<i64: 768, 768>}, {pipeline_mode = #tpu.pipeline_mode<synchronous>, transform_indices = @transform_3, window_bounds = array<i64: 768, 512>}, {pipeline_mode = #tpu.pipeline_mode<synchronous>, transform_indices = @transform_4, window_bounds = array<i64: 1, 512>}, {pipeline_mode = #tpu.pipeline_mode<synchronous>, transform_indices = @transform_5, window_bounds = array<i64: 512, 768>}, {pipeline_mode = #tpu.pipeline_mode<synchronous>, transform_indices = @transform_6, window_bounds = array<i64: 1, 768>}, {pipeline_mode = #tpu.pipeline_mode<synchronous>, transform_indices = @transform_7, window_bounds = array<i64: 1, 768>}, {pipeline_mode = #tpu.pipeline_mode<synchronous>, transform_indices = @transform_8, window_bounds = array<i64: 1, 768>}, {pipeline_mode = #tpu.pipeline_mode<synchronous>, transform_indices = @transform_9, window_bounds = array<i64: 1, 768>}, {pipeline_mode = #tpu.pipeline_mode<synchronous>, transform_indices = @transform_10, window_bounds = array<i64: 1, 768>}, {transform_indices = @transform_11, window_bounds = array<i64: 512, 768>}]} {
    %get3A = arith.constant 0 : index
    %get3A_0 = arith.constant 0 : index
    %get3A_1 = arith.constant 0 : index
    %get3A_2 = vector.load %arg1[%get3A, %get3A_0, %get3A_1] : memref<12x512x64xf32, #tpu.memory_space<vmem>>, vector<1x512x64xf32>
    %get3A_3 = vector.shape_cast %get3A_2 : vector<1x512x64xf32> to vector<512x64xf32>
    %get3A_4 = arith.constant 1 : index
    %get3A_5 = arith.constant 0 : index
    %get3A_6 = arith.constant 0 : index
    %get3A_7 = vector.load %arg1[%get3A_4, %get3A_5, %get3A_6] : memref<12x512x64xf32, #tpu.memory_space<vmem>>, vector<1x512x64xf32>
    %get3A_8 = vector.shape_cast %get3A_7 : vector<1x512x64xf32> to vector<512x64xf32>
    %get3A_9 = arith.constant 2 : index
    %get3A_10 = arith.constant 0 : index
    %get3A_11 = arith.constant 0 : index
    %get3A_12 = vector.load %arg1[%get3A_9, %get3A_10, %get3A_11] : memref<12x512x64xf32, #tpu.memory_space<vmem>>, vector<1x512x64xf32>
    %get3A_13 = vector.shape_cast %get3A_12 : vector<1x512x64xf32> to vector<512x64xf32>
    %get3A_14 = arith.constant 3 : index
    %get3A_15 = arith.constant 0 : index
    %get3A_16 = arith.constant 0 : index
    %get3A_17 = vector.load %arg1[%get3A_14, %get3A_15, %get3A_16] : memref<12x512x64xf32, #tpu.memory_space<vmem>>, vector<1x512x64xf32>
    %get3A_18 = vector.shape_cast %get3A_17 : vector<1x512x64xf32> to vector<512x64xf32>
    %get3A_19 = arith.constant 4 : index
    %get3A_20 = arith.constant 0 : index
    %get3A_21 = arith.constant 0 : index
    %get3A_22 = vector.load %arg1[%get3A_19, %get3A_20, %get3A_21] : memref<12x512x64xf32, #tpu.memory_space<vmem>>, vector<1x512x64xf32>
    %get3A_23 = vector.shape_cast %get3A_22 : vector<1x512x64xf32> to vector<512x64xf32>
    %get3A_24 = arith.constant 5 : index
    %get3A_25 = arith.constant 0 : index
    %get3A_26 = arith.constant 0 : index
    %get3A_27 = vector.load %arg1[%get3A_24, %get3A_25, %get3A_26] : memref<12x512x64xf32, #tpu.memory_space<vmem>>, vector<1x512x64xf32>
    %get3A_28 = vector.shape_cast %get3A_27 : vector<1x512x64xf32> to vector<512x64xf32>
    %get3A_29 = arith.constant 6 : index
    %get3A_30 = arith.constant 0 : index
    %get3A_31 = arith.constant 0 : index
    %get3A_32 = vector.load %arg1[%get3A_29, %get3A_30, %get3A_31] : memref<12x512x64xf32, #tpu.memory_space<vmem>>, vector<1x512x64xf32>
    %get3A_33 = vector.shape_cast %get3A_32 : vector<1x512x64xf32> to vector<512x64xf32>
    %get3A_34 = arith.constant 7 : index
    %get3A_35 = arith.constant 0 : index
    %get3A_36 = arith.constant 0 : index
    %get3A_37 = vector.load %arg1[%get3A_34, %get3A_35, %get3A_36] : memref<12x512x64xf32, #tpu.memory_space<vmem>>, vector<1x512x64xf32>
    %get3A_38 = vector.shape_cast %get3A_37 : vector<1x512x64xf32> to vector<512x64xf32>
    %get3A_39 = arith.constant 8 : index
    %get3A_40 = arith.constant 0 : index
    %get3A_41 = arith.constant 0 : index
    %get3A_42 = vector.load %arg1[%get3A_39, %get3A_40, %get3A_41] : memref<12x512x64xf32, #tpu.memory_space<vmem>>, vector<1x512x64xf32>
    %get3A_43 = vector.shape_cast %get3A_42 : vector<1x512x64xf32> to vector<512x64xf32>
    %get3A_44 = arith.constant 9 : index
    %get3A_45 = arith.constant 0 : index
    %get3A_46 = arith.constant 0 : index
    %get3A_47 = vector.load %arg1[%get3A_44, %get3A_45, %get3A_46] : memref<12x512x64xf32, #tpu.memory_space<vmem>>, vector<1x512x64xf32>
    %get3A_48 = vector.shape_cast %get3A_47 : vector<1x512x64xf32> to vector<512x64xf32>
    %get3A_49 = arith.constant 10 : index
    %get3A_50 = arith.constant 0 : index
    %get3A_51 = arith.constant 0 : index
    %get3A_52 = vector.load %arg1[%get3A_49, %get3A_50, %get3A_51] : memref<12x512x64xf32, #tpu.memory_space<vmem>>, vector<1x512x64xf32>
    %get3A_53 = vector.shape_cast %get3A_52 : vector<1x512x64xf32> to vector<512x64xf32>
    %get3A_54 = arith.constant 11 : index
    %get3A_55 = arith.constant 0 : index
    %get3A_56 = arith.constant 0 : index
    %get3A_57 = vector.load %arg1[%get3A_54, %get3A_55, %get3A_56] : memref<12x512x64xf32, #tpu.memory_space<vmem>>, vector<1x512x64xf32>
    %get3A_58 = vector.shape_cast %get3A_57 : vector<1x512x64xf32> to vector<512x64xf32>
    %concatenate3A = tpu.concatenate %get3A_3, %get3A_8, %get3A_13, %get3A_18, %get3A_23, %get3A_28, %get3A_33, %get3A_38, %get3A_43, %get3A_48, %get3A_53, %get3A_58 in 1 : vector<512x64xf32>, vector<512x64xf32>, vector<512x64xf32>, vector<512x64xf32>, vector<512x64xf32>, vector<512x64xf32>, vector<512x64xf32>, vector<512x64xf32>, vector<512x64xf32>, vector<512x64xf32>, vector<512x64xf32>, vector<512x64xf32> -> vector<512x768xf32>
    %convert_element_type3A = arith.truncf %concatenate3A : vector<512x768xf32> to vector<512x768xbf16>
    %get3A_59 = arith.constant 0 : index
    %get3A_60 = arith.constant 0 : index
    %get3A_61 = vector.load %arg3[%get3A_59, %get3A_60] : memref<768x768xf32, #tpu.memory_space<vmem>>, vector<768x768xf32>
    %convert_element_type3A_62 = arith.truncf %get3A_61 : vector<768x768xf32> to vector<768x768xbf16>
    %dot_general3A = arith.constant dense<0.000000e+00> : vector<512x768xf32>
    %dot_general3A_63 = tpu.matmul %convert_element_type3A, %convert_element_type3A_62, %dot_general3A {dimension_numbers = #tpu.dot_dimension_numbers<[1], [0], [0], [1], [0, 0, 1, 1], [], []>, transpose_lhs_hint = false} : vector<512x768xbf16>, vector<768x768xbf16>, vector<512x768xf32> -> vector<512x768xf32>
    %get3A_64 = arith.constant 0 : index
    %get3A_65 = arith.constant 0 : index
    %get3A_66 = vector.load %arg2[%get3A_64, %get3A_65] : memref<512x768xf32, #tpu.memory_space<vmem>>, vector<512x768xf32>
    %add3A = arith.addf %get3A_66, %dot_general3A_63 : vector<512x768xf32>
    %get3A_67 = arith.constant 0 : index
    %get3A_68 = arith.constant 0 : index
    %get3A_69 = vector.load %arg8[%get3A_67, %get3A_68] : memref<1x768xf32, #tpu.memory_space<vmem>>, vector<1x768xf32>
    %get3A_70 = arith.constant 0 : index
    %get3A_71 = arith.constant 0 : index
    %get3A_72 = vector.load %arg9[%get3A_70, %get3A_71] : memref<1x768xf32, #tpu.memory_space<vmem>>, vector<1x768xf32>
    %reduce_sum3A = arith.constant dense<0.000000e+00> : vector<512xf32>
    %reduce_sum3A_73 = vector.multi_reduction <add>, %add3A, %reduce_sum3A [1] : vector<512x768xf32> to vector<512xf32>
    %broadcast_in_dim3A = vector.shape_cast %reduce_sum3A_73 : vector<512xf32> to vector<512x1xf32>
    %div3A = arith.constant 7.680000e+02 : f32
    %div3A_74 = vector.broadcast %div3A : f32 to vector<512x1xf32>
    %div3A_75 = arith.divf %broadcast_in_dim3A, %div3A_74 : vector<512x1xf32>
    %sub3A = vector.broadcast %div3A_75 : vector<512x1xf32> to vector<512x768xf32>
    %sub3A_76 = arith.subf %add3A, %sub3A : vector<512x768xf32>
    %integer_pow3A = arith.mulf %sub3A_76, %sub3A_76 : vector<512x768xf32>
    %reduce_sum3A_77 = arith.constant dense<0.000000e+00> : vector<512xf32>
    %reduce_sum3A_78 = vector.multi_reduction <add>, %integer_pow3A, %reduce_sum3A_77 [1] : vector<512x768xf32> to vector<512xf32>
    %broadcast_in_dim3A_79 = vector.shape_cast %reduce_sum3A_78 : vector<512xf32> to vector<512x1xf32>
    %div3A_80 = arith.constant 7.680000e+02 : f32
    %div3A_81 = vector.broadcast %div3A_80 : f32 to vector<512x1xf32>
    %div3A_82 = arith.divf %broadcast_in_dim3A_79, %div3A_81 : vector<512x1xf32>
    %sub3A_83 = vector.broadcast %div3A_75 : vector<512x1xf32> to vector<512x768xf32>
    %sub3A_84 = arith.subf %add3A, %sub3A_83 : vector<512x768xf32>
    %add3A_85 = arith.constant 1.000000e-03 : f32
    %add3A_86 = vector.broadcast %add3A_85 : f32 to vector<512x1xf32>
    %add3A_87 = arith.addf %div3A_82, %add3A_86 : vector<512x1xf32>
    %sqrt3A = math.sqrt %add3A_87 : vector<512x1xf32>
    %div3A_88 = vector.broadcast %sqrt3A : vector<512x1xf32> to vector<512x768xf32>
    %div3A_89 = arith.divf %sub3A_84, %div3A_88 : vector<512x768xf32>
    %mul3A = vector.broadcast %get3A_69 : vector<1x768xf32> to vector<512x768xf32>
    %mul3A_90 = arith.mulf %div3A_89, %mul3A : vector<512x768xf32>
    %add3A_91 = vector.broadcast %get3A_72 : vector<1x768xf32> to vector<512x768xf32>
    %add3A_92 = arith.addf %mul3A_90, %add3A_91 : vector<512x768xf32>
    %convert_element_type3A_93 = arith.truncf %add3A_92 : vector<512x768xf32> to vector<512x768xbf16>
    %get3A_94 = arith.constant 0 : index
    %get3A_95 = arith.constant 0 : index
    %get3A_96 = vector.load %arg4[%get3A_94, %get3A_95] : memref<768x512xf32, #tpu.memory_space<vmem>>, vector<768x512xf32>
    %convert_element_type3A_97 = arith.truncf %get3A_96 : vector<768x512xf32> to vector<768x512xbf16>
    %dot_general3A_98 = arith.constant dense<0.000000e+00> : vector<512x512xf32>
    %dot_general3A_99 = tpu.matmul %convert_element_type3A_93, %convert_element_type3A_97, %dot_general3A_98 {dimension_numbers = #tpu.dot_dimension_numbers<[1], [0], [0], [1], [0, 0, 1, 1], [], []>, transpose_lhs_hint = false} : vector<512x768xbf16>, vector<768x512xbf16>, vector<512x512xf32> -> vector<512x512xf32>
    %get3A_100 = arith.constant 0 : index
    %get3A_101 = arith.constant 0 : index
    %get3A_102 = vector.load %arg5[%get3A_100, %get3A_101] : memref<1x512xf32, #tpu.memory_space<vmem>>, vector<1x512xf32>
    %add3A_103 = vector.broadcast %get3A_102 : vector<1x512xf32> to vector<512x512xf32>
    %add3A_104 = arith.addf %dot_general3A_99, %add3A_103 : vector<512x512xf32>
    %max3A = arith.constant 0.000000e+00 : f32
    %max3A_105 = vector.broadcast %max3A : f32 to vector<512x512xf32>
    %max3A_106 = arith.maximumf %add3A_104, %max3A_105 : vector<512x512xf32>
    %convert_element_type3A_107 = arith.truncf %max3A_106 : vector<512x512xf32> to vector<512x512xbf16>
    %get3A_108 = arith.constant 0 : index
    %get3A_109 = arith.constant 0 : index
    %get3A_110 = vector.load %arg6[%get3A_108, %get3A_109] : memref<512x768xf32, #tpu.memory_space<vmem>>, vector<512x768xf32>
    %convert_element_type3A_111 = arith.truncf %get3A_110 : vector<512x768xf32> to vector<512x768xbf16>
    %dot_general3A_112 = arith.constant dense<0.000000e+00> : vector<512x768xf32>
    %dot_general3A_113 = tpu.matmul %convert_element_type3A_107, %convert_element_type3A_111, %dot_general3A_112 {dimension_numbers = #tpu.dot_dimension_numbers<[1], [0], [0], [1], [0, 0, 1, 1], [], []>, transpose_lhs_hint = false} : vector<512x512xbf16>, vector<512x768xbf16>, vector<512x768xf32> -> vector<512x768xf32>
    %get3A_114 = arith.constant 0 : index
    %get3A_115 = arith.constant 0 : index
    %get3A_116 = vector.load %arg7[%get3A_114, %get3A_115] : memref<1x768xf32, #tpu.memory_space<vmem>>, vector<1x768xf32>
    %add3A_117 = vector.broadcast %get3A_116 : vector<1x768xf32> to vector<512x768xf32>
    %add3A_118 = arith.addf %dot_general3A_113, %add3A_117 : vector<512x768xf32>
    %add3A_119 = arith.addf %add3A_92, %add3A_118 : vector<512x768xf32>
    %get3A_120 = arith.constant 0 : index
    %get3A_121 = arith.constant 0 : index
    %get3A_122 = vector.load %arg10[%get3A_120, %get3A_121] : memref<1x768xf32, #tpu.memory_space<vmem>>, vector<1x768xf32>
    %get3A_123 = arith.constant 0 : index
    %get3A_124 = arith.constant 0 : index
    %get3A_125 = vector.load %arg11[%get3A_123, %get3A_124] : memref<1x768xf32, #tpu.memory_space<vmem>>, vector<1x768xf32>
    %reduce_sum3A_126 = arith.constant dense<0.000000e+00> : vector<512xf32>
    %reduce_sum3A_127 = vector.multi_reduction <add>, %add3A_119, %reduce_sum3A_126 [1] : vector<512x768xf32> to vector<512xf32>
    %broadcast_in_dim3A_128 = vector.shape_cast %reduce_sum3A_127 : vector<512xf32> to vector<512x1xf32>
    %div3A_129 = arith.constant 7.680000e+02 : f32
    %div3A_130 = vector.broadcast %div3A_129 : f32 to vector<512x1xf32>
    %div3A_131 = arith.divf %broadcast_in_dim3A_128, %div3A_130 : vector<512x1xf32>
    %sub3A_132 = vector.broadcast %div3A_131 : vector<512x1xf32> to vector<512x768xf32>
    %sub3A_133 = arith.subf %add3A_119, %sub3A_132 : vector<512x768xf32>
    %integer_pow3A_134 = arith.mulf %sub3A_133, %sub3A_133 : vector<512x768xf32>
    %reduce_sum3A_135 = arith.constant dense<0.000000e+00> : vector<512xf32>
    %reduce_sum3A_136 = vector.multi_reduction <add>, %integer_pow3A_134, %reduce_sum3A_135 [1] : vector<512x768xf32> to vector<512xf32>
    %broadcast_in_dim3A_137 = vector.shape_cast %reduce_sum3A_136 : vector<512xf32> to vector<512x1xf32>
    %div3A_138 = arith.constant 7.680000e+02 : f32
    %div3A_139 = vector.broadcast %div3A_138 : f32 to vector<512x1xf32>
    %div3A_140 = arith.divf %broadcast_in_dim3A_137, %div3A_139 : vector<512x1xf32>
    %sub3A_141 = vector.broadcast %div3A_131 : vector<512x1xf32> to vector<512x768xf32>
    %sub3A_142 = arith.subf %add3A_119, %sub3A_141 : vector<512x768xf32>
    %add3A_143 = arith.constant 1.000000e-03 : f32
    %add3A_144 = vector.broadcast %add3A_143 : f32 to vector<512x1xf32>
    %add3A_145 = arith.addf %div3A_140, %add3A_144 : vector<512x1xf32>
    %sqrt3A_146 = math.sqrt %add3A_145 : vector<512x1xf32>
    %div3A_147 = vector.broadcast %sqrt3A_146 : vector<512x1xf32> to vector<512x768xf32>
    %div3A_148 = arith.divf %sub3A_142, %div3A_147 : vector<512x768xf32>
    %mul3A_149 = vector.broadcast %get3A_122 : vector<1x768xf32> to vector<512x768xf32>
    %mul3A_150 = arith.mulf %div3A_148, %mul3A_149 : vector<512x768xf32>
    %add3A_151 = vector.broadcast %get3A_125 : vector<1x768xf32> to vector<512x768xf32>
    %add3A_152 = arith.addf %mul3A_150, %add3A_151 : vector<512x768xf32>
    %swap3A = arith.constant 0 : index
    %swap3A_153 = arith.constant 0 : index
    %swap3A_154 = vector.load %arg12[%swap3A, %swap3A_153] : memref<512x768xf32, #tpu.memory_space<vmem>>, vector<512x768xf32>
    tpu.vector_store %arg12[%swap3A, %swap3A_153], %add3A_152 {strides = array<i32>} : memref<512x768xf32, #tpu.memory_space<vmem>>, vector<512x768xf32>,
    return
  }
  func.func @transform_0(%arg0: i32) -> (i32, i32, i32) {
    %c0_i32 = arith.constant 0 : i32
    %c0_i32_0 = arith.constant 0 : i32
    %c0_i32_1 = arith.constant 0 : i32
    return %c0_i32, %arg0, %c0_i32_0 : i32, i32, i32
  }
  func.func @transform_1(%arg0: i32) -> (i32, i32) {
    %c0_i32 = arith.constant 0 : i32
    %c0_i32_0 = arith.constant 0 : i32
    return %arg0, %c0_i32 : i32, i32
  }
  func.func @transform_2(%arg0: i32) -> (i32, i32) {
    %c0_i32 = arith.constant 0 : i32
    %c0_i32_0 = arith.constant 0 : i32
    %c0_i32_1 = arith.constant 0 : i32
    return %c0_i32, %c0_i32_0 : i32, i32
  }
  func.func @transform_3(%arg0: i32) -> (i32, i32) {
    %c0_i32 = arith.constant 0 : i32
    %c0_i32_0 = arith.constant 0 : i32
    %c0_i32_1 = arith.constant 0 : i32
    return %c0_i32, %c0_i32_0 : i32, i32
  }
  func.func @transform_4(%arg0: i32) -> (i32, i32) {
    %c0_i32 = arith.constant 0 : i32
    %c0_i32_0 = arith.constant 0 : i32
    %c0_i32_1 = arith.constant 0 : i32
    return %c0_i32, %c0_i32_0 : i32, i32
  }
  func.func @transform_5(%arg0: i32) -> (i32, i32) {
    %c0_i32 = arith.constant 0 : i32
    %c0_i32_0 = arith.constant 0 : i32
    %c0_i32_1 = arith.constant 0 : i32
    return %c0_i32, %c0_i32_0 : i32, i32
  }
  func.func @transform_6(%arg0: i32) -> (i32, i32) {
    %c0_i32 = arith.constant 0 : i32
    %c0_i32_0 = arith.constant 0 : i32
    %c0_i32_1 = arith.constant 0 : i32
    return %c0_i32, %c0_i32_0 : i32, i32
  }
  func.func @transform_7(%arg0: i32) -> (i32, i32) {
    %c0_i32 = arith.constant 0 : i32
    %c0_i32_0 = arith.constant 0 : i32
    %c0_i32_1 = arith.constant 0 : i32
    return %c0_i32, %c0_i32_0 : i32, i32
  }
  func.func @transform_8(%arg0: i32) -> (i32, i32) {
    %c0_i32 = arith.constant 0 : i32
    %c0_i32_0 = arith.constant 0 : i32
    %c0_i32_1 = arith.constant 0 : i32
    return %c0_i32, %c0_i32_0 : i32, i32
  }
  func.func @transform_9(%arg0: i32) -> (i32, i32) {
    %c0_i32 = arith.constant 0 : i32
    %c0_i32_0 = arith.constant 0 : i32
    %c0_i32_1 = arith.constant 0 : i32
    return %c0_i32, %c0_i32_0 : i32, i32
  }
  func.func @transform_10(%arg0: i32) -> (i32, i32) {
    %c0_i32 = arith.constant 0 : i32
    %c0_i32_0 = arith.constant 0 : i32
    %c0_i32_1 = arith.constant 0 : i32
    return %c0_i32, %c0_i32_0 : i32, i32
  }
  func.func @transform_11(%arg0: i32) -> (i32, i32) {
    %c0_i32 = arith.constant 0 : i32
    %c0_i32_0 = arith.constant 0 : i32
    return %arg0, %c0_i32 : i32, i32
  }
}

module attributes {stable_mosaic.version = 14 : i64} {
  func.func @_attn_body(%arg0: i32, %arg1: memref<768xi32, #tpu.memory_space<smem>>, %arg2: memref<1x4096x64xf32, #tpu.memory_space<vmem>>, %arg3: memref<1x64x4096xf32, #tpu.memory_space<vmem>>, %arg4: memref<1x4096x64xf32, #tpu.memory_space<vmem>>, %arg5: memref<1x4096x64xf32, #tpu.memory_space<vmem>>, %arg6: memref<48x64xf32, #tpu.memory_space<vmem>>) attributes {dimension_semantics = [#tpu.dimension_semantics<arbitrary>], iteration_bounds = array<i64: 12>, scalar_prefetch = 1 : i64, scratch_operands = 1 : i64, tpu.core_type = #tpu.core_type<tc>, window_params = [{transform_indices = @transform_0, window_bounds = array<i64: 1, 4096, 64>}, {transform_indices = @transform_1, window_bounds = array<i64: 1, 64, 4096>}, {transform_indices = @transform_2, window_bounds = array<i64: 1, 4096, 64>}, {transform_indices = @transform_3, window_bounds = array<i64: 1, 4096, 64>}]} {
    %mul3A = arith.constant 64 : i32
    %mul3A_0 = arith.muli %arg0, %mul3A : i32
    %add3A = arith.constant 0 : i32
    %add3A_1 = arith.addi %mul3A_0, %add3A : i32
    %get3A = arith.index_cast %add3A_1 : i32 to index
    %get3A_2 = memref.load %arg1[%get3A] : memref<768xi32, #tpu.memory_space<smem>>
    %get3A_3 = arith.constant 0 : index
    %get3A_4 = arith.index_cast %get3A_2 : i32 to index
    %get3A_5 = arith.constant 0 : index
    %get3A_6 = vector.load %arg2[%get3A_3, %get3A_4, %get3A_5] : memref<1x4096x64xf32, #tpu.memory_space<vmem>>, vector<1x1x64xf32>
    %get3A_7 = vector.shape_cast %get3A_6 : vector<1x1x64xf32> to vector<1x64xf32>
    %swap3A = arith.constant 0 : index
    %swap3A_8 = arith.constant 0 : index
    %swap3A_9 = vector.load %arg6[%swap3A, %swap3A_8] : memref<48x64xf32, #tpu.memory_space<vmem>>, vector<1x64xf32>
    tpu.vector_store %arg6[%swap3A, %swap3A_8], %get3A_7 {strides = array<i32>} : memref<48x64xf32, #tpu.memory_space<vmem>>, vector<1x64xf32>,
    %mul3A_10 = arith.constant 64 : i32
    %mul3A_11 = arith.muli %arg0, %mul3A_10 : i32
    %add3A_12 = arith.constant 1 : i32
    %add3A_13 = arith.addi %mul3A_11, %add3A_12 : i32
    %get3A_14 = arith.index_cast %add3A_13 : i32 to index
    %get3A_15 = memref.load %arg1[%get3A_14] : memref<768xi32, #tpu.memory_space<smem>>
    %get3A_16 = arith.constant 0 : index
    %get3A_17 = arith.index_cast %get3A_15 : i32 to index
    %get3A_18 = arith.constant 0 : index
    %get3A_19 = vector.load %arg2[%get3A_16, %get3A_17, %get3A_18] : memref<1x4096x64xf32, #tpu.memory_space<vmem>>, vector<1x1x64xf32>
    %get3A_20 = vector.shape_cast %get3A_19 : vector<1x1x64xf32> to vector<1x64xf32>
    %swap3A_21 = arith.constant 1 : index
    %swap3A_22 = arith.constant 0 : index
    %swap3A_23 = vector.load %arg6[%swap3A_21, %swap3A_22] : memref<48x64xf32, #tpu.memory_space<vmem>>, vector<1x64xf32>
    tpu.vector_store %arg6[%swap3A_21, %swap3A_22], %get3A_20 {strides = array<i32>} : memref<48x64xf32, #tpu.memory_space<vmem>>, vector<1x64xf32>,
    %mul3A_24 = arith.constant 64 : i32
    %mul3A_25 = arith.muli %arg0, %mul3A_24 : i32
    %add3A_26 = arith.constant 2 : i32
    %add3A_27 = arith.addi %mul3A_25, %add3A_26 : i32
    %get3A_28 = arith.index_cast %add3A_27 : i32 to index
    %get3A_29 = memref.load %arg1[%get3A_28] : memref<768xi32, #tpu.memory_space<smem>>
    %get3A_30 = arith.constant 0 : index
    %get3A_31 = arith.index_cast %get3A_29 : i32 to index
    %get3A_32 = arith.constant 0 : index
    %get3A_33 = vector.load %arg2[%get3A_30, %get3A_31, %get3A_32] : memref<1x4096x64xf32, #tpu.memory_space<vmem>>, vector<1x1x64xf32>
    %get3A_34 = vector.shape_cast %get3A_33 : vector<1x1x64xf32> to vector<1x64xf32>
    %swap3A_35 = arith.constant 2 : index
    %swap3A_36 = arith.constant 0 : index
    %swap3A_37 = vector.load %arg6[%swap3A_35, %swap3A_36] : memref<48x64xf32, #tpu.memory_space<vmem>>, vector<1x64xf32>
    tpu.vector_store %arg6[%swap3A_35, %swap3A_36], %get3A_34 {strides = array<i32>} : memref<48x64xf32, #tpu.memory_space<vmem>>, vector<1x64xf32>,
    %mul3A_38 = arith.constant 64 : i32
    %mul3A_39 = arith.muli %arg0, %mul3A_38 : i32
    %add3A_40 = arith.constant 3 : i32
    %add3A_41 = arith.addi %mul3A_39, %add3A_40 : i32
    %get3A_42 = arith.index_cast %add3A_41 : i32 to index
    %get3A_43 = memref.load %arg1[%get3A_42] : memref<768xi32, #tpu.memory_space<smem>>
    %get3A_44 = arith.constant 0 : index
    %get3A_45 = arith.index_cast %get3A_43 : i32 to index
    %get3A_46 = arith.constant 0 : index
    %get3A_47 = vector.load %arg2[%get3A_44, %get3A_45, %get3A_46] : memref<1x4096x64xf32, #tpu.memory_space<vmem>>, vector<1x1x64xf32>
    %get3A_48 = vector.shape_cast %get3A_47 : vector<1x1x64xf32> to vector<1x64xf32>
    %swap3A_49 = arith.constant 3 : index
    %swap3A_50 = arith.constant 0 : index
    %swap3A_51 = vector.load %arg6[%swap3A_49, %swap3A_50] : memref<48x64xf32, #tpu.memory_space<vmem>>, vector<1x64xf32>
    tpu.vector_store %arg6[%swap3A_49, %swap3A_50], %get3A_48 {strides = array<i32>} : memref<48x64xf32, #tpu.memory_space<vmem>>, vector<1x64xf32>,
    %mul3A_52 = arith.constant 64 : i32
    %mul3A_53 = arith.muli %arg0, %mul3A_52 : i32
    %add3A_54 = arith.constant 4 : i32
    %add3A_55 = arith.addi %mul3A_53, %add3A_54 : i32
    %get3A_56 = arith.index_cast %add3A_55 : i32 to index
    %get3A_57 = memref.load %arg1[%get3A_56] : memref<768xi32, #tpu.memory_space<smem>>
    %get3A_58 = arith.constant 0 : index
    %get3A_59 = arith.index_cast %get3A_57 : i32 to index
    %get3A_60 = arith.constant 0 : index
    %get3A_61 = vector.load %arg2[%get3A_58, %get3A_59, %get3A_60] : memref<1x4096x64xf32, #tpu.memory_space<vmem>>, vector<1x1x64xf32>
    %get3A_62 = vector.shape_cast %get3A_61 : vector<1x1x64xf32> to vector<1x64xf32>
    %swap3A_63 = arith.constant 4 : index
    %swap3A_64 = arith.constant 0 : index
    %swap3A_65 = vector.load %arg6[%swap3A_63, %swap3A_64] : memref<48x64xf32, #tpu.memory_space<vmem>>, vector<1x64xf32>
    tpu.vector_store %arg6[%swap3A_63, %swap3A_64], %get3A_62 {strides = array<i32>} : memref<48x64xf32, #tpu.memory_space<vmem>>, vector<1x64xf32>,
    %mul3A_66 = arith.constant 64 : i32
    %mul3A_67 = arith.muli %arg0, %mul3A_66 : i32
    %add3A_68 = arith.constant 5 : i32
    %add3A_69 = arith.addi %mul3A_67, %add3A_68 : i32
    %get3A_70 = arith.index_cast %add3A_69 : i32 to index
    %get3A_71 = memref.load %arg1[%get3A_70] : memref<768xi32, #tpu.memory_space<smem>>
    %get3A_72 = arith.constant 0 : index
    %get3A_73 = arith.index_cast %get3A_71 : i32 to index
    %get3A_74 = arith.constant 0 : index
    %get3A_75 = vector.load %arg2[%get3A_72, %get3A_73, %get3A_74] : memref<1x4096x64xf32, #tpu.memory_space<vmem>>, vector<1x1x64xf32>
    %get3A_76 = vector.shape_cast %get3A_75 : vector<1x1x64xf32> to vector<1x64xf32>
    %swap3A_77 = arith.constant 5 : index
    %swap3A_78 = arith.constant 0 : index
    %swap3A_79 = vector.load %arg6[%swap3A_77, %swap3A_78] : memref<48x64xf32, #tpu.memory_space<vmem>>, vector<1x64xf32>
    tpu.vector_store %arg6[%swap3A_77, %swap3A_78], %get3A_76 {strides = array<i32>} : memref<48x64xf32, #tpu.memory_space<vmem>>, vector<1x64xf32>,
    %mul3A_80 = arith.constant 64 : i32
    %mul3A_81 = arith.muli %arg0, %mul3A_80 : i32
    %add3A_82 = arith.constant 6 : i32
    %add3A_83 = arith.addi %mul3A_81, %add3A_82 : i32
    %get3A_84 = arith.index_cast %add3A_83 : i32 to index
    %get3A_85 = memref.load %arg1[%get3A_84] : memref<768xi32, #tpu.memory_space<smem>>
    %get3A_86 = arith.constant 0 : index
    %get3A_87 = arith.index_cast %get3A_85 : i32 to index
    %get3A_88 = arith.constant 0 : index
    %get3A_89 = vector.load %arg2[%get3A_86, %get3A_87, %get3A_88] : memref<1x4096x64xf32, #tpu.memory_space<vmem>>, vector<1x1x64xf32>
    %get3A_90 = vector.shape_cast %get3A_89 : vector<1x1x64xf32> to vector<1x64xf32>
    %swap3A_91 = arith.constant 6 : index
    %swap3A_92 = arith.constant 0 : index
    %swap3A_93 = vector.load %arg6[%swap3A_91, %swap3A_92] : memref<48x64xf32, #tpu.memory_space<vmem>>, vector<1x64xf32>
    tpu.vector_store %arg6[%swap3A_91, %swap3A_92], %get3A_90 {strides = array<i32>} : memref<48x64xf32, #tpu.memory_space<vmem>>, vector<1x64xf32>,
    %mul3A_94 = arith.constant 64 : i32
    %mul3A_95 = arith.muli %arg0, %mul3A_94 : i32
    %add3A_96 = arith.constant 7 : i32
    %add3A_97 = arith.addi %mul3A_95, %add3A_96 : i32
    %get3A_98 = arith.index_cast %add3A_97 : i32 to index
    %get3A_99 = memref.load %arg1[%get3A_98] : memref<768xi32, #tpu.memory_space<smem>>
    %get3A_100 = arith.constant 0 : index
    %get3A_101 = arith.index_cast %get3A_99 : i32 to index
    %get3A_102 = arith.constant 0 : index
    %get3A_103 = vector.load %arg2[%get3A_100, %get3A_101, %get3A_102] : memref<1x4096x64xf32, #tpu.memory_space<vmem>>, vector<1x1x64xf32>
    %get3A_104 = vector.shape_cast %get3A_103 : vector<1x1x64xf32> to vector<1x64xf32>
    %swap3A_105 = arith.constant 7 : index
    %swap3A_106 = arith.constant 0 : index
    %swap3A_107 = vector.load %arg6[%swap3A_105, %swap3A_106] : memref<48x64xf32, #tpu.memory_space<vmem>>, vector<1x64xf32>
    tpu.vector_store %arg6[%swap3A_105, %swap3A_106], %get3A_104 {strides = array<i32>} : memref<48x64xf32, #tpu.memory_space<vmem>>, vector<1x64xf32>,
    %mul3A_108 = arith.constant 64 : i32
    %mul3A_109 = arith.muli %arg0, %mul3A_108 : i32
    %add3A_110 = arith.constant 8 : i32
    %add3A_111 = arith.addi %mul3A_109, %add3A_110 : i32
    %get3A_112 = arith.index_cast %add3A_111 : i32 to index
    %get3A_113 = memref.load %arg1[%get3A_112] : memref<768xi32, #tpu.memory_space<smem>>
    %get3A_114 = arith.constant 0 : index
    %get3A_115 = arith.index_cast %get3A_113 : i32 to index
    %get3A_116 = arith.constant 0 : index
    %get3A_117 = vector.load %arg2[%get3A_114, %get3A_115, %get3A_116] : memref<1x4096x64xf32, #tpu.memory_space<vmem>>, vector<1x1x64xf32>
    %get3A_118 = vector.shape_cast %get3A_117 : vector<1x1x64xf32> to vector<1x64xf32>
    %swap3A_119 = arith.constant 8 : index
    %swap3A_120 = arith.constant 0 : index
    %swap3A_121 = vector.load %arg6[%swap3A_119, %swap3A_120] : memref<48x64xf32, #tpu.memory_space<vmem>>, vector<1x64xf32>
    tpu.vector_store %arg6[%swap3A_119, %swap3A_120], %get3A_118 {strides = array<i32>} : memref<48x64xf32, #tpu.memory_space<vmem>>, vector<1x64xf32>,
    %mul3A_122 = arith.constant 64 : i32
    %mul3A_123 = arith.muli %arg0, %mul3A_122 : i32
    %add3A_124 = arith.constant 9 : i32
    %add3A_125 = arith.addi %mul3A_123, %add3A_124 : i32
    %get3A_126 = arith.index_cast %add3A_125 : i32 to index
    %get3A_127 = memref.load %arg1[%get3A_126] : memref<768xi32, #tpu.memory_space<smem>>
    %get3A_128 = arith.constant 0 : index
    %get3A_129 = arith.index_cast %get3A_127 : i32 to index
    %get3A_130 = arith.constant 0 : index
    %get3A_131 = vector.load %arg2[%get3A_128, %get3A_129, %get3A_130] : memref<1x4096x64xf32, #tpu.memory_space<vmem>>, vector<1x1x64xf32>
    %get3A_132 = vector.shape_cast %get3A_131 : vector<1x1x64xf32> to vector<1x64xf32>
    %swap3A_133 = arith.constant 9 : index
    %swap3A_134 = arith.constant 0 : index
    %swap3A_135 = vector.load %arg6[%swap3A_133, %swap3A_134] : memref<48x64xf32, #tpu.memory_space<vmem>>, vector<1x64xf32>
    tpu.vector_store %arg6[%swap3A_133, %swap3A_134], %get3A_132 {strides = array<i32>} : memref<48x64xf32, #tpu.memory_space<vmem>>, vector<1x64xf32>,
    %mul3A_136 = arith.constant 64 : i32
    %mul3A_137 = arith.muli %arg0, %mul3A_136 : i32
    %add3A_138 = arith.constant 10 : i32
    %add3A_139 = arith.addi %mul3A_137, %add3A_138 : i32
    %get3A_140 = arith.index_cast %add3A_139 : i32 to index
    %get3A_141 = memref.load %arg1[%get3A_140] : memref<768xi32, #tpu.memory_space<smem>>
    %get3A_142 = arith.constant 0 : index
    %get3A_143 = arith.index_cast %get3A_141 : i32 to index
    %get3A_144 = arith.constant 0 : index
    %get3A_145 = vector.load %arg2[%get3A_142, %get3A_143, %get3A_144] : memref<1x4096x64xf32, #tpu.memory_space<vmem>>, vector<1x1x64xf32>
    %get3A_146 = vector.shape_cast %get3A_145 : vector<1x1x64xf32> to vector<1x64xf32>
    %swap3A_147 = arith.constant 10 : index
    %swap3A_148 = arith.constant 0 : index
    %swap3A_149 = vector.load %arg6[%swap3A_147, %swap3A_148] : memref<48x64xf32, #tpu.memory_space<vmem>>, vector<1x64xf32>
    tpu.vector_store %arg6[%swap3A_147, %swap3A_148], %get3A_146 {strides = array<i32>} : memref<48x64xf32, #tpu.memory_space<vmem>>, vector<1x64xf32>,
    %mul3A_150 = arith.constant 64 : i32
    %mul3A_151 = arith.muli %arg0, %mul3A_150 : i32
    %add3A_152 = arith.constant 11 : i32
    %add3A_153 = arith.addi %mul3A_151, %add3A_152 : i32
    %get3A_154 = arith.index_cast %add3A_153 : i32 to index
    %get3A_155 = memref.load %arg1[%get3A_154] : memref<768xi32, #tpu.memory_space<smem>>
    %get3A_156 = arith.constant 0 : index
    %get3A_157 = arith.index_cast %get3A_155 : i32 to index
    %get3A_158 = arith.constant 0 : index
    %get3A_159 = vector.load %arg2[%get3A_156, %get3A_157, %get3A_158] : memref<1x4096x64xf32, #tpu.memory_space<vmem>>, vector<1x1x64xf32>
    %get3A_160 = vector.shape_cast %get3A_159 : vector<1x1x64xf32> to vector<1x64xf32>
    %swap3A_161 = arith.constant 11 : index
    %swap3A_162 = arith.constant 0 : index
    %swap3A_163 = vector.load %arg6[%swap3A_161, %swap3A_162] : memref<48x64xf32, #tpu.memory_space<vmem>>, vector<1x64xf32>
    tpu.vector_store %arg6[%swap3A_161, %swap3A_162], %get3A_160 {strides = array<i32>} : memref<48x64xf32, #tpu.memory_space<vmem>>, vector<1x64xf32>,
    %mul3A_164 = arith.constant 64 : i32
    %mul3A_165 = arith.muli %arg0, %mul3A_164 : i32
    %add3A_166 = arith.constant 12 : i32
    %add3A_167 = arith.addi %mul3A_165, %add3A_166 : i32
    %get3A_168 = arith.index_cast %add3A_167 : i32 to index
    %get3A_169 = memref.load %arg1[%get3A_168] : memref<768xi32, #tpu.memory_space<smem>>
    %get3A_170 = arith.constant 0 : index
    %get3A_171 = arith.index_cast %get3A_169 : i32 to index
    %get3A_172 = arith.constant 0 : index
    %get3A_173 = vector.load %arg2[%get3A_170, %get3A_171, %get3A_172] : memref<1x4096x64xf32, #tpu.memory_space<vmem>>, vector<1x1x64xf32>
    %get3A_174 = vector.shape_cast %get3A_173 : vector<1x1x64xf32> to vector<1x64xf32>
    %swap3A_175 = arith.constant 12 : index
    %swap3A_176 = arith.constant 0 : index
    %swap3A_177 = vector.load %arg6[%swap3A_175, %swap3A_176] : memref<48x64xf32, #tpu.memory_space<vmem>>, vector<1x64xf32>
    tpu.vector_store %arg6[%swap3A_175, %swap3A_176], %get3A_174 {strides = array<i32>} : memref<48x64xf32, #tpu.memory_space<vmem>>, vector<1x64xf32>,
    %mul3A_178 = arith.constant 64 : i32
    %mul3A_179 = arith.muli %arg0, %mul3A_178 : i32
    %add3A_180 = arith.constant 13 : i32
    %add3A_181 = arith.addi %mul3A_179, %add3A_180 : i32
    %get3A_182 = arith.index_cast %add3A_181 : i32 to index
    %get3A_183 = memref.load %arg1[%get3A_182] : memref<768xi32, #tpu.memory_space<smem>>
    %get3A_184 = arith.constant 0 : index
    %get3A_185 = arith.index_cast %get3A_183 : i32 to index
    %get3A_186 = arith.constant 0 : index
    %get3A_187 = vector.load %arg2[%get3A_184, %get3A_185, %get3A_186] : memref<1x4096x64xf32, #tpu.memory_space<vmem>>, vector<1x1x64xf32>
    %get3A_188 = vector.shape_cast %get3A_187 : vector<1x1x64xf32> to vector<1x64xf32>
    %swap3A_189 = arith.constant 13 : index
    %swap3A_190 = arith.constant 0 : index
    %swap3A_191 = vector.load %arg6[%swap3A_189, %swap3A_190] : memref<48x64xf32, #tpu.memory_space<vmem>>, vector<1x64xf32>
    tpu.vector_store %arg6[%swap3A_189, %swap3A_190], %get3A_188 {strides = array<i32>} : memref<48x64xf32, #tpu.memory_space<vmem>>, vector<1x64xf32>,
    %mul3A_192 = arith.constant 64 : i32
    %mul3A_193 = arith.muli %arg0, %mul3A_192 : i32
    %add3A_194 = arith.constant 14 : i32
    %add3A_195 = arith.addi %mul3A_193, %add3A_194 : i32
    %get3A_196 = arith.index_cast %add3A_195 : i32 to index
    %get3A_197 = memref.load %arg1[%get3A_196] : memref<768xi32, #tpu.memory_space<smem>>
    %get3A_198 = arith.constant 0 : index
    %get3A_199 = arith.index_cast %get3A_197 : i32 to index
    %get3A_200 = arith.constant 0 : index
    %get3A_201 = vector.load %arg2[%get3A_198, %get3A_199, %get3A_200] : memref<1x4096x64xf32, #tpu.memory_space<vmem>>, vector<1x1x64xf32>
    %get3A_202 = vector.shape_cast %get3A_201 : vector<1x1x64xf32> to vector<1x64xf32>
    %swap3A_203 = arith.constant 14 : index
    %swap3A_204 = arith.constant 0 : index
    %swap3A_205 = vector.load %arg6[%swap3A_203, %swap3A_204] : memref<48x64xf32, #tpu.memory_space<vmem>>, vector<1x64xf32>
    tpu.vector_store %arg6[%swap3A_203, %swap3A_204], %get3A_202 {strides = array<i32>} : memref<48x64xf32, #tpu.memory_space<vmem>>, vector<1x64xf32>,
    %mul3A_206 = arith.constant 64 : i32
    %mul3A_207 = arith.muli %arg0, %mul3A_206 : i32
    %add3A_208 = arith.constant 15 : i32
    %add3A_209 = arith.addi %mul3A_207, %add3A_208 : i32
    %get3A_210 = arith.index_cast %add3A_209 : i32 to index
    %get3A_211 = memref.load %arg1[%get3A_210] : memref<768xi32, #tpu.memory_space<smem>>
    %get3A_212 = arith.constant 0 : index
    %get3A_213 = arith.index_cast %get3A_211 : i32 to index
    %get3A_214 = arith.constant 0 : index
    %get3A_215 = vector.load %arg2[%get3A_212, %get3A_213, %get3A_214] : memref<1x4096x64xf32, #tpu.memory_space<vmem>>, vector<1x1x64xf32>
    %get3A_216 = vector.shape_cast %get3A_215 : vector<1x1x64xf32> to vector<1x64xf32>
    %swap3A_217 = arith.constant 15 : index
    %swap3A_218 = arith.constant 0 : index
    %swap3A_219 = vector.load %arg6[%swap3A_217, %swap3A_218] : memref<48x64xf32, #tpu.memory_space<vmem>>, vector<1x64xf32>
    tpu.vector_store %arg6[%swap3A_217, %swap3A_218], %get3A_216 {strides = array<i32>} : memref<48x64xf32, #tpu.memory_space<vmem>>, vector<1x64xf32>,
    %mul3A_220 = arith.constant 64 : i32
    %mul3A_221 = arith.muli %arg0, %mul3A_220 : i32
    %add3A_222 = arith.constant 16 : i32
    %add3A_223 = arith.addi %mul3A_221, %add3A_222 : i32
    %get3A_224 = arith.index_cast %add3A_223 : i32 to index
    %get3A_225 = memref.load %arg1[%get3A_224] : memref<768xi32, #tpu.memory_space<smem>>
    %get3A_226 = arith.constant 0 : index
    %get3A_227 = arith.index_cast %get3A_225 : i32 to index
    %get3A_228 = arith.constant 0 : index
    %get3A_229 = vector.load %arg2[%get3A_226, %get3A_227, %get3A_228] : memref<1x4096x64xf32, #tpu.memory_space<vmem>>, vector<1x1x64xf32>
    %get3A_230 = vector.shape_cast %get3A_229 : vector<1x1x64xf32> to vector<1x64xf32>
    %swap3A_231 = arith.constant 16 : index
    %swap3A_232 = arith.constant 0 : index
    %swap3A_233 = vector.load %arg6[%swap3A_231, %swap3A_232] : memref<48x64xf32, #tpu.memory_space<vmem>>, vector<1x64xf32>
    tpu.vector_store %arg6[%swap3A_231, %swap3A_232], %get3A_230 {strides = array<i32>} : memref<48x64xf32, #tpu.memory_space<vmem>>, vector<1x64xf32>,
    %mul3A_234 = arith.constant 64 : i32
    %mul3A_235 = arith.muli %arg0, %mul3A_234 : i32
    %add3A_236 = arith.constant 17 : i32
    %add3A_237 = arith.addi %mul3A_235, %add3A_236 : i32
    %get3A_238 = arith.index_cast %add3A_237 : i32 to index
    %get3A_239 = memref.load %arg1[%get3A_238] : memref<768xi32, #tpu.memory_space<smem>>
    %get3A_240 = arith.constant 0 : index
    %get3A_241 = arith.index_cast %get3A_239 : i32 to index
    %get3A_242 = arith.constant 0 : index
    %get3A_243 = vector.load %arg2[%get3A_240, %get3A_241, %get3A_242] : memref<1x4096x64xf32, #tpu.memory_space<vmem>>, vector<1x1x64xf32>
    %get3A_244 = vector.shape_cast %get3A_243 : vector<1x1x64xf32> to vector<1x64xf32>
    %swap3A_245 = arith.constant 17 : index
    %swap3A_246 = arith.constant 0 : index
    %swap3A_247 = vector.load %arg6[%swap3A_245, %swap3A_246] : memref<48x64xf32, #tpu.memory_space<vmem>>, vector<1x64xf32>
    tpu.vector_store %arg6[%swap3A_245, %swap3A_246], %get3A_244 {strides = array<i32>} : memref<48x64xf32, #tpu.memory_space<vmem>>, vector<1x64xf32>,
    %mul3A_248 = arith.constant 64 : i32
    %mul3A_249 = arith.muli %arg0, %mul3A_248 : i32
    %add3A_250 = arith.constant 18 : i32
    %add3A_251 = arith.addi %mul3A_249, %add3A_250 : i32
    %get3A_252 = arith.index_cast %add3A_251 : i32 to index
    %get3A_253 = memref.load %arg1[%get3A_252] : memref<768xi32, #tpu.memory_space<smem>>
    %get3A_254 = arith.constant 0 : index
    %get3A_255 = arith.index_cast %get3A_253 : i32 to index
    %get3A_256 = arith.constant 0 : index
    %get3A_257 = vector.load %arg2[%get3A_254, %get3A_255, %get3A_256] : memref<1x4096x64xf32, #tpu.memory_space<vmem>>, vector<1x1x64xf32>
    %get3A_258 = vector.shape_cast %get3A_257 : vector<1x1x64xf32> to vector<1x64xf32>
    %swap3A_259 = arith.constant 18 : index
    %swap3A_260 = arith.constant 0 : index
    %swap3A_261 = vector.load %arg6[%swap3A_259, %swap3A_260] : memref<48x64xf32, #tpu.memory_space<vmem>>, vector<1x64xf32>
    tpu.vector_store %arg6[%swap3A_259, %swap3A_260], %get3A_258 {strides = array<i32>} : memref<48x64xf32, #tpu.memory_space<vmem>>, vector<1x64xf32>,
    %mul3A_262 = arith.constant 64 : i32
    %mul3A_263 = arith.muli %arg0, %mul3A_262 : i32
    %add3A_264 = arith.constant 19 : i32
    %add3A_265 = arith.addi %mul3A_263, %add3A_264 : i32
    %get3A_266 = arith.index_cast %add3A_265 : i32 to index
    %get3A_267 = memref.load %arg1[%get3A_266] : memref<768xi32, #tpu.memory_space<smem>>
    %get3A_268 = arith.constant 0 : index
    %get3A_269 = arith.index_cast %get3A_267 : i32 to index
    %get3A_270 = arith.constant 0 : index
    %get3A_271 = vector.load %arg2[%get3A_268, %get3A_269, %get3A_270] : memref<1x4096x64xf32, #tpu.memory_space<vmem>>, vector<1x1x64xf32>
    %get3A_272 = vector.shape_cast %get3A_271 : vector<1x1x64xf32> to vector<1x64xf32>
    %swap3A_273 = arith.constant 19 : index
    %swap3A_274 = arith.constant 0 : index
    %swap3A_275 = vector.load %arg6[%swap3A_273, %swap3A_274] : memref<48x64xf32, #tpu.memory_space<vmem>>, vector<1x64xf32>
    tpu.vector_store %arg6[%swap3A_273, %swap3A_274], %get3A_272 {strides = array<i32>} : memref<48x64xf32, #tpu.memory_space<vmem>>, vector<1x64xf32>,
    %mul3A_276 = arith.constant 64 : i32
    %mul3A_277 = arith.muli %arg0, %mul3A_276 : i32
    %add3A_278 = arith.constant 20 : i32
    %add3A_279 = arith.addi %mul3A_277, %add3A_278 : i32
    %get3A_280 = arith.index_cast %add3A_279 : i32 to index
    %get3A_281 = memref.load %arg1[%get3A_280] : memref<768xi32, #tpu.memory_space<smem>>
    %get3A_282 = arith.constant 0 : index
    %get3A_283 = arith.index_cast %get3A_281 : i32 to index
    %get3A_284 = arith.constant 0 : index
    %get3A_285 = vector.load %arg2[%get3A_282, %get3A_283, %get3A_284] : memref<1x4096x64xf32, #tpu.memory_space<vmem>>, vector<1x1x64xf32>
    %get3A_286 = vector.shape_cast %get3A_285 : vector<1x1x64xf32> to vector<1x64xf32>
    %swap3A_287 = arith.constant 20 : index
    %swap3A_288 = arith.constant 0 : index
    %swap3A_289 = vector.load %arg6[%swap3A_287, %swap3A_288] : memref<48x64xf32, #tpu.memory_space<vmem>>, vector<1x64xf32>
    tpu.vector_store %arg6[%swap3A_287, %swap3A_288], %get3A_286 {strides = array<i32>} : memref<48x64xf32, #tpu.memory_space<vmem>>, vector<1x64xf32>,
    %mul3A_290 = arith.constant 64 : i32
    %mul3A_291 = arith.muli %arg0, %mul3A_290 : i32
    %add3A_292 = arith.constant 21 : i32
    %add3A_293 = arith.addi %mul3A_291, %add3A_292 : i32
    %get3A_294 = arith.index_cast %add3A_293 : i32 to index
    %get3A_295 = memref.load %arg1[%get3A_294] : memref<768xi32, #tpu.memory_space<smem>>
    %get3A_296 = arith.constant 0 : index
    %get3A_297 = arith.index_cast %get3A_295 : i32 to index
    %get3A_298 = arith.constant 0 : index
    %get3A_299 = vector.load %arg2[%get3A_296, %get3A_297, %get3A_298] : memref<1x4096x64xf32, #tpu.memory_space<vmem>>, vector<1x1x64xf32>
    %get3A_300 = vector.shape_cast %get3A_299 : vector<1x1x64xf32> to vector<1x64xf32>
    %swap3A_301 = arith.constant 21 : index
    %swap3A_302 = arith.constant 0 : index
    %swap3A_303 = vector.load %arg6[%swap3A_301, %swap3A_302] : memref<48x64xf32, #tpu.memory_space<vmem>>, vector<1x64xf32>
    tpu.vector_store %arg6[%swap3A_301, %swap3A_302], %get3A_300 {strides = array<i32>} : memref<48x64xf32, #tpu.memory_space<vmem>>, vector<1x64xf32>,
    %mul3A_304 = arith.constant 64 : i32
    %mul3A_305 = arith.muli %arg0, %mul3A_304 : i32
    %add3A_306 = arith.constant 22 : i32
    %add3A_307 = arith.addi %mul3A_305, %add3A_306 : i32
    %get3A_308 = arith.index_cast %add3A_307 : i32 to index
    %get3A_309 = memref.load %arg1[%get3A_308] : memref<768xi32, #tpu.memory_space<smem>>
    %get3A_310 = arith.constant 0 : index
    %get3A_311 = arith.index_cast %get3A_309 : i32 to index
    %get3A_312 = arith.constant 0 : index
    %get3A_313 = vector.load %arg2[%get3A_310, %get3A_311, %get3A_312] : memref<1x4096x64xf32, #tpu.memory_space<vmem>>, vector<1x1x64xf32>
    %get3A_314 = vector.shape_cast %get3A_313 : vector<1x1x64xf32> to vector<1x64xf32>
    %swap3A_315 = arith.constant 22 : index
    %swap3A_316 = arith.constant 0 : index
    %swap3A_317 = vector.load %arg6[%swap3A_315, %swap3A_316] : memref<48x64xf32, #tpu.memory_space<vmem>>, vector<1x64xf32>
    tpu.vector_store %arg6[%swap3A_315, %swap3A_316], %get3A_314 {strides = array<i32>} : memref<48x64xf32, #tpu.memory_space<vmem>>, vector<1x64xf32>,
    %mul3A_318 = arith.constant 64 : i32
    %mul3A_319 = arith.muli %arg0, %mul3A_318 : i32
    %add3A_320 = arith.constant 23 : i32
    %add3A_321 = arith.addi %mul3A_319, %add3A_320 : i32
    %get3A_322 = arith.index_cast %add3A_321 : i32 to index
    %get3A_323 = memref.load %arg1[%get3A_322] : memref<768xi32, #tpu.memory_space<smem>>
    %get3A_324 = arith.constant 0 : index
    %get3A_325 = arith.index_cast %get3A_323 : i32 to index
    %get3A_326 = arith.constant 0 : index
    %get3A_327 = vector.load %arg2[%get3A_324, %get3A_325, %get3A_326] : memref<1x4096x64xf32, #tpu.memory_space<vmem>>, vector<1x1x64xf32>
    %get3A_328 = vector.shape_cast %get3A_327 : vector<1x1x64xf32> to vector<1x64xf32>
    %swap3A_329 = arith.constant 23 : index
    %swap3A_330 = arith.constant 0 : index
    %swap3A_331 = vector.load %arg6[%swap3A_329, %swap3A_330] : memref<48x64xf32, #tpu.memory_space<vmem>>, vector<1x64xf32>
    tpu.vector_store %arg6[%swap3A_329, %swap3A_330], %get3A_328 {strides = array<i32>} : memref<48x64xf32, #tpu.memory_space<vmem>>, vector<1x64xf32>,
    %mul3A_332 = arith.constant 64 : i32
    %mul3A_333 = arith.muli %arg0, %mul3A_332 : i32
    %add3A_334 = arith.constant 24 : i32
    %add3A_335 = arith.addi %mul3A_333, %add3A_334 : i32
    %get3A_336 = arith.index_cast %add3A_335 : i32 to index
    %get3A_337 = memref.load %arg1[%get3A_336] : memref<768xi32, #tpu.memory_space<smem>>
    %get3A_338 = arith.constant 0 : index
    %get3A_339 = arith.index_cast %get3A_337 : i32 to index
    %get3A_340 = arith.constant 0 : index
    %get3A_341 = vector.load %arg2[%get3A_338, %get3A_339, %get3A_340] : memref<1x4096x64xf32, #tpu.memory_space<vmem>>, vector<1x1x64xf32>
    %get3A_342 = vector.shape_cast %get3A_341 : vector<1x1x64xf32> to vector<1x64xf32>
    %swap3A_343 = arith.constant 24 : index
    %swap3A_344 = arith.constant 0 : index
    %swap3A_345 = vector.load %arg6[%swap3A_343, %swap3A_344] : memref<48x64xf32, #tpu.memory_space<vmem>>, vector<1x64xf32>
    tpu.vector_store %arg6[%swap3A_343, %swap3A_344], %get3A_342 {strides = array<i32>} : memref<48x64xf32, #tpu.memory_space<vmem>>, vector<1x64xf32>,
    %mul3A_346 = arith.constant 64 : i32
    %mul3A_347 = arith.muli %arg0, %mul3A_346 : i32
    %add3A_348 = arith.constant 25 : i32
    %add3A_349 = arith.addi %mul3A_347, %add3A_348 : i32
    %get3A_350 = arith.index_cast %add3A_349 : i32 to index
    %get3A_351 = memref.load %arg1[%get3A_350] : memref<768xi32, #tpu.memory_space<smem>>
    %get3A_352 = arith.constant 0 : index
    %get3A_353 = arith.index_cast %get3A_351 : i32 to index
    %get3A_354 = arith.constant 0 : index
    %get3A_355 = vector.load %arg2[%get3A_352, %get3A_353, %get3A_354] : memref<1x4096x64xf32, #tpu.memory_space<vmem>>, vector<1x1x64xf32>
    %get3A_356 = vector.shape_cast %get3A_355 : vector<1x1x64xf32> to vector<1x64xf32>
    %swap3A_357 = arith.constant 25 : index
    %swap3A_358 = arith.constant 0 : index
    %swap3A_359 = vector.load %arg6[%swap3A_357, %swap3A_358] : memref<48x64xf32, #tpu.memory_space<vmem>>, vector<1x64xf32>
    tpu.vector_store %arg6[%swap3A_357, %swap3A_358], %get3A_356 {strides = array<i32>} : memref<48x64xf32, #tpu.memory_space<vmem>>, vector<1x64xf32>,
    %mul3A_360 = arith.constant 64 : i32
    %mul3A_361 = arith.muli %arg0, %mul3A_360 : i32
    %add3A_362 = arith.constant 26 : i32
    %add3A_363 = arith.addi %mul3A_361, %add3A_362 : i32
    %get3A_364 = arith.index_cast %add3A_363 : i32 to index
    %get3A_365 = memref.load %arg1[%get3A_364] : memref<768xi32, #tpu.memory_space<smem>>
    %get3A_366 = arith.constant 0 : index
    %get3A_367 = arith.index_cast %get3A_365 : i32 to index
    %get3A_368 = arith.constant 0 : index
    %get3A_369 = vector.load %arg2[%get3A_366, %get3A_367, %get3A_368] : memref<1x4096x64xf32, #tpu.memory_space<vmem>>, vector<1x1x64xf32>
    %get3A_370 = vector.shape_cast %get3A_369 : vector<1x1x64xf32> to vector<1x64xf32>
    %swap3A_371 = arith.constant 26 : index
    %swap3A_372 = arith.constant 0 : index
    %swap3A_373 = vector.load %arg6[%swap3A_371, %swap3A_372] : memref<48x64xf32, #tpu.memory_space<vmem>>, vector<1x64xf32>
    tpu.vector_store %arg6[%swap3A_371, %swap3A_372], %get3A_370 {strides = array<i32>} : memref<48x64xf32, #tpu.memory_space<vmem>>, vector<1x64xf32>,
    %mul3A_374 = arith.constant 64 : i32
    %mul3A_375 = arith.muli %arg0, %mul3A_374 : i32
    %add3A_376 = arith.constant 27 : i32
    %add3A_377 = arith.addi %mul3A_375, %add3A_376 : i32
    %get3A_378 = arith.index_cast %add3A_377 : i32 to index
    %get3A_379 = memref.load %arg1[%get3A_378] : memref<768xi32, #tpu.memory_space<smem>>
    %get3A_380 = arith.constant 0 : index
    %get3A_381 = arith.index_cast %get3A_379 : i32 to index
    %get3A_382 = arith.constant 0 : index
    %get3A_383 = vector.load %arg2[%get3A_380, %get3A_381, %get3A_382] : memref<1x4096x64xf32, #tpu.memory_space<vmem>>, vector<1x1x64xf32>
    %get3A_384 = vector.shape_cast %get3A_383 : vector<1x1x64xf32> to vector<1x64xf32>
    %swap3A_385 = arith.constant 27 : index
    %swap3A_386 = arith.constant 0 : index
    %swap3A_387 = vector.load %arg6[%swap3A_385, %swap3A_386] : memref<48x64xf32, #tpu.memory_space<vmem>>, vector<1x64xf32>
    tpu.vector_store %arg6[%swap3A_385, %swap3A_386], %get3A_384 {strides = array<i32>} : memref<48x64xf32, #tpu.memory_space<vmem>>, vector<1x64xf32>,
    %mul3A_388 = arith.constant 64 : i32
    %mul3A_389 = arith.muli %arg0, %mul3A_388 : i32
    %add3A_390 = arith.constant 28 : i32
    %add3A_391 = arith.addi %mul3A_389, %add3A_390 : i32
    %get3A_392 = arith.index_cast %add3A_391 : i32 to index
    %get3A_393 = memref.load %arg1[%get3A_392] : memref<768xi32, #tpu.memory_space<smem>>
    %get3A_394 = arith.constant 0 : index
    %get3A_395 = arith.index_cast %get3A_393 : i32 to index
    %get3A_396 = arith.constant 0 : index
    %get3A_397 = vector.load %arg2[%get3A_394, %get3A_395, %get3A_396] : memref<1x4096x64xf32, #tpu.memory_space<vmem>>, vector<1x1x64xf32>
    %get3A_398 = vector.shape_cast %get3A_397 : vector<1x1x64xf32> to vector<1x64xf32>
    %swap3A_399 = arith.constant 28 : index
    %swap3A_400 = arith.constant 0 : index
    %swap3A_401 = vector.load %arg6[%swap3A_399, %swap3A_400] : memref<48x64xf32, #tpu.memory_space<vmem>>, vector<1x64xf32>
    tpu.vector_store %arg6[%swap3A_399, %swap3A_400], %get3A_398 {strides = array<i32>} : memref<48x64xf32, #tpu.memory_space<vmem>>, vector<1x64xf32>,
    %mul3A_402 = arith.constant 64 : i32
    %mul3A_403 = arith.muli %arg0, %mul3A_402 : i32
    %add3A_404 = arith.constant 29 : i32
    %add3A_405 = arith.addi %mul3A_403, %add3A_404 : i32
    %get3A_406 = arith.index_cast %add3A_405 : i32 to index
    %get3A_407 = memref.load %arg1[%get3A_406] : memref<768xi32, #tpu.memory_space<smem>>
    %get3A_408 = arith.constant 0 : index
    %get3A_409 = arith.index_cast %get3A_407 : i32 to index
    %get3A_410 = arith.constant 0 : index
    %get3A_411 = vector.load %arg2[%get3A_408, %get3A_409, %get3A_410] : memref<1x4096x64xf32, #tpu.memory_space<vmem>>, vector<1x1x64xf32>
    %get3A_412 = vector.shape_cast %get3A_411 : vector<1x1x64xf32> to vector<1x64xf32>
    %swap3A_413 = arith.constant 29 : index
    %swap3A_414 = arith.constant 0 : index
    %swap3A_415 = vector.load %arg6[%swap3A_413, %swap3A_414] : memref<48x64xf32, #tpu.memory_space<vmem>>, vector<1x64xf32>
    tpu.vector_store %arg6[%swap3A_413, %swap3A_414], %get3A_412 {strides = array<i32>} : memref<48x64xf32, #tpu.memory_space<vmem>>, vector<1x64xf32>,
    %mul3A_416 = arith.constant 64 : i32
    %mul3A_417 = arith.muli %arg0, %mul3A_416 : i32
    %add3A_418 = arith.constant 30 : i32
    %add3A_419 = arith.addi %mul3A_417, %add3A_418 : i32
    %get3A_420 = arith.index_cast %add3A_419 : i32 to index
    %get3A_421 = memref.load %arg1[%get3A_420] : memref<768xi32, #tpu.memory_space<smem>>
    %get3A_422 = arith.constant 0 : index
    %get3A_423 = arith.index_cast %get3A_421 : i32 to index
    %get3A_424 = arith.constant 0 : index
    %get3A_425 = vector.load %arg2[%get3A_422, %get3A_423, %get3A_424] : memref<1x4096x64xf32, #tpu.memory_space<vmem>>, vector<1x1x64xf32>
    %get3A_426 = vector.shape_cast %get3A_425 : vector<1x1x64xf32> to vector<1x64xf32>
    %swap3A_427 = arith.constant 30 : index
    %swap3A_428 = arith.constant 0 : index
    %swap3A_429 = vector.load %arg6[%swap3A_427, %swap3A_428] : memref<48x64xf32, #tpu.memory_space<vmem>>, vector<1x64xf32>
    tpu.vector_store %arg6[%swap3A_427, %swap3A_428], %get3A_426 {strides = array<i32>} : memref<48x64xf32, #tpu.memory_space<vmem>>, vector<1x64xf32>,
    %mul3A_430 = arith.constant 64 : i32
    %mul3A_431 = arith.muli %arg0, %mul3A_430 : i32
    %add3A_432 = arith.constant 31 : i32
    %add3A_433 = arith.addi %mul3A_431, %add3A_432 : i32
    %get3A_434 = arith.index_cast %add3A_433 : i32 to index
    %get3A_435 = memref.load %arg1[%get3A_434] : memref<768xi32, #tpu.memory_space<smem>>
    %get3A_436 = arith.constant 0 : index
    %get3A_437 = arith.index_cast %get3A_435 : i32 to index
    %get3A_438 = arith.constant 0 : index
    %get3A_439 = vector.load %arg2[%get3A_436, %get3A_437, %get3A_438] : memref<1x4096x64xf32, #tpu.memory_space<vmem>>, vector<1x1x64xf32>
    %get3A_440 = vector.shape_cast %get3A_439 : vector<1x1x64xf32> to vector<1x64xf32>
    %swap3A_441 = arith.constant 31 : index
    %swap3A_442 = arith.constant 0 : index
    %swap3A_443 = vector.load %arg6[%swap3A_441, %swap3A_442] : memref<48x64xf32, #tpu.memory_space<vmem>>, vector<1x64xf32>
    tpu.vector_store %arg6[%swap3A_441, %swap3A_442], %get3A_440 {strides = array<i32>} : memref<48x64xf32, #tpu.memory_space<vmem>>, vector<1x64xf32>,
    %mul3A_444 = arith.constant 64 : i32
    %mul3A_445 = arith.muli %arg0, %mul3A_444 : i32
    %add3A_446 = arith.constant 32 : i32
    %add3A_447 = arith.addi %mul3A_445, %add3A_446 : i32
    %get3A_448 = arith.index_cast %add3A_447 : i32 to index
    %get3A_449 = memref.load %arg1[%get3A_448] : memref<768xi32, #tpu.memory_space<smem>>
    %get3A_450 = arith.constant 0 : index
    %get3A_451 = arith.index_cast %get3A_449 : i32 to index
    %get3A_452 = arith.constant 0 : index
    %get3A_453 = vector.load %arg2[%get3A_450, %get3A_451, %get3A_452] : memref<1x4096x64xf32, #tpu.memory_space<vmem>>, vector<1x1x64xf32>
    %get3A_454 = vector.shape_cast %get3A_453 : vector<1x1x64xf32> to vector<1x64xf32>
    %swap3A_455 = arith.constant 32 : index
    %swap3A_456 = arith.constant 0 : index
    %swap3A_457 = vector.load %arg6[%swap3A_455, %swap3A_456] : memref<48x64xf32, #tpu.memory_space<vmem>>, vector<1x64xf32>
    tpu.vector_store %arg6[%swap3A_455, %swap3A_456], %get3A_454 {strides = array<i32>} : memref<48x64xf32, #tpu.memory_space<vmem>>, vector<1x64xf32>,
    %mul3A_458 = arith.constant 64 : i32
    %mul3A_459 = arith.muli %arg0, %mul3A_458 : i32
    %add3A_460 = arith.constant 33 : i32
    %add3A_461 = arith.addi %mul3A_459, %add3A_460 : i32
    %get3A_462 = arith.index_cast %add3A_461 : i32 to index
    %get3A_463 = memref.load %arg1[%get3A_462] : memref<768xi32, #tpu.memory_space<smem>>
    %get3A_464 = arith.constant 0 : index
    %get3A_465 = arith.index_cast %get3A_463 : i32 to index
    %get3A_466 = arith.constant 0 : index
    %get3A_467 = vector.load %arg2[%get3A_464, %get3A_465, %get3A_466] : memref<1x4096x64xf32, #tpu.memory_space<vmem>>, vector<1x1x64xf32>
    %get3A_468 = vector.shape_cast %get3A_467 : vector<1x1x64xf32> to vector<1x64xf32>
    %swap3A_469 = arith.constant 33 : index
    %swap3A_470 = arith.constant 0 : index
    %swap3A_471 = vector.load %arg6[%swap3A_469, %swap3A_470] : memref<48x64xf32, #tpu.memory_space<vmem>>, vector<1x64xf32>
    tpu.vector_store %arg6[%swap3A_469, %swap3A_470], %get3A_468 {strides = array<i32>} : memref<48x64xf32, #tpu.memory_space<vmem>>, vector<1x64xf32>,
    %mul3A_472 = arith.constant 64 : i32
    %mul3A_473 = arith.muli %arg0, %mul3A_472 : i32
    %add3A_474 = arith.constant 34 : i32
    %add3A_475 = arith.addi %mul3A_473, %add3A_474 : i32
    %get3A_476 = arith.index_cast %add3A_475 : i32 to index
    %get3A_477 = memref.load %arg1[%get3A_476] : memref<768xi32, #tpu.memory_space<smem>>
    %get3A_478 = arith.constant 0 : index
    %get3A_479 = arith.index_cast %get3A_477 : i32 to index
    %get3A_480 = arith.constant 0 : index
    %get3A_481 = vector.load %arg2[%get3A_478, %get3A_479, %get3A_480] : memref<1x4096x64xf32, #tpu.memory_space<vmem>>, vector<1x1x64xf32>
    %get3A_482 = vector.shape_cast %get3A_481 : vector<1x1x64xf32> to vector<1x64xf32>
    %swap3A_483 = arith.constant 34 : index
    %swap3A_484 = arith.constant 0 : index
    %swap3A_485 = vector.load %arg6[%swap3A_483, %swap3A_484] : memref<48x64xf32, #tpu.memory_space<vmem>>, vector<1x64xf32>
    tpu.vector_store %arg6[%swap3A_483, %swap3A_484], %get3A_482 {strides = array<i32>} : memref<48x64xf32, #tpu.memory_space<vmem>>, vector<1x64xf32>,
    %mul3A_486 = arith.constant 64 : i32
    %mul3A_487 = arith.muli %arg0, %mul3A_486 : i32
    %add3A_488 = arith.constant 35 : i32
    %add3A_489 = arith.addi %mul3A_487, %add3A_488 : i32
    %get3A_490 = arith.index_cast %add3A_489 : i32 to index
    %get3A_491 = memref.load %arg1[%get3A_490] : memref<768xi32, #tpu.memory_space<smem>>
    %get3A_492 = arith.constant 0 : index
    %get3A_493 = arith.index_cast %get3A_491 : i32 to index
    %get3A_494 = arith.constant 0 : index
    %get3A_495 = vector.load %arg2[%get3A_492, %get3A_493, %get3A_494] : memref<1x4096x64xf32, #tpu.memory_space<vmem>>, vector<1x1x64xf32>
    %get3A_496 = vector.shape_cast %get3A_495 : vector<1x1x64xf32> to vector<1x64xf32>
    %swap3A_497 = arith.constant 35 : index
    %swap3A_498 = arith.constant 0 : index
    %swap3A_499 = vector.load %arg6[%swap3A_497, %swap3A_498] : memref<48x64xf32, #tpu.memory_space<vmem>>, vector<1x64xf32>
    tpu.vector_store %arg6[%swap3A_497, %swap3A_498], %get3A_496 {strides = array<i32>} : memref<48x64xf32, #tpu.memory_space<vmem>>, vector<1x64xf32>,
    %mul3A_500 = arith.constant 64 : i32
    %mul3A_501 = arith.muli %arg0, %mul3A_500 : i32
    %add3A_502 = arith.constant 36 : i32
    %add3A_503 = arith.addi %mul3A_501, %add3A_502 : i32
    %get3A_504 = arith.index_cast %add3A_503 : i32 to index
    %get3A_505 = memref.load %arg1[%get3A_504] : memref<768xi32, #tpu.memory_space<smem>>
    %get3A_506 = arith.constant 0 : index
    %get3A_507 = arith.index_cast %get3A_505 : i32 to index
    %get3A_508 = arith.constant 0 : index
    %get3A_509 = vector.load %arg2[%get3A_506, %get3A_507, %get3A_508] : memref<1x4096x64xf32, #tpu.memory_space<vmem>>, vector<1x1x64xf32>
    %get3A_510 = vector.shape_cast %get3A_509 : vector<1x1x64xf32> to vector<1x64xf32>
    %swap3A_511 = arith.constant 36 : index
    %swap3A_512 = arith.constant 0 : index
    %swap3A_513 = vector.load %arg6[%swap3A_511, %swap3A_512] : memref<48x64xf32, #tpu.memory_space<vmem>>, vector<1x64xf32>
    tpu.vector_store %arg6[%swap3A_511, %swap3A_512], %get3A_510 {strides = array<i32>} : memref<48x64xf32, #tpu.memory_space<vmem>>, vector<1x64xf32>,
    %mul3A_514 = arith.constant 64 : i32
    %mul3A_515 = arith.muli %arg0, %mul3A_514 : i32
    %add3A_516 = arith.constant 37 : i32
    %add3A_517 = arith.addi %mul3A_515, %add3A_516 : i32
    %get3A_518 = arith.index_cast %add3A_517 : i32 to index
    %get3A_519 = memref.load %arg1[%get3A_518] : memref<768xi32, #tpu.memory_space<smem>>
    %get3A_520 = arith.constant 0 : index
    %get3A_521 = arith.index_cast %get3A_519 : i32 to index
    %get3A_522 = arith.constant 0 : index
    %get3A_523 = vector.load %arg2[%get3A_520, %get3A_521, %get3A_522] : memref<1x4096x64xf32, #tpu.memory_space<vmem>>, vector<1x1x64xf32>
    %get3A_524 = vector.shape_cast %get3A_523 : vector<1x1x64xf32> to vector<1x64xf32>
    %swap3A_525 = arith.constant 37 : index
    %swap3A_526 = arith.constant 0 : index
    %swap3A_527 = vector.load %arg6[%swap3A_525, %swap3A_526] : memref<48x64xf32, #tpu.memory_space<vmem>>, vector<1x64xf32>
    tpu.vector_store %arg6[%swap3A_525, %swap3A_526], %get3A_524 {strides = array<i32>} : memref<48x64xf32, #tpu.memory_space<vmem>>, vector<1x64xf32>,
    %mul3A_528 = arith.constant 64 : i32
    %mul3A_529 = arith.muli %arg0, %mul3A_528 : i32
    %add3A_530 = arith.constant 38 : i32
    %add3A_531 = arith.addi %mul3A_529, %add3A_530 : i32
    %get3A_532 = arith.index_cast %add3A_531 : i32 to index
    %get3A_533 = memref.load %arg1[%get3A_532] : memref<768xi32, #tpu.memory_space<smem>>
    %get3A_534 = arith.constant 0 : index
    %get3A_535 = arith.index_cast %get3A_533 : i32 to index
    %get3A_536 = arith.constant 0 : index
    %get3A_537 = vector.load %arg2[%get3A_534, %get3A_535, %get3A_536] : memref<1x4096x64xf32, #tpu.memory_space<vmem>>, vector<1x1x64xf32>
    %get3A_538 = vector.shape_cast %get3A_537 : vector<1x1x64xf32> to vector<1x64xf32>
    %swap3A_539 = arith.constant 38 : index
    %swap3A_540 = arith.constant 0 : index
    %swap3A_541 = vector.load %arg6[%swap3A_539, %swap3A_540] : memref<48x64xf32, #tpu.memory_space<vmem>>, vector<1x64xf32>
    tpu.vector_store %arg6[%swap3A_539, %swap3A_540], %get3A_538 {strides = array<i32>} : memref<48x64xf32, #tpu.memory_space<vmem>>, vector<1x64xf32>,
    %mul3A_542 = arith.constant 64 : i32
    %mul3A_543 = arith.muli %arg0, %mul3A_542 : i32
    %add3A_544 = arith.constant 39 : i32
    %add3A_545 = arith.addi %mul3A_543, %add3A_544 : i32
    %get3A_546 = arith.index_cast %add3A_545 : i32 to index
    %get3A_547 = memref.load %arg1[%get3A_546] : memref<768xi32, #tpu.memory_space<smem>>
    %get3A_548 = arith.constant 0 : index
    %get3A_549 = arith.index_cast %get3A_547 : i32 to index
    %get3A_550 = arith.constant 0 : index
    %get3A_551 = vector.load %arg2[%get3A_548, %get3A_549, %get3A_550] : memref<1x4096x64xf32, #tpu.memory_space<vmem>>, vector<1x1x64xf32>
    %get3A_552 = vector.shape_cast %get3A_551 : vector<1x1x64xf32> to vector<1x64xf32>
    %swap3A_553 = arith.constant 39 : index
    %swap3A_554 = arith.constant 0 : index
    %swap3A_555 = vector.load %arg6[%swap3A_553, %swap3A_554] : memref<48x64xf32, #tpu.memory_space<vmem>>, vector<1x64xf32>
    tpu.vector_store %arg6[%swap3A_553, %swap3A_554], %get3A_552 {strides = array<i32>} : memref<48x64xf32, #tpu.memory_space<vmem>>, vector<1x64xf32>,
    %mul3A_556 = arith.constant 64 : i32
    %mul3A_557 = arith.muli %arg0, %mul3A_556 : i32
    %add3A_558 = arith.constant 40 : i32
    %add3A_559 = arith.addi %mul3A_557, %add3A_558 : i32
    %get3A_560 = arith.index_cast %add3A_559 : i32 to index
    %get3A_561 = memref.load %arg1[%get3A_560] : memref<768xi32, #tpu.memory_space<smem>>
    %get3A_562 = arith.constant 0 : index
    %get3A_563 = arith.index_cast %get3A_561 : i32 to index
    %get3A_564 = arith.constant 0 : index
    %get3A_565 = vector.load %arg2[%get3A_562, %get3A_563, %get3A_564] : memref<1x4096x64xf32, #tpu.memory_space<vmem>>, vector<1x1x64xf32>
    %get3A_566 = vector.shape_cast %get3A_565 : vector<1x1x64xf32> to vector<1x64xf32>
    %swap3A_567 = arith.constant 40 : index
    %swap3A_568 = arith.constant 0 : index
    %swap3A_569 = vector.load %arg6[%swap3A_567, %swap3A_568] : memref<48x64xf32, #tpu.memory_space<vmem>>, vector<1x64xf32>
    tpu.vector_store %arg6[%swap3A_567, %swap3A_568], %get3A_566 {strides = array<i32>} : memref<48x64xf32, #tpu.memory_space<vmem>>, vector<1x64xf32>,
    %mul3A_570 = arith.constant 64 : i32
    %mul3A_571 = arith.muli %arg0, %mul3A_570 : i32
    %add3A_572 = arith.constant 41 : i32
    %add3A_573 = arith.addi %mul3A_571, %add3A_572 : i32
    %get3A_574 = arith.index_cast %add3A_573 : i32 to index
    %get3A_575 = memref.load %arg1[%get3A_574] : memref<768xi32, #tpu.memory_space<smem>>
    %get3A_576 = arith.constant 0 : index
    %get3A_577 = arith.index_cast %get3A_575 : i32 to index
    %get3A_578 = arith.constant 0 : index
    %get3A_579 = vector.load %arg2[%get3A_576, %get3A_577, %get3A_578] : memref<1x4096x64xf32, #tpu.memory_space<vmem>>, vector<1x1x64xf32>
    %get3A_580 = vector.shape_cast %get3A_579 : vector<1x1x64xf32> to vector<1x64xf32>
    %swap3A_581 = arith.constant 41 : index
    %swap3A_582 = arith.constant 0 : index
    %swap3A_583 = vector.load %arg6[%swap3A_581, %swap3A_582] : memref<48x64xf32, #tpu.memory_space<vmem>>, vector<1x64xf32>
    tpu.vector_store %arg6[%swap3A_581, %swap3A_582], %get3A_580 {strides = array<i32>} : memref<48x64xf32, #tpu.memory_space<vmem>>, vector<1x64xf32>,
    %mul3A_584 = arith.constant 64 : i32
    %mul3A_585 = arith.muli %arg0, %mul3A_584 : i32
    %add3A_586 = arith.constant 42 : i32
    %add3A_587 = arith.addi %mul3A_585, %add3A_586 : i32
    %get3A_588 = arith.index_cast %add3A_587 : i32 to index
    %get3A_589 = memref.load %arg1[%get3A_588] : memref<768xi32, #tpu.memory_space<smem>>
    %get3A_590 = arith.constant 0 : index
    %get3A_591 = arith.index_cast %get3A_589 : i32 to index
    %get3A_592 = arith.constant 0 : index
    %get3A_593 = vector.load %arg2[%get3A_590, %get3A_591, %get3A_592] : memref<1x4096x64xf32, #tpu.memory_space<vmem>>, vector<1x1x64xf32>
    %get3A_594 = vector.shape_cast %get3A_593 : vector<1x1x64xf32> to vector<1x64xf32>
    %swap3A_595 = arith.constant 42 : index
    %swap3A_596 = arith.constant 0 : index
    %swap3A_597 = vector.load %arg6[%swap3A_595, %swap3A_596] : memref<48x64xf32, #tpu.memory_space<vmem>>, vector<1x64xf32>
    tpu.vector_store %arg6[%swap3A_595, %swap3A_596], %get3A_594 {strides = array<i32>} : memref<48x64xf32, #tpu.memory_space<vmem>>, vector<1x64xf32>,
    %mul3A_598 = arith.constant 64 : i32
    %mul3A_599 = arith.muli %arg0, %mul3A_598 : i32
    %add3A_600 = arith.constant 43 : i32
    %add3A_601 = arith.addi %mul3A_599, %add3A_600 : i32
    %get3A_602 = arith.index_cast %add3A_601 : i32 to index
    %get3A_603 = memref.load %arg1[%get3A_602] : memref<768xi32, #tpu.memory_space<smem>>
    %get3A_604 = arith.constant 0 : index
    %get3A_605 = arith.index_cast %get3A_603 : i32 to index
    %get3A_606 = arith.constant 0 : index
    %get3A_607 = vector.load %arg2[%get3A_604, %get3A_605, %get3A_606] : memref<1x4096x64xf32, #tpu.memory_space<vmem>>, vector<1x1x64xf32>
    %get3A_608 = vector.shape_cast %get3A_607 : vector<1x1x64xf32> to vector<1x64xf32>
    %swap3A_609 = arith.constant 43 : index
    %swap3A_610 = arith.constant 0 : index
    %swap3A_611 = vector.load %arg6[%swap3A_609, %swap3A_610] : memref<48x64xf32, #tpu.memory_space<vmem>>, vector<1x64xf32>
    tpu.vector_store %arg6[%swap3A_609, %swap3A_610], %get3A_608 {strides = array<i32>} : memref<48x64xf32, #tpu.memory_space<vmem>>, vector<1x64xf32>,
    %mul3A_612 = arith.constant 64 : i32
    %mul3A_613 = arith.muli %arg0, %mul3A_612 : i32
    %add3A_614 = arith.constant 44 : i32
    %add3A_615 = arith.addi %mul3A_613, %add3A_614 : i32
    %get3A_616 = arith.index_cast %add3A_615 : i32 to index
    %get3A_617 = memref.load %arg1[%get3A_616] : memref<768xi32, #tpu.memory_space<smem>>
    %get3A_618 = arith.constant 0 : index
    %get3A_619 = arith.index_cast %get3A_617 : i32 to index
    %get3A_620 = arith.constant 0 : index
    %get3A_621 = vector.load %arg2[%get3A_618, %get3A_619, %get3A_620] : memref<1x4096x64xf32, #tpu.memory_space<vmem>>, vector<1x1x64xf32>
    %get3A_622 = vector.shape_cast %get3A_621 : vector<1x1x64xf32> to vector<1x64xf32>
    %swap3A_623 = arith.constant 44 : index
    %swap3A_624 = arith.constant 0 : index
    %swap3A_625 = vector.load %arg6[%swap3A_623, %swap3A_624] : memref<48x64xf32, #tpu.memory_space<vmem>>, vector<1x64xf32>
    tpu.vector_store %arg6[%swap3A_623, %swap3A_624], %get3A_622 {strides = array<i32>} : memref<48x64xf32, #tpu.memory_space<vmem>>, vector<1x64xf32>,
    %get3A_626 = arith.constant 0 : index
    %get3A_627 = arith.constant 0 : index
    %get3A_628 = vector.load %arg6[%get3A_626, %get3A_627] : memref<48x64xf32, #tpu.memory_space<vmem>>, vector<48x64xf32>
    %convert_element_type3A = arith.truncf %get3A_628 : vector<48x64xf32> to vector<48x64xbf16>
    %get3A_629 = arith.constant 0 : index
    %get3A_630 = arith.constant 0 : index
    %get3A_631 = arith.constant 0 : index
    %get3A_632 = vector.load %arg3[%get3A_629, %get3A_630, %get3A_631] : memref<1x64x4096xf32, #tpu.memory_space<vmem>>, vector<1x64x4096xf32>
    %get3A_633 = vector.shape_cast %get3A_632 : vector<1x64x4096xf32> to vector<64x4096xf32>
    %convert_element_type3A_634 = arith.truncf %get3A_633 : vector<64x4096xf32> to vector<64x4096xbf16>
    %dot_general3A = arith.constant dense<0.000000e+00> : vector<48x4096xf32>
    %dot_general3A_635 = tpu.matmul %convert_element_type3A, %convert_element_type3A_634, %dot_general3A {dimension_numbers = #tpu.dot_dimension_numbers<[1], [0], [0], [1], [0, 0, 1, 1], [], []>, transpose_lhs_hint = false} : vector<48x64xbf16>, vector<64x4096xbf16>, vector<48x4096xf32> -> vector<48x4096xf32>
    %mul3A_636 = arith.constant 1.250000e-01 : f32
    %mul3A_637 = vector.broadcast %mul3A_636 : f32 to vector<48x4096xf32>
    %mul3A_638 = arith.mulf %dot_general3A_635, %mul3A_637 : vector<48x4096xf32>
    %reduce_max3A = arith.constant dense<0xFF800000> : vector<48xf32>
    %reduce_max3A_639 = vector.multi_reduction <maximumf>, %mul3A_638, %reduce_max3A [1] : vector<48x4096xf32> to vector<48xf32>
    %broadcast_in_dim3A = vector.shape_cast %reduce_max3A_639 : vector<48xf32> to vector<48x1xf32>
    %sub3A = vector.broadcast %broadcast_in_dim3A : vector<48x1xf32> to vector<48x4096xf32>
    %sub3A_640 = arith.subf %mul3A_638, %sub3A : vector<48x4096xf32>
    %exp3A = math.exp %sub3A_640 : vector<48x4096xf32>
    %reduce_sum3A = arith.constant dense<0.000000e+00> : vector<48xf32>
    %reduce_sum3A_641 = vector.multi_reduction <add>, %exp3A, %reduce_sum3A [1] : vector<48x4096xf32> to vector<48xf32>
    %broadcast_in_dim3A_642 = vector.shape_cast %reduce_sum3A_641 : vector<48xf32> to vector<48x1xf32>
    %div3A = vector.broadcast %broadcast_in_dim3A_642 : vector<48x1xf32> to vector<48x4096xf32>
    %div3A_643 = arith.divf %exp3A, %div3A : vector<48x4096xf32>
    %convert_element_type3A_644 = arith.truncf %div3A_643 : vector<48x4096xf32> to vector<48x4096xbf16>
    %get3A_645 = arith.constant 0 : index
    %get3A_646 = arith.constant 0 : index
    %get3A_647 = arith.constant 0 : index
    %get3A_648 = vector.load %arg4[%get3A_645, %get3A_646, %get3A_647] : memref<1x4096x64xf32, #tpu.memory_space<vmem>>, vector<1x4096x64xf32>
    %get3A_649 = vector.shape_cast %get3A_648 : vector<1x4096x64xf32> to vector<4096x64xf32>
    %convert_element_type3A_650 = arith.truncf %get3A_649 : vector<4096x64xf32> to vector<4096x64xbf16>
    %dot_general3A_651 = arith.constant dense<0.000000e+00> : vector<48x64xf32>
    %dot_general3A_652 = tpu.matmul %convert_element_type3A_644, %convert_element_type3A_650, %dot_general3A_651 {dimension_numbers = #tpu.dot_dimension_numbers<[1], [0], [0], [1], [0, 0, 1, 1], [], []>, transpose_lhs_hint = false} : vector<48x4096xbf16>, vector<4096x64xbf16>, vector<48x64xf32> -> vector<48x64xf32>
    %get3A_653 = arith.constant 0 : index
    %get3A_654 = arith.constant 0 : index
    %get3A_655 = arith.constant 0 : index
    %get3A_656 = vector.load %arg4[%get3A_653, %get3A_654, %get3A_655] : memref<1x4096x64xf32, #tpu.memory_space<vmem>>, vector<1x4096x64xf32>
    %get3A_657 = vector.shape_cast %get3A_656 : vector<1x4096x64xf32> to vector<4096x64xf32>
    %reduce_sum3A_658 = arith.constant dense<0.000000e+00> : vector<64xf32>
    %reduce_sum3A_659 = vector.multi_reduction <add>, %get3A_657, %reduce_sum3A_658 [0] : vector<4096x64xf32> to vector<64xf32>
    %broadcast_in_dim3A_660 = vector.shape_cast %reduce_sum3A_659 : vector<64xf32> to vector<1x64xf32>
    %div3A_661 = arith.constant 4.096000e+03 : f32
    %div3A_662 = vector.broadcast %div3A_661 : f32 to vector<1x64xf32>
    %div3A_663 = arith.divf %broadcast_in_dim3A_660, %div3A_662 : vector<1x64xf32>
    %broadcast_in_dim3A_664 = vector.shape_cast %div3A_663 : vector<1x64xf32> to vector<1x64xf32>
    %broadcast_in_dim3A_665 = vector.broadcast %broadcast_in_dim3A_664 : vector<1x64xf32> to vector<4096x64xf32>
    %swap3A_666 = arith.constant 0 : index
    %swap3A_667 = arith.constant 0 : index
    %swap3A_668 = arith.constant 0 : index
    %swap3A_669 = vector.load %arg5[%swap3A_666, %swap3A_667, %swap3A_668] : memref<1x4096x64xf32, #tpu.memory_space<vmem>>, vector<1x4096x64xf32>
    %swap3A_670 = vector.shape_cast %swap3A_669 : vector<1x4096x64xf32> to vector<4096x64xf32>
    %swap3A_671 = vector.shape_cast %broadcast_in_dim3A_665 : vector<4096x64xf32> to vector<1x4096x64xf32>
    tpu.vector_store %arg5[%swap3A_666, %swap3A_667, %swap3A_668], %swap3A_671 {strides = array<i32>} : memref<1x4096x64xf32, #tpu.memory_space<vmem>>, vector<1x4096x64xf32>,
    %mul3A_672 = arith.constant 64 : i32
    %mul3A_673 = arith.muli %arg0, %mul3A_672 : i32
    %add3A_674 = arith.constant 0 : i32
    %add3A_675 = arith.addi %mul3A_673, %add3A_674 : i32
    %get3A_676 = arith.index_cast %add3A_675 : i32 to index
    %get3A_677 = memref.load %arg1[%get3A_676] : memref<768xi32, #tpu.memory_space<smem>>
    %slice3A = vector.extract_strided_slice %dot_general3A_652 {offsets = [0, 0], sizes = [1, 64], strides = [1, 1]} : vector<48x64xf32> to vector<1x64xf32>
    %swap3A_678 = arith.constant 0 : index
    %swap3A_679 = arith.index_cast %get3A_677 : i32 to index
    %swap3A_680 = arith.constant 0 : index
    %swap3A_681 = vector.load %arg5[%swap3A_678, %swap3A_679, %swap3A_680] : memref<1x4096x64xf32, #tpu.memory_space<vmem>>, vector<1x1x64xf32>
    %swap3A_682 = vector.shape_cast %swap3A_681 : vector<1x1x64xf32> to vector<1x64xf32>
    %swap3A_683 = vector.shape_cast %slice3A : vector<1x64xf32> to vector<1x1x64xf32>
    tpu.vector_store %arg5[%swap3A_678, %swap3A_679, %swap3A_680], %swap3A_683 {strides = array<i32>} : memref<1x4096x64xf32, #tpu.memory_space<vmem>>, vector<1x1x64xf32>,
    %mul3A_684 = arith.constant 64 : i32
    %mul3A_685 = arith.muli %arg0, %mul3A_684 : i32
    %add3A_686 = arith.constant 1 : i32
    %add3A_687 = arith.addi %mul3A_685, %add3A_686 : i32
    %get3A_688 = arith.index_cast %add3A_687 : i32 to index
    %get3A_689 = memref.load %arg1[%get3A_688] : memref<768xi32, #tpu.memory_space<smem>>
    %slice3A_690 = vector.extract_strided_slice %dot_general3A_652 {offsets = [1, 0], sizes = [1, 64], strides = [1, 1]} : vector<48x64xf32> to vector<1x64xf32>
    %swap3A_691 = arith.constant 0 : index
    %swap3A_692 = arith.index_cast %get3A_689 : i32 to index
    %swap3A_693 = arith.constant 0 : index
    %swap3A_694 = vector.load %arg5[%swap3A_691, %swap3A_692, %swap3A_693] : memref<1x4096x64xf32, #tpu.memory_space<vmem>>, vector<1x1x64xf32>
    %swap3A_695 = vector.shape_cast %swap3A_694 : vector<1x1x64xf32> to vector<1x64xf32>
    %swap3A_696 = vector.shape_cast %slice3A_690 : vector<1x64xf32> to vector<1x1x64xf32>
    tpu.vector_store %arg5[%swap3A_691, %swap3A_692, %swap3A_693], %swap3A_696 {strides = array<i32>} : memref<1x4096x64xf32, #tpu.memory_space<vmem>>, vector<1x1x64xf32>,
    %mul3A_697 = arith.constant 64 : i32
    %mul3A_698 = arith.muli %arg0, %mul3A_697 : i32
    %add3A_699 = arith.constant 2 : i32
    %add3A_700 = arith.addi %mul3A_698, %add3A_699 : i32
    %get3A_701 = arith.index_cast %add3A_700 : i32 to index
    %get3A_702 = memref.load %arg1[%get3A_701] : memref<768xi32, #tpu.memory_space<smem>>
    %slice3A_703 = vector.extract_strided_slice %dot_general3A_652 {offsets = [2, 0], sizes = [1, 64], strides = [1, 1]} : vector<48x64xf32> to vector<1x64xf32>
    %swap3A_704 = arith.constant 0 : index
    %swap3A_705 = arith.index_cast %get3A_702 : i32 to index
    %swap3A_706 = arith.constant 0 : index
    %swap3A_707 = vector.load %arg5[%swap3A_704, %swap3A_705, %swap3A_706] : memref<1x4096x64xf32, #tpu.memory_space<vmem>>, vector<1x1x64xf32>
    %swap3A_708 = vector.shape_cast %swap3A_707 : vector<1x1x64xf32> to vector<1x64xf32>
    %swap3A_709 = vector.shape_cast %slice3A_703 : vector<1x64xf32> to vector<1x1x64xf32>
    tpu.vector_store %arg5[%swap3A_704, %swap3A_705, %swap3A_706], %swap3A_709 {strides = array<i32>} : memref<1x4096x64xf32, #tpu.memory_space<vmem>>, vector<1x1x64xf32>,
    %mul3A_710 = arith.constant 64 : i32
    %mul3A_711 = arith.muli %arg0, %mul3A_710 : i32
    %add3A_712 = arith.constant 3 : i32
    %add3A_713 = arith.addi %mul3A_711, %add3A_712 : i32
    %get3A_714 = arith.index_cast %add3A_713 : i32 to index
    %get3A_715 = memref.load %arg1[%get3A_714] : memref<768xi32, #tpu.memory_space<smem>>
    %slice3A_716 = vector.extract_strided_slice %dot_general3A_652 {offsets = [3, 0], sizes = [1, 64], strides = [1, 1]} : vector<48x64xf32> to vector<1x64xf32>
    %swap3A_717 = arith.constant 0 : index
    %swap3A_718 = arith.index_cast %get3A_715 : i32 to index
    %swap3A_719 = arith.constant 0 : index
    %swap3A_720 = vector.load %arg5[%swap3A_717, %swap3A_718, %swap3A_719] : memref<1x4096x64xf32, #tpu.memory_space<vmem>>, vector<1x1x64xf32>
    %swap3A_721 = vector.shape_cast %swap3A_720 : vector<1x1x64xf32> to vector<1x64xf32>
    %swap3A_722 = vector.shape_cast %slice3A_716 : vector<1x64xf32> to vector<1x1x64xf32>
    tpu.vector_store %arg5[%swap3A_717, %swap3A_718, %swap3A_719], %swap3A_722 {strides = array<i32>} : memref<1x4096x64xf32, #tpu.memory_space<vmem>>, vector<1x1x64xf32>,
    %mul3A_723 = arith.constant 64 : i32
    %mul3A_724 = arith.muli %arg0, %mul3A_723 : i32
    %add3A_725 = arith.constant 4 : i32
    %add3A_726 = arith.addi %mul3A_724, %add3A_725 : i32
    %get3A_727 = arith.index_cast %add3A_726 : i32 to index
    %get3A_728 = memref.load %arg1[%get3A_727] : memref<768xi32, #tpu.memory_space<smem>>
    %slice3A_729 = vector.extract_strided_slice %dot_general3A_652 {offsets = [4, 0], sizes = [1, 64], strides = [1, 1]} : vector<48x64xf32> to vector<1x64xf32>
    %swap3A_730 = arith.constant 0 : index
    %swap3A_731 = arith.index_cast %get3A_728 : i32 to index
    %swap3A_732 = arith.constant 0 : index
    %swap3A_733 = vector.load %arg5[%swap3A_730, %swap3A_731, %swap3A_732] : memref<1x4096x64xf32, #tpu.memory_space<vmem>>, vector<1x1x64xf32>
    %swap3A_734 = vector.shape_cast %swap3A_733 : vector<1x1x64xf32> to vector<1x64xf32>
    %swap3A_735 = vector.shape_cast %slice3A_729 : vector<1x64xf32> to vector<1x1x64xf32>
    tpu.vector_store %arg5[%swap3A_730, %swap3A_731, %swap3A_732], %swap3A_735 {strides = array<i32>} : memref<1x4096x64xf32, #tpu.memory_space<vmem>>, vector<1x1x64xf32>,
    %mul3A_736 = arith.constant 64 : i32
    %mul3A_737 = arith.muli %arg0, %mul3A_736 : i32
    %add3A_738 = arith.constant 5 : i32
    %add3A_739 = arith.addi %mul3A_737, %add3A_738 : i32
    %get3A_740 = arith.index_cast %add3A_739 : i32 to index
    %get3A_741 = memref.load %arg1[%get3A_740] : memref<768xi32, #tpu.memory_space<smem>>
    %slice3A_742 = vector.extract_strided_slice %dot_general3A_652 {offsets = [5, 0], sizes = [1, 64], strides = [1, 1]} : vector<48x64xf32> to vector<1x64xf32>
    %swap3A_743 = arith.constant 0 : index
    %swap3A_744 = arith.index_cast %get3A_741 : i32 to index
    %swap3A_745 = arith.constant 0 : index
    %swap3A_746 = vector.load %arg5[%swap3A_743, %swap3A_744, %swap3A_745] : memref<1x4096x64xf32, #tpu.memory_space<vmem>>, vector<1x1x64xf32>
    %swap3A_747 = vector.shape_cast %swap3A_746 : vector<1x1x64xf32> to vector<1x64xf32>
    %swap3A_748 = vector.shape_cast %slice3A_742 : vector<1x64xf32> to vector<1x1x64xf32>
    tpu.vector_store %arg5[%swap3A_743, %swap3A_744, %swap3A_745], %swap3A_748 {strides = array<i32>} : memref<1x4096x64xf32, #tpu.memory_space<vmem>>, vector<1x1x64xf32>,
    %mul3A_749 = arith.constant 64 : i32
    %mul3A_750 = arith.muli %arg0, %mul3A_749 : i32
    %add3A_751 = arith.constant 6 : i32
    %add3A_752 = arith.addi %mul3A_750, %add3A_751 : i32
    %get3A_753 = arith.index_cast %add3A_752 : i32 to index
    %get3A_754 = memref.load %arg1[%get3A_753] : memref<768xi32, #tpu.memory_space<smem>>
    %slice3A_755 = vector.extract_strided_slice %dot_general3A_652 {offsets = [6, 0], sizes = [1, 64], strides = [1, 1]} : vector<48x64xf32> to vector<1x64xf32>
    %swap3A_756 = arith.constant 0 : index
    %swap3A_757 = arith.index_cast %get3A_754 : i32 to index
    %swap3A_758 = arith.constant 0 : index
    %swap3A_759 = vector.load %arg5[%swap3A_756, %swap3A_757, %swap3A_758] : memref<1x4096x64xf32, #tpu.memory_space<vmem>>, vector<1x1x64xf32>
    %swap3A_760 = vector.shape_cast %swap3A_759 : vector<1x1x64xf32> to vector<1x64xf32>
    %swap3A_761 = vector.shape_cast %slice3A_755 : vector<1x64xf32> to vector<1x1x64xf32>
    tpu.vector_store %arg5[%swap3A_756, %swap3A_757, %swap3A_758], %swap3A_761 {strides = array<i32>} : memref<1x4096x64xf32, #tpu.memory_space<vmem>>, vector<1x1x64xf32>,
    %mul3A_762 = arith.constant 64 : i32
    %mul3A_763 = arith.muli %arg0, %mul3A_762 : i32
    %add3A_764 = arith.constant 7 : i32
    %add3A_765 = arith.addi %mul3A_763, %add3A_764 : i32
    %get3A_766 = arith.index_cast %add3A_765 : i32 to index
    %get3A_767 = memref.load %arg1[%get3A_766] : memref<768xi32, #tpu.memory_space<smem>>
    %slice3A_768 = vector.extract_strided_slice %dot_general3A_652 {offsets = [7, 0], sizes = [1, 64], strides = [1, 1]} : vector<48x64xf32> to vector<1x64xf32>
    %swap3A_769 = arith.constant 0 : index
    %swap3A_770 = arith.index_cast %get3A_767 : i32 to index
    %swap3A_771 = arith.constant 0 : index
    %swap3A_772 = vector.load %arg5[%swap3A_769, %swap3A_770, %swap3A_771] : memref<1x4096x64xf32, #tpu.memory_space<vmem>>, vector<1x1x64xf32>
    %swap3A_773 = vector.shape_cast %swap3A_772 : vector<1x1x64xf32> to vector<1x64xf32>
    %swap3A_774 = vector.shape_cast %slice3A_768 : vector<1x64xf32> to vector<1x1x64xf32>
    tpu.vector_store %arg5[%swap3A_769, %swap3A_770, %swap3A_771], %swap3A_774 {strides = array<i32>} : memref<1x4096x64xf32, #tpu.memory_space<vmem>>, vector<1x1x64xf32>,
    %mul3A_775 = arith.constant 64 : i32
    %mul3A_776 = arith.muli %arg0, %mul3A_775 : i32
    %add3A_777 = arith.constant 8 : i32
    %add3A_778 = arith.addi %mul3A_776, %add3A_777 : i32
    %get3A_779 = arith.index_cast %add3A_778 : i32 to index
    %get3A_780 = memref.load %arg1[%get3A_779] : memref<768xi32, #tpu.memory_space<smem>>
    %slice3A_781 = vector.extract_strided_slice %dot_general3A_652 {offsets = [8, 0], sizes = [1, 64], strides = [1, 1]} : vector<48x64xf32> to vector<1x64xf32>
    %swap3A_782 = arith.constant 0 : index
    %swap3A_783 = arith.index_cast %get3A_780 : i32 to index
    %swap3A_784 = arith.constant 0 : index
    %swap3A_785 = vector.load %arg5[%swap3A_782, %swap3A_783, %swap3A_784] : memref<1x4096x64xf32, #tpu.memory_space<vmem>>, vector<1x1x64xf32>
    %swap3A_786 = vector.shape_cast %swap3A_785 : vector<1x1x64xf32> to vector<1x64xf32>
    %swap3A_787 = vector.shape_cast %slice3A_781 : vector<1x64xf32> to vector<1x1x64xf32>
    tpu.vector_store %arg5[%swap3A_782, %swap3A_783, %swap3A_784], %swap3A_787 {strides = array<i32>} : memref<1x4096x64xf32, #tpu.memory_space<vmem>>, vector<1x1x64xf32>,
    %mul3A_788 = arith.constant 64 : i32
    %mul3A_789 = arith.muli %arg0, %mul3A_788 : i32
    %add3A_790 = arith.constant 9 : i32
    %add3A_791 = arith.addi %mul3A_789, %add3A_790 : i32
    %get3A_792 = arith.index_cast %add3A_791 : i32 to index
    %get3A_793 = memref.load %arg1[%get3A_792] : memref<768xi32, #tpu.memory_space<smem>>
    %slice3A_794 = vector.extract_strided_slice %dot_general3A_652 {offsets = [9, 0], sizes = [1, 64], strides = [1, 1]} : vector<48x64xf32> to vector<1x64xf32>
    %swap3A_795 = arith.constant 0 : index
    %swap3A_796 = arith.index_cast %get3A_793 : i32 to index
    %swap3A_797 = arith.constant 0 : index
    %swap3A_798 = vector.load %arg5[%swap3A_795, %swap3A_796, %swap3A_797] : memref<1x4096x64xf32, #tpu.memory_space<vmem>>, vector<1x1x64xf32>
    %swap3A_799 = vector.shape_cast %swap3A_798 : vector<1x1x64xf32> to vector<1x64xf32>
    %swap3A_800 = vector.shape_cast %slice3A_794 : vector<1x64xf32> to vector<1x1x64xf32>
    tpu.vector_store %arg5[%swap3A_795, %swap3A_796, %swap3A_797], %swap3A_800 {strides = array<i32>} : memref<1x4096x64xf32, #tpu.memory_space<vmem>>, vector<1x1x64xf32>,
    %mul3A_801 = arith.constant 64 : i32
    %mul3A_802 = arith.muli %arg0, %mul3A_801 : i32
    %add3A_803 = arith.constant 10 : i32
    %add3A_804 = arith.addi %mul3A_802, %add3A_803 : i32
    %get3A_805 = arith.index_cast %add3A_804 : i32 to index
    %get3A_806 = memref.load %arg1[%get3A_805] : memref<768xi32, #tpu.memory_space<smem>>
    %slice3A_807 = vector.extract_strided_slice %dot_general3A_652 {offsets = [10, 0], sizes = [1, 64], strides = [1, 1]} : vector<48x64xf32> to vector<1x64xf32>
    %swap3A_808 = arith.constant 0 : index
    %swap3A_809 = arith.index_cast %get3A_806 : i32 to index
    %swap3A_810 = arith.constant 0 : index
    %swap3A_811 = vector.load %arg5[%swap3A_808, %swap3A_809, %swap3A_810] : memref<1x4096x64xf32, #tpu.memory_space<vmem>>, vector<1x1x64xf32>
    %swap3A_812 = vector.shape_cast %swap3A_811 : vector<1x1x64xf32> to vector<1x64xf32>
    %swap3A_813 = vector.shape_cast %slice3A_807 : vector<1x64xf32> to vector<1x1x64xf32>
    tpu.vector_store %arg5[%swap3A_808, %swap3A_809, %swap3A_810], %swap3A_813 {strides = array<i32>} : memref<1x4096x64xf32, #tpu.memory_space<vmem>>, vector<1x1x64xf32>,
    %mul3A_814 = arith.constant 64 : i32
    %mul3A_815 = arith.muli %arg0, %mul3A_814 : i32
    %add3A_816 = arith.constant 11 : i32
    %add3A_817 = arith.addi %mul3A_815, %add3A_816 : i32
    %get3A_818 = arith.index_cast %add3A_817 : i32 to index
    %get3A_819 = memref.load %arg1[%get3A_818] : memref<768xi32, #tpu.memory_space<smem>>
    %slice3A_820 = vector.extract_strided_slice %dot_general3A_652 {offsets = [11, 0], sizes = [1, 64], strides = [1, 1]} : vector<48x64xf32> to vector<1x64xf32>
    %swap3A_821 = arith.constant 0 : index
    %swap3A_822 = arith.index_cast %get3A_819 : i32 to index
    %swap3A_823 = arith.constant 0 : index
    %swap3A_824 = vector.load %arg5[%swap3A_821, %swap3A_822, %swap3A_823] : memref<1x4096x64xf32, #tpu.memory_space<vmem>>, vector<1x1x64xf32>
    %swap3A_825 = vector.shape_cast %swap3A_824 : vector<1x1x64xf32> to vector<1x64xf32>
    %swap3A_826 = vector.shape_cast %slice3A_820 : vector<1x64xf32> to vector<1x1x64xf32>
    tpu.vector_store %arg5[%swap3A_821, %swap3A_822, %swap3A_823], %swap3A_826 {strides = array<i32>} : memref<1x4096x64xf32, #tpu.memory_space<vmem>>, vector<1x1x64xf32>,
    %mul3A_827 = arith.constant 64 : i32
    %mul3A_828 = arith.muli %arg0, %mul3A_827 : i32
    %add3A_829 = arith.constant 12 : i32
    %add3A_830 = arith.addi %mul3A_828, %add3A_829 : i32
    %get3A_831 = arith.index_cast %add3A_830 : i32 to index
    %get3A_832 = memref.load %arg1[%get3A_831] : memref<768xi32, #tpu.memory_space<smem>>
    %slice3A_833 = vector.extract_strided_slice %dot_general3A_652 {offsets = [12, 0], sizes = [1, 64], strides = [1, 1]} : vector<48x64xf32> to vector<1x64xf32>
    %swap3A_834 = arith.constant 0 : index
    %swap3A_835 = arith.index_cast %get3A_832 : i32 to index
    %swap3A_836 = arith.constant 0 : index
    %swap3A_837 = vector.load %arg5[%swap3A_834, %swap3A_835, %swap3A_836] : memref<1x4096x64xf32, #tpu.memory_space<vmem>>, vector<1x1x64xf32>
    %swap3A_838 = vector.shape_cast %swap3A_837 : vector<1x1x64xf32> to vector<1x64xf32>
    %swap3A_839 = vector.shape_cast %slice3A_833 : vector<1x64xf32> to vector<1x1x64xf32>
    tpu.vector_store %arg5[%swap3A_834, %swap3A_835, %swap3A_836], %swap3A_839 {strides = array<i32>} : memref<1x4096x64xf32, #tpu.memory_space<vmem>>, vector<1x1x64xf32>,
    %mul3A_840 = arith.constant 64 : i32
    %mul3A_841 = arith.muli %arg0, %mul3A_840 : i32
    %add3A_842 = arith.constant 13 : i32
    %add3A_843 = arith.addi %mul3A_841, %add3A_842 : i32
    %get3A_844 = arith.index_cast %add3A_843 : i32 to index
    %get3A_845 = memref.load %arg1[%get3A_844] : memref<768xi32, #tpu.memory_space<smem>>
    %slice3A_846 = vector.extract_strided_slice %dot_general3A_652 {offsets = [13, 0], sizes = [1, 64], strides = [1, 1]} : vector<48x64xf32> to vector<1x64xf32>
    %swap3A_847 = arith.constant 0 : index
    %swap3A_848 = arith.index_cast %get3A_845 : i32 to index
    %swap3A_849 = arith.constant 0 : index
    %swap3A_850 = vector.load %arg5[%swap3A_847, %swap3A_848, %swap3A_849] : memref<1x4096x64xf32, #tpu.memory_space<vmem>>, vector<1x1x64xf32>
    %swap3A_851 = vector.shape_cast %swap3A_850 : vector<1x1x64xf32> to vector<1x64xf32>
    %swap3A_852 = vector.shape_cast %slice3A_846 : vector<1x64xf32> to vector<1x1x64xf32>
    tpu.vector_store %arg5[%swap3A_847, %swap3A_848, %swap3A_849], %swap3A_852 {strides = array<i32>} : memref<1x4096x64xf32, #tpu.memory_space<vmem>>, vector<1x1x64xf32>,
    %mul3A_853 = arith.constant 64 : i32
    %mul3A_854 = arith.muli %arg0, %mul3A_853 : i32
    %add3A_855 = arith.constant 14 : i32
    %add3A_856 = arith.addi %mul3A_854, %add3A_855 : i32
    %get3A_857 = arith.index_cast %add3A_856 : i32 to index
    %get3A_858 = memref.load %arg1[%get3A_857] : memref<768xi32, #tpu.memory_space<smem>>
    %slice3A_859 = vector.extract_strided_slice %dot_general3A_652 {offsets = [14, 0], sizes = [1, 64], strides = [1, 1]} : vector<48x64xf32> to vector<1x64xf32>
    %swap3A_860 = arith.constant 0 : index
    %swap3A_861 = arith.index_cast %get3A_858 : i32 to index
    %swap3A_862 = arith.constant 0 : index
    %swap3A_863 = vector.load %arg5[%swap3A_860, %swap3A_861, %swap3A_862] : memref<1x4096x64xf32, #tpu.memory_space<vmem>>, vector<1x1x64xf32>
    %swap3A_864 = vector.shape_cast %swap3A_863 : vector<1x1x64xf32> to vector<1x64xf32>
    %swap3A_865 = vector.shape_cast %slice3A_859 : vector<1x64xf32> to vector<1x1x64xf32>
    tpu.vector_store %arg5[%swap3A_860, %swap3A_861, %swap3A_862], %swap3A_865 {strides = array<i32>} : memref<1x4096x64xf32, #tpu.memory_space<vmem>>, vector<1x1x64xf32>,
    %mul3A_866 = arith.constant 64 : i32
    %mul3A_867 = arith.muli %arg0, %mul3A_866 : i32
    %add3A_868 = arith.constant 15 : i32
    %add3A_869 = arith.addi %mul3A_867, %add3A_868 : i32
    %get3A_870 = arith.index_cast %add3A_869 : i32 to index
    %get3A_871 = memref.load %arg1[%get3A_870] : memref<768xi32, #tpu.memory_space<smem>>
    %slice3A_872 = vector.extract_strided_slice %dot_general3A_652 {offsets = [15, 0], sizes = [1, 64], strides = [1, 1]} : vector<48x64xf32> to vector<1x64xf32>
    %swap3A_873 = arith.constant 0 : index
    %swap3A_874 = arith.index_cast %get3A_871 : i32 to index
    %swap3A_875 = arith.constant 0 : index
    %swap3A_876 = vector.load %arg5[%swap3A_873, %swap3A_874, %swap3A_875] : memref<1x4096x64xf32, #tpu.memory_space<vmem>>, vector<1x1x64xf32>
    %swap3A_877 = vector.shape_cast %swap3A_876 : vector<1x1x64xf32> to vector<1x64xf32>
    %swap3A_878 = vector.shape_cast %slice3A_872 : vector<1x64xf32> to vector<1x1x64xf32>
    tpu.vector_store %arg5[%swap3A_873, %swap3A_874, %swap3A_875], %swap3A_878 {strides = array<i32>} : memref<1x4096x64xf32, #tpu.memory_space<vmem>>, vector<1x1x64xf32>,
    %mul3A_879 = arith.constant 64 : i32
    %mul3A_880 = arith.muli %arg0, %mul3A_879 : i32
    %add3A_881 = arith.constant 16 : i32
    %add3A_882 = arith.addi %mul3A_880, %add3A_881 : i32
    %get3A_883 = arith.index_cast %add3A_882 : i32 to index
    %get3A_884 = memref.load %arg1[%get3A_883] : memref<768xi32, #tpu.memory_space<smem>>
    %slice3A_885 = vector.extract_strided_slice %dot_general3A_652 {offsets = [16, 0], sizes = [1, 64], strides = [1, 1]} : vector<48x64xf32> to vector<1x64xf32>
    %swap3A_886 = arith.constant 0 : index
    %swap3A_887 = arith.index_cast %get3A_884 : i32 to index
    %swap3A_888 = arith.constant 0 : index
    %swap3A_889 = vector.load %arg5[%swap3A_886, %swap3A_887, %swap3A_888] : memref<1x4096x64xf32, #tpu.memory_space<vmem>>, vector<1x1x64xf32>
    %swap3A_890 = vector.shape_cast %swap3A_889 : vector<1x1x64xf32> to vector<1x64xf32>
    %swap3A_891 = vector.shape_cast %slice3A_885 : vector<1x64xf32> to vector<1x1x64xf32>
    tpu.vector_store %arg5[%swap3A_886, %swap3A_887, %swap3A_888], %swap3A_891 {strides = array<i32>} : memref<1x4096x64xf32, #tpu.memory_space<vmem>>, vector<1x1x64xf32>,
    %mul3A_892 = arith.constant 64 : i32
    %mul3A_893 = arith.muli %arg0, %mul3A_892 : i32
    %add3A_894 = arith.constant 17 : i32
    %add3A_895 = arith.addi %mul3A_893, %add3A_894 : i32
    %get3A_896 = arith.index_cast %add3A_895 : i32 to index
    %get3A_897 = memref.load %arg1[%get3A_896] : memref<768xi32, #tpu.memory_space<smem>>
    %slice3A_898 = vector.extract_strided_slice %dot_general3A_652 {offsets = [17, 0], sizes = [1, 64], strides = [1, 1]} : vector<48x64xf32> to vector<1x64xf32>
    %swap3A_899 = arith.constant 0 : index
    %swap3A_900 = arith.index_cast %get3A_897 : i32 to index
    %swap3A_901 = arith.constant 0 : index
    %swap3A_902 = vector.load %arg5[%swap3A_899, %swap3A_900, %swap3A_901] : memref<1x4096x64xf32, #tpu.memory_space<vmem>>, vector<1x1x64xf32>
    %swap3A_903 = vector.shape_cast %swap3A_902 : vector<1x1x64xf32> to vector<1x64xf32>
    %swap3A_904 = vector.shape_cast %slice3A_898 : vector<1x64xf32> to vector<1x1x64xf32>
    tpu.vector_store %arg5[%swap3A_899, %swap3A_900, %swap3A_901], %swap3A_904 {strides = array<i32>} : memref<1x4096x64xf32, #tpu.memory_space<vmem>>, vector<1x1x64xf32>,
    %mul3A_905 = arith.constant 64 : i32
    %mul3A_906 = arith.muli %arg0, %mul3A_905 : i32
    %add3A_907 = arith.constant 18 : i32
    %add3A_908 = arith.addi %mul3A_906, %add3A_907 : i32
    %get3A_909 = arith.index_cast %add3A_908 : i32 to index
    %get3A_910 = memref.load %arg1[%get3A_909] : memref<768xi32, #tpu.memory_space<smem>>
    %slice3A_911 = vector.extract_strided_slice %dot_general3A_652 {offsets = [18, 0], sizes = [1, 64], strides = [1, 1]} : vector<48x64xf32> to vector<1x64xf32>
    %swap3A_912 = arith.constant 0 : index
    %swap3A_913 = arith.index_cast %get3A_910 : i32 to index
    %swap3A_914 = arith.constant 0 : index
    %swap3A_915 = vector.load %arg5[%swap3A_912, %swap3A_913, %swap3A_914] : memref<1x4096x64xf32, #tpu.memory_space<vmem>>, vector<1x1x64xf32>
    %swap3A_916 = vector.shape_cast %swap3A_915 : vector<1x1x64xf32> to vector<1x64xf32>
    %swap3A_917 = vector.shape_cast %slice3A_911 : vector<1x64xf32> to vector<1x1x64xf32>
    tpu.vector_store %arg5[%swap3A_912, %swap3A_913, %swap3A_914], %swap3A_917 {strides = array<i32>} : memref<1x4096x64xf32, #tpu.memory_space<vmem>>, vector<1x1x64xf32>,
    %mul3A_918 = arith.constant 64 : i32
    %mul3A_919 = arith.muli %arg0, %mul3A_918 : i32
    %add3A_920 = arith.constant 19 : i32
    %add3A_921 = arith.addi %mul3A_919, %add3A_920 : i32
    %get3A_922 = arith.index_cast %add3A_921 : i32 to index
    %get3A_923 = memref.load %arg1[%get3A_922] : memref<768xi32, #tpu.memory_space<smem>>
    %slice3A_924 = vector.extract_strided_slice %dot_general3A_652 {offsets = [19, 0], sizes = [1, 64], strides = [1, 1]} : vector<48x64xf32> to vector<1x64xf32>
    %swap3A_925 = arith.constant 0 : index
    %swap3A_926 = arith.index_cast %get3A_923 : i32 to index
    %swap3A_927 = arith.constant 0 : index
    %swap3A_928 = vector.load %arg5[%swap3A_925, %swap3A_926, %swap3A_927] : memref<1x4096x64xf32, #tpu.memory_space<vmem>>, vector<1x1x64xf32>
    %swap3A_929 = vector.shape_cast %swap3A_928 : vector<1x1x64xf32> to vector<1x64xf32>
    %swap3A_930 = vector.shape_cast %slice3A_924 : vector<1x64xf32> to vector<1x1x64xf32>
    tpu.vector_store %arg5[%swap3A_925, %swap3A_926, %swap3A_927], %swap3A_930 {strides = array<i32>} : memref<1x4096x64xf32, #tpu.memory_space<vmem>>, vector<1x1x64xf32>,
    %mul3A_931 = arith.constant 64 : i32
    %mul3A_932 = arith.muli %arg0, %mul3A_931 : i32
    %add3A_933 = arith.constant 20 : i32
    %add3A_934 = arith.addi %mul3A_932, %add3A_933 : i32
    %get3A_935 = arith.index_cast %add3A_934 : i32 to index
    %get3A_936 = memref.load %arg1[%get3A_935] : memref<768xi32, #tpu.memory_space<smem>>
    %slice3A_937 = vector.extract_strided_slice %dot_general3A_652 {offsets = [20, 0], sizes = [1, 64], strides = [1, 1]} : vector<48x64xf32> to vector<1x64xf32>
    %swap3A_938 = arith.constant 0 : index
    %swap3A_939 = arith.index_cast %get3A_936 : i32 to index
    %swap3A_940 = arith.constant 0 : index
    %swap3A_941 = vector.load %arg5[%swap3A_938, %swap3A_939, %swap3A_940] : memref<1x4096x64xf32, #tpu.memory_space<vmem>>, vector<1x1x64xf32>
    %swap3A_942 = vector.shape_cast %swap3A_941 : vector<1x1x64xf32> to vector<1x64xf32>
    %swap3A_943 = vector.shape_cast %slice3A_937 : vector<1x64xf32> to vector<1x1x64xf32>
    tpu.vector_store %arg5[%swap3A_938, %swap3A_939, %swap3A_940], %swap3A_943 {strides = array<i32>} : memref<1x4096x64xf32, #tpu.memory_space<vmem>>, vector<1x1x64xf32>,
    %mul3A_944 = arith.constant 64 : i32
    %mul3A_945 = arith.muli %arg0, %mul3A_944 : i32
    %add3A_946 = arith.constant 21 : i32
    %add3A_947 = arith.addi %mul3A_945, %add3A_946 : i32
    %get3A_948 = arith.index_cast %add3A_947 : i32 to index
    %get3A_949 = memref.load %arg1[%get3A_948] : memref<768xi32, #tpu.memory_space<smem>>
    %slice3A_950 = vector.extract_strided_slice %dot_general3A_652 {offsets = [21, 0], sizes = [1, 64], strides = [1, 1]} : vector<48x64xf32> to vector<1x64xf32>
    %swap3A_951 = arith.constant 0 : index
    %swap3A_952 = arith.index_cast %get3A_949 : i32 to index
    %swap3A_953 = arith.constant 0 : index
    %swap3A_954 = vector.load %arg5[%swap3A_951, %swap3A_952, %swap3A_953] : memref<1x4096x64xf32, #tpu.memory_space<vmem>>, vector<1x1x64xf32>
    %swap3A_955 = vector.shape_cast %swap3A_954 : vector<1x1x64xf32> to vector<1x64xf32>
    %swap3A_956 = vector.shape_cast %slice3A_950 : vector<1x64xf32> to vector<1x1x64xf32>
    tpu.vector_store %arg5[%swap3A_951, %swap3A_952, %swap3A_953], %swap3A_956 {strides = array<i32>} : memref<1x4096x64xf32, #tpu.memory_space<vmem>>, vector<1x1x64xf32>,
    %mul3A_957 = arith.constant 64 : i32
    %mul3A_958 = arith.muli %arg0, %mul3A_957 : i32
    %add3A_959 = arith.constant 22 : i32
    %add3A_960 = arith.addi %mul3A_958, %add3A_959 : i32
    %get3A_961 = arith.index_cast %add3A_960 : i32 to index
    %get3A_962 = memref.load %arg1[%get3A_961] : memref<768xi32, #tpu.memory_space<smem>>
    %slice3A_963 = vector.extract_strided_slice %dot_general3A_652 {offsets = [22, 0], sizes = [1, 64], strides = [1, 1]} : vector<48x64xf32> to vector<1x64xf32>
    %swap3A_964 = arith.constant 0 : index
    %swap3A_965 = arith.index_cast %get3A_962 : i32 to index
    %swap3A_966 = arith.constant 0 : index
    %swap3A_967 = vector.load %arg5[%swap3A_964, %swap3A_965, %swap3A_966] : memref<1x4096x64xf32, #tpu.memory_space<vmem>>, vector<1x1x64xf32>
    %swap3A_968 = vector.shape_cast %swap3A_967 : vector<1x1x64xf32> to vector<1x64xf32>
    %swap3A_969 = vector.shape_cast %slice3A_963 : vector<1x64xf32> to vector<1x1x64xf32>
    tpu.vector_store %arg5[%swap3A_964, %swap3A_965, %swap3A_966], %swap3A_969 {strides = array<i32>} : memref<1x4096x64xf32, #tpu.memory_space<vmem>>, vector<1x1x64xf32>,
    %mul3A_970 = arith.constant 64 : i32
    %mul3A_971 = arith.muli %arg0, %mul3A_970 : i32
    %add3A_972 = arith.constant 23 : i32
    %add3A_973 = arith.addi %mul3A_971, %add3A_972 : i32
    %get3A_974 = arith.index_cast %add3A_973 : i32 to index
    %get3A_975 = memref.load %arg1[%get3A_974] : memref<768xi32, #tpu.memory_space<smem>>
    %slice3A_976 = vector.extract_strided_slice %dot_general3A_652 {offsets = [23, 0], sizes = [1, 64], strides = [1, 1]} : vector<48x64xf32> to vector<1x64xf32>
    %swap3A_977 = arith.constant 0 : index
    %swap3A_978 = arith.index_cast %get3A_975 : i32 to index
    %swap3A_979 = arith.constant 0 : index
    %swap3A_980 = vector.load %arg5[%swap3A_977, %swap3A_978, %swap3A_979] : memref<1x4096x64xf32, #tpu.memory_space<vmem>>, vector<1x1x64xf32>
    %swap3A_981 = vector.shape_cast %swap3A_980 : vector<1x1x64xf32> to vector<1x64xf32>
    %swap3A_982 = vector.shape_cast %slice3A_976 : vector<1x64xf32> to vector<1x1x64xf32>
    tpu.vector_store %arg5[%swap3A_977, %swap3A_978, %swap3A_979], %swap3A_982 {strides = array<i32>} : memref<1x4096x64xf32, #tpu.memory_space<vmem>>, vector<1x1x64xf32>,
    %mul3A_983 = arith.constant 64 : i32
    %mul3A_984 = arith.muli %arg0, %mul3A_983 : i32
    %add3A_985 = arith.constant 24 : i32
    %add3A_986 = arith.addi %mul3A_984, %add3A_985 : i32
    %get3A_987 = arith.index_cast %add3A_986 : i32 to index
    %get3A_988 = memref.load %arg1[%get3A_987] : memref<768xi32, #tpu.memory_space<smem>>
    %slice3A_989 = vector.extract_strided_slice %dot_general3A_652 {offsets = [24, 0], sizes = [1, 64], strides = [1, 1]} : vector<48x64xf32> to vector<1x64xf32>
    %swap3A_990 = arith.constant 0 : index
    %swap3A_991 = arith.index_cast %get3A_988 : i32 to index
    %swap3A_992 = arith.constant 0 : index
    %swap3A_993 = vector.load %arg5[%swap3A_990, %swap3A_991, %swap3A_992] : memref<1x4096x64xf32, #tpu.memory_space<vmem>>, vector<1x1x64xf32>
    %swap3A_994 = vector.shape_cast %swap3A_993 : vector<1x1x64xf32> to vector<1x64xf32>
    %swap3A_995 = vector.shape_cast %slice3A_989 : vector<1x64xf32> to vector<1x1x64xf32>
    tpu.vector_store %arg5[%swap3A_990, %swap3A_991, %swap3A_992], %swap3A_995 {strides = array<i32>} : memref<1x4096x64xf32, #tpu.memory_space<vmem>>, vector<1x1x64xf32>,
    %mul3A_996 = arith.constant 64 : i32
    %mul3A_997 = arith.muli %arg0, %mul3A_996 : i32
    %add3A_998 = arith.constant 25 : i32
    %add3A_999 = arith.addi %mul3A_997, %add3A_998 : i32
    %get3A_1000 = arith.index_cast %add3A_999 : i32 to index
    %get3A_1001 = memref.load %arg1[%get3A_1000] : memref<768xi32, #tpu.memory_space<smem>>
    %slice3A_1002 = vector.extract_strided_slice %dot_general3A_652 {offsets = [25, 0], sizes = [1, 64], strides = [1, 1]} : vector<48x64xf32> to vector<1x64xf32>
    %swap3A_1003 = arith.constant 0 : index
    %swap3A_1004 = arith.index_cast %get3A_1001 : i32 to index
    %swap3A_1005 = arith.constant 0 : index
    %swap3A_1006 = vector.load %arg5[%swap3A_1003, %swap3A_1004, %swap3A_1005] : memref<1x4096x64xf32, #tpu.memory_space<vmem>>, vector<1x1x64xf32>
    %swap3A_1007 = vector.shape_cast %swap3A_1006 : vector<1x1x64xf32> to vector<1x64xf32>
    %swap3A_1008 = vector.shape_cast %slice3A_1002 : vector<1x64xf32> to vector<1x1x64xf32>
    tpu.vector_store %arg5[%swap3A_1003, %swap3A_1004, %swap3A_1005], %swap3A_1008 {strides = array<i32>} : memref<1x4096x64xf32, #tpu.memory_space<vmem>>, vector<1x1x64xf32>,
    %mul3A_1009 = arith.constant 64 : i32
    %mul3A_1010 = arith.muli %arg0, %mul3A_1009 : i32
    %add3A_1011 = arith.constant 26 : i32
    %add3A_1012 = arith.addi %mul3A_1010, %add3A_1011 : i32
    %get3A_1013 = arith.index_cast %add3A_1012 : i32 to index
    %get3A_1014 = memref.load %arg1[%get3A_1013] : memref<768xi32, #tpu.memory_space<smem>>
    %slice3A_1015 = vector.extract_strided_slice %dot_general3A_652 {offsets = [26, 0], sizes = [1, 64], strides = [1, 1]} : vector<48x64xf32> to vector<1x64xf32>
    %swap3A_1016 = arith.constant 0 : index
    %swap3A_1017 = arith.index_cast %get3A_1014 : i32 to index
    %swap3A_1018 = arith.constant 0 : index
    %swap3A_1019 = vector.load %arg5[%swap3A_1016, %swap3A_1017, %swap3A_1018] : memref<1x4096x64xf32, #tpu.memory_space<vmem>>, vector<1x1x64xf32>
    %swap3A_1020 = vector.shape_cast %swap3A_1019 : vector<1x1x64xf32> to vector<1x64xf32>
    %swap3A_1021 = vector.shape_cast %slice3A_1015 : vector<1x64xf32> to vector<1x1x64xf32>
    tpu.vector_store %arg5[%swap3A_1016, %swap3A_1017, %swap3A_1018], %swap3A_1021 {strides = array<i32>} : memref<1x4096x64xf32, #tpu.memory_space<vmem>>, vector<1x1x64xf32>,
    %mul3A_1022 = arith.constant 64 : i32
    %mul3A_1023 = arith.muli %arg0, %mul3A_1022 : i32
    %add3A_1024 = arith.constant 27 : i32
    %add3A_1025 = arith.addi %mul3A_1023, %add3A_1024 : i32
    %get3A_1026 = arith.index_cast %add3A_1025 : i32 to index
    %get3A_1027 = memref.load %arg1[%get3A_1026] : memref<768xi32, #tpu.memory_space<smem>>
    %slice3A_1028 = vector.extract_strided_slice %dot_general3A_652 {offsets = [27, 0], sizes = [1, 64], strides = [1, 1]} : vector<48x64xf32> to vector<1x64xf32>
    %swap3A_1029 = arith.constant 0 : index
    %swap3A_1030 = arith.index_cast %get3A_1027 : i32 to index
    %swap3A_1031 = arith.constant 0 : index
    %swap3A_1032 = vector.load %arg5[%swap3A_1029, %swap3A_1030, %swap3A_1031] : memref<1x4096x64xf32, #tpu.memory_space<vmem>>, vector<1x1x64xf32>
    %swap3A_1033 = vector.shape_cast %swap3A_1032 : vector<1x1x64xf32> to vector<1x64xf32>
    %swap3A_1034 = vector.shape_cast %slice3A_1028 : vector<1x64xf32> to vector<1x1x64xf32>
    tpu.vector_store %arg5[%swap3A_1029, %swap3A_1030, %swap3A_1031], %swap3A_1034 {strides = array<i32>} : memref<1x4096x64xf32, #tpu.memory_space<vmem>>, vector<1x1x64xf32>,
    %mul3A_1035 = arith.constant 64 : i32
    %mul3A_1036 = arith.muli %arg0, %mul3A_1035 : i32
    %add3A_1037 = arith.constant 28 : i32
    %add3A_1038 = arith.addi %mul3A_1036, %add3A_1037 : i32
    %get3A_1039 = arith.index_cast %add3A_1038 : i32 to index
    %get3A_1040 = memref.load %arg1[%get3A_1039] : memref<768xi32, #tpu.memory_space<smem>>
    %slice3A_1041 = vector.extract_strided_slice %dot_general3A_652 {offsets = [28, 0], sizes = [1, 64], strides = [1, 1]} : vector<48x64xf32> to vector<1x64xf32>
    %swap3A_1042 = arith.constant 0 : index
    %swap3A_1043 = arith.index_cast %get3A_1040 : i32 to index
    %swap3A_1044 = arith.constant 0 : index
    %swap3A_1045 = vector.load %arg5[%swap3A_1042, %swap3A_1043, %swap3A_1044] : memref<1x4096x64xf32, #tpu.memory_space<vmem>>, vector<1x1x64xf32>
    %swap3A_1046 = vector.shape_cast %swap3A_1045 : vector<1x1x64xf32> to vector<1x64xf32>
    %swap3A_1047 = vector.shape_cast %slice3A_1041 : vector<1x64xf32> to vector<1x1x64xf32>
    tpu.vector_store %arg5[%swap3A_1042, %swap3A_1043, %swap3A_1044], %swap3A_1047 {strides = array<i32>} : memref<1x4096x64xf32, #tpu.memory_space<vmem>>, vector<1x1x64xf32>,
    %mul3A_1048 = arith.constant 64 : i32
    %mul3A_1049 = arith.muli %arg0, %mul3A_1048 : i32
    %add3A_1050 = arith.constant 29 : i32
    %add3A_1051 = arith.addi %mul3A_1049, %add3A_1050 : i32
    %get3A_1052 = arith.index_cast %add3A_1051 : i32 to index
    %get3A_1053 = memref.load %arg1[%get3A_1052] : memref<768xi32, #tpu.memory_space<smem>>
    %slice3A_1054 = vector.extract_strided_slice %dot_general3A_652 {offsets = [29, 0], sizes = [1, 64], strides = [1, 1]} : vector<48x64xf32> to vector<1x64xf32>
    %swap3A_1055 = arith.constant 0 : index
    %swap3A_1056 = arith.index_cast %get3A_1053 : i32 to index
    %swap3A_1057 = arith.constant 0 : index
    %swap3A_1058 = vector.load %arg5[%swap3A_1055, %swap3A_1056, %swap3A_1057] : memref<1x4096x64xf32, #tpu.memory_space<vmem>>, vector<1x1x64xf32>
    %swap3A_1059 = vector.shape_cast %swap3A_1058 : vector<1x1x64xf32> to vector<1x64xf32>
    %swap3A_1060 = vector.shape_cast %slice3A_1054 : vector<1x64xf32> to vector<1x1x64xf32>
    tpu.vector_store %arg5[%swap3A_1055, %swap3A_1056, %swap3A_1057], %swap3A_1060 {strides = array<i32>} : memref<1x4096x64xf32, #tpu.memory_space<vmem>>, vector<1x1x64xf32>,
    %mul3A_1061 = arith.constant 64 : i32
    %mul3A_1062 = arith.muli %arg0, %mul3A_1061 : i32
    %add3A_1063 = arith.constant 30 : i32
    %add3A_1064 = arith.addi %mul3A_1062, %add3A_1063 : i32
    %get3A_1065 = arith.index_cast %add3A_1064 : i32 to index
    %get3A_1066 = memref.load %arg1[%get3A_1065] : memref<768xi32, #tpu.memory_space<smem>>
    %slice3A_1067 = vector.extract_strided_slice %dot_general3A_652 {offsets = [30, 0], sizes = [1, 64], strides = [1, 1]} : vector<48x64xf32> to vector<1x64xf32>
    %swap3A_1068 = arith.constant 0 : index
    %swap3A_1069 = arith.index_cast %get3A_1066 : i32 to index
    %swap3A_1070 = arith.constant 0 : index
    %swap3A_1071 = vector.load %arg5[%swap3A_1068, %swap3A_1069, %swap3A_1070] : memref<1x4096x64xf32, #tpu.memory_space<vmem>>, vector<1x1x64xf32>
    %swap3A_1072 = vector.shape_cast %swap3A_1071 : vector<1x1x64xf32> to vector<1x64xf32>
    %swap3A_1073 = vector.shape_cast %slice3A_1067 : vector<1x64xf32> to vector<1x1x64xf32>
    tpu.vector_store %arg5[%swap3A_1068, %swap3A_1069, %swap3A_1070], %swap3A_1073 {strides = array<i32>} : memref<1x4096x64xf32, #tpu.memory_space<vmem>>, vector<1x1x64xf32>,
    %mul3A_1074 = arith.constant 64 : i32
    %mul3A_1075 = arith.muli %arg0, %mul3A_1074 : i32
    %add3A_1076 = arith.constant 31 : i32
    %add3A_1077 = arith.addi %mul3A_1075, %add3A_1076 : i32
    %get3A_1078 = arith.index_cast %add3A_1077 : i32 to index
    %get3A_1079 = memref.load %arg1[%get3A_1078] : memref<768xi32, #tpu.memory_space<smem>>
    %slice3A_1080 = vector.extract_strided_slice %dot_general3A_652 {offsets = [31, 0], sizes = [1, 64], strides = [1, 1]} : vector<48x64xf32> to vector<1x64xf32>
    %swap3A_1081 = arith.constant 0 : index
    %swap3A_1082 = arith.index_cast %get3A_1079 : i32 to index
    %swap3A_1083 = arith.constant 0 : index
    %swap3A_1084 = vector.load %arg5[%swap3A_1081, %swap3A_1082, %swap3A_1083] : memref<1x4096x64xf32, #tpu.memory_space<vmem>>, vector<1x1x64xf32>
    %swap3A_1085 = vector.shape_cast %swap3A_1084 : vector<1x1x64xf32> to vector<1x64xf32>
    %swap3A_1086 = vector.shape_cast %slice3A_1080 : vector<1x64xf32> to vector<1x1x64xf32>
    tpu.vector_store %arg5[%swap3A_1081, %swap3A_1082, %swap3A_1083], %swap3A_1086 {strides = array<i32>} : memref<1x4096x64xf32, #tpu.memory_space<vmem>>, vector<1x1x64xf32>,
    %mul3A_1087 = arith.constant 64 : i32
    %mul3A_1088 = arith.muli %arg0, %mul3A_1087 : i32
    %add3A_1089 = arith.constant 32 : i32
    %add3A_1090 = arith.addi %mul3A_1088, %add3A_1089 : i32
    %get3A_1091 = arith.index_cast %add3A_1090 : i32 to index
    %get3A_1092 = memref.load %arg1[%get3A_1091] : memref<768xi32, #tpu.memory_space<smem>>
    %slice3A_1093 = vector.extract_strided_slice %dot_general3A_652 {offsets = [32, 0], sizes = [1, 64], strides = [1, 1]} : vector<48x64xf32> to vector<1x64xf32>
    %swap3A_1094 = arith.constant 0 : index
    %swap3A_1095 = arith.index_cast %get3A_1092 : i32 to index
    %swap3A_1096 = arith.constant 0 : index
    %swap3A_1097 = vector.load %arg5[%swap3A_1094, %swap3A_1095, %swap3A_1096] : memref<1x4096x64xf32, #tpu.memory_space<vmem>>, vector<1x1x64xf32>
    %swap3A_1098 = vector.shape_cast %swap3A_1097 : vector<1x1x64xf32> to vector<1x64xf32>
    %swap3A_1099 = vector.shape_cast %slice3A_1093 : vector<1x64xf32> to vector<1x1x64xf32>
    tpu.vector_store %arg5[%swap3A_1094, %swap3A_1095, %swap3A_1096], %swap3A_1099 {strides = array<i32>} : memref<1x4096x64xf32, #tpu.memory_space<vmem>>, vector<1x1x64xf32>,
    %mul3A_1100 = arith.constant 64 : i32
    %mul3A_1101 = arith.muli %arg0, %mul3A_1100 : i32
    %add3A_1102 = arith.constant 33 : i32
    %add3A_1103 = arith.addi %mul3A_1101, %add3A_1102 : i32
    %get3A_1104 = arith.index_cast %add3A_1103 : i32 to index
    %get3A_1105 = memref.load %arg1[%get3A_1104] : memref<768xi32, #tpu.memory_space<smem>>
    %slice3A_1106 = vector.extract_strided_slice %dot_general3A_652 {offsets = [33, 0], sizes = [1, 64], strides = [1, 1]} : vector<48x64xf32> to vector<1x64xf32>
    %swap3A_1107 = arith.constant 0 : index
    %swap3A_1108 = arith.index_cast %get3A_1105 : i32 to index
    %swap3A_1109 = arith.constant 0 : index
    %swap3A_1110 = vector.load %arg5[%swap3A_1107, %swap3A_1108, %swap3A_1109] : memref<1x4096x64xf32, #tpu.memory_space<vmem>>, vector<1x1x64xf32>
    %swap3A_1111 = vector.shape_cast %swap3A_1110 : vector<1x1x64xf32> to vector<1x64xf32>
    %swap3A_1112 = vector.shape_cast %slice3A_1106 : vector<1x64xf32> to vector<1x1x64xf32>
    tpu.vector_store %arg5[%swap3A_1107, %swap3A_1108, %swap3A_1109], %swap3A_1112 {strides = array<i32>} : memref<1x4096x64xf32, #tpu.memory_space<vmem>>, vector<1x1x64xf32>,
    %mul3A_1113 = arith.constant 64 : i32
    %mul3A_1114 = arith.muli %arg0, %mul3A_1113 : i32
    %add3A_1115 = arith.constant 34 : i32
    %add3A_1116 = arith.addi %mul3A_1114, %add3A_1115 : i32
    %get3A_1117 = arith.index_cast %add3A_1116 : i32 to index
    %get3A_1118 = memref.load %arg1[%get3A_1117] : memref<768xi32, #tpu.memory_space<smem>>
    %slice3A_1119 = vector.extract_strided_slice %dot_general3A_652 {offsets = [34, 0], sizes = [1, 64], strides = [1, 1]} : vector<48x64xf32> to vector<1x64xf32>
    %swap3A_1120 = arith.constant 0 : index
    %swap3A_1121 = arith.index_cast %get3A_1118 : i32 to index
    %swap3A_1122 = arith.constant 0 : index
    %swap3A_1123 = vector.load %arg5[%swap3A_1120, %swap3A_1121, %swap3A_1122] : memref<1x4096x64xf32, #tpu.memory_space<vmem>>, vector<1x1x64xf32>
    %swap3A_1124 = vector.shape_cast %swap3A_1123 : vector<1x1x64xf32> to vector<1x64xf32>
    %swap3A_1125 = vector.shape_cast %slice3A_1119 : vector<1x64xf32> to vector<1x1x64xf32>
    tpu.vector_store %arg5[%swap3A_1120, %swap3A_1121, %swap3A_1122], %swap3A_1125 {strides = array<i32>} : memref<1x4096x64xf32, #tpu.memory_space<vmem>>, vector<1x1x64xf32>,
    %mul3A_1126 = arith.constant 64 : i32
    %mul3A_1127 = arith.muli %arg0, %mul3A_1126 : i32
    %add3A_1128 = arith.constant 35 : i32
    %add3A_1129 = arith.addi %mul3A_1127, %add3A_1128 : i32
    %get3A_1130 = arith.index_cast %add3A_1129 : i32 to index
    %get3A_1131 = memref.load %arg1[%get3A_1130] : memref<768xi32, #tpu.memory_space<smem>>
    %slice3A_1132 = vector.extract_strided_slice %dot_general3A_652 {offsets = [35, 0], sizes = [1, 64], strides = [1, 1]} : vector<48x64xf32> to vector<1x64xf32>
    %swap3A_1133 = arith.constant 0 : index
    %swap3A_1134 = arith.index_cast %get3A_1131 : i32 to index
    %swap3A_1135 = arith.constant 0 : index
    %swap3A_1136 = vector.load %arg5[%swap3A_1133, %swap3A_1134, %swap3A_1135] : memref<1x4096x64xf32, #tpu.memory_space<vmem>>, vector<1x1x64xf32>
    %swap3A_1137 = vector.shape_cast %swap3A_1136 : vector<1x1x64xf32> to vector<1x64xf32>
    %swap3A_1138 = vector.shape_cast %slice3A_1132 : vector<1x64xf32> to vector<1x1x64xf32>
    tpu.vector_store %arg5[%swap3A_1133, %swap3A_1134, %swap3A_1135], %swap3A_1138 {strides = array<i32>} : memref<1x4096x64xf32, #tpu.memory_space<vmem>>, vector<1x1x64xf32>,
    %mul3A_1139 = arith.constant 64 : i32
    %mul3A_1140 = arith.muli %arg0, %mul3A_1139 : i32
    %add3A_1141 = arith.constant 36 : i32
    %add3A_1142 = arith.addi %mul3A_1140, %add3A_1141 : i32
    %get3A_1143 = arith.index_cast %add3A_1142 : i32 to index
    %get3A_1144 = memref.load %arg1[%get3A_1143] : memref<768xi32, #tpu.memory_space<smem>>
    %slice3A_1145 = vector.extract_strided_slice %dot_general3A_652 {offsets = [36, 0], sizes = [1, 64], strides = [1, 1]} : vector<48x64xf32> to vector<1x64xf32>
    %swap3A_1146 = arith.constant 0 : index
    %swap3A_1147 = arith.index_cast %get3A_1144 : i32 to index
    %swap3A_1148 = arith.constant 0 : index
    %swap3A_1149 = vector.load %arg5[%swap3A_1146, %swap3A_1147, %swap3A_1148] : memref<1x4096x64xf32, #tpu.memory_space<vmem>>, vector<1x1x64xf32>
    %swap3A_1150 = vector.shape_cast %swap3A_1149 : vector<1x1x64xf32> to vector<1x64xf32>
    %swap3A_1151 = vector.shape_cast %slice3A_1145 : vector<1x64xf32> to vector<1x1x64xf32>
    tpu.vector_store %arg5[%swap3A_1146, %swap3A_1147, %swap3A_1148], %swap3A_1151 {strides = array<i32>} : memref<1x4096x64xf32, #tpu.memory_space<vmem>>, vector<1x1x64xf32>,
    %mul3A_1152 = arith.constant 64 : i32
    %mul3A_1153 = arith.muli %arg0, %mul3A_1152 : i32
    %add3A_1154 = arith.constant 37 : i32
    %add3A_1155 = arith.addi %mul3A_1153, %add3A_1154 : i32
    %get3A_1156 = arith.index_cast %add3A_1155 : i32 to index
    %get3A_1157 = memref.load %arg1[%get3A_1156] : memref<768xi32, #tpu.memory_space<smem>>
    %slice3A_1158 = vector.extract_strided_slice %dot_general3A_652 {offsets = [37, 0], sizes = [1, 64], strides = [1, 1]} : vector<48x64xf32> to vector<1x64xf32>
    %swap3A_1159 = arith.constant 0 : index
    %swap3A_1160 = arith.index_cast %get3A_1157 : i32 to index
    %swap3A_1161 = arith.constant 0 : index
    %swap3A_1162 = vector.load %arg5[%swap3A_1159, %swap3A_1160, %swap3A_1161] : memref<1x4096x64xf32, #tpu.memory_space<vmem>>, vector<1x1x64xf32>
    %swap3A_1163 = vector.shape_cast %swap3A_1162 : vector<1x1x64xf32> to vector<1x64xf32>
    %swap3A_1164 = vector.shape_cast %slice3A_1158 : vector<1x64xf32> to vector<1x1x64xf32>
    tpu.vector_store %arg5[%swap3A_1159, %swap3A_1160, %swap3A_1161], %swap3A_1164 {strides = array<i32>} : memref<1x4096x64xf32, #tpu.memory_space<vmem>>, vector<1x1x64xf32>,
    %mul3A_1165 = arith.constant 64 : i32
    %mul3A_1166 = arith.muli %arg0, %mul3A_1165 : i32
    %add3A_1167 = arith.constant 38 : i32
    %add3A_1168 = arith.addi %mul3A_1166, %add3A_1167 : i32
    %get3A_1169 = arith.index_cast %add3A_1168 : i32 to index
    %get3A_1170 = memref.load %arg1[%get3A_1169] : memref<768xi32, #tpu.memory_space<smem>>
    %slice3A_1171 = vector.extract_strided_slice %dot_general3A_652 {offsets = [38, 0], sizes = [1, 64], strides = [1, 1]} : vector<48x64xf32> to vector<1x64xf32>
    %swap3A_1172 = arith.constant 0 : index
    %swap3A_1173 = arith.index_cast %get3A_1170 : i32 to index
    %swap3A_1174 = arith.constant 0 : index
    %swap3A_1175 = vector.load %arg5[%swap3A_1172, %swap3A_1173, %swap3A_1174] : memref<1x4096x64xf32, #tpu.memory_space<vmem>>, vector<1x1x64xf32>
    %swap3A_1176 = vector.shape_cast %swap3A_1175 : vector<1x1x64xf32> to vector<1x64xf32>
    %swap3A_1177 = vector.shape_cast %slice3A_1171 : vector<1x64xf32> to vector<1x1x64xf32>
    tpu.vector_store %arg5[%swap3A_1172, %swap3A_1173, %swap3A_1174], %swap3A_1177 {strides = array<i32>} : memref<1x4096x64xf32, #tpu.memory_space<vmem>>, vector<1x1x64xf32>,
    %mul3A_1178 = arith.constant 64 : i32
    %mul3A_1179 = arith.muli %arg0, %mul3A_1178 : i32
    %add3A_1180 = arith.constant 39 : i32
    %add3A_1181 = arith.addi %mul3A_1179, %add3A_1180 : i32
    %get3A_1182 = arith.index_cast %add3A_1181 : i32 to index
    %get3A_1183 = memref.load %arg1[%get3A_1182] : memref<768xi32, #tpu.memory_space<smem>>
    %slice3A_1184 = vector.extract_strided_slice %dot_general3A_652 {offsets = [39, 0], sizes = [1, 64], strides = [1, 1]} : vector<48x64xf32> to vector<1x64xf32>
    %swap3A_1185 = arith.constant 0 : index
    %swap3A_1186 = arith.index_cast %get3A_1183 : i32 to index
    %swap3A_1187 = arith.constant 0 : index
    %swap3A_1188 = vector.load %arg5[%swap3A_1185, %swap3A_1186, %swap3A_1187] : memref<1x4096x64xf32, #tpu.memory_space<vmem>>, vector<1x1x64xf32>
    %swap3A_1189 = vector.shape_cast %swap3A_1188 : vector<1x1x64xf32> to vector<1x64xf32>
    %swap3A_1190 = vector.shape_cast %slice3A_1184 : vector<1x64xf32> to vector<1x1x64xf32>
    tpu.vector_store %arg5[%swap3A_1185, %swap3A_1186, %swap3A_1187], %swap3A_1190 {strides = array<i32>} : memref<1x4096x64xf32, #tpu.memory_space<vmem>>, vector<1x1x64xf32>,
    %mul3A_1191 = arith.constant 64 : i32
    %mul3A_1192 = arith.muli %arg0, %mul3A_1191 : i32
    %add3A_1193 = arith.constant 40 : i32
    %add3A_1194 = arith.addi %mul3A_1192, %add3A_1193 : i32
    %get3A_1195 = arith.index_cast %add3A_1194 : i32 to index
    %get3A_1196 = memref.load %arg1[%get3A_1195] : memref<768xi32, #tpu.memory_space<smem>>
    %slice3A_1197 = vector.extract_strided_slice %dot_general3A_652 {offsets = [40, 0], sizes = [1, 64], strides = [1, 1]} : vector<48x64xf32> to vector<1x64xf32>
    %swap3A_1198 = arith.constant 0 : index
    %swap3A_1199 = arith.index_cast %get3A_1196 : i32 to index
    %swap3A_1200 = arith.constant 0 : index
    %swap3A_1201 = vector.load %arg5[%swap3A_1198, %swap3A_1199, %swap3A_1200] : memref<1x4096x64xf32, #tpu.memory_space<vmem>>, vector<1x1x64xf32>
    %swap3A_1202 = vector.shape_cast %swap3A_1201 : vector<1x1x64xf32> to vector<1x64xf32>
    %swap3A_1203 = vector.shape_cast %slice3A_1197 : vector<1x64xf32> to vector<1x1x64xf32>
    tpu.vector_store %arg5[%swap3A_1198, %swap3A_1199, %swap3A_1200], %swap3A_1203 {strides = array<i32>} : memref<1x4096x64xf32, #tpu.memory_space<vmem>>, vector<1x1x64xf32>,
    %mul3A_1204 = arith.constant 64 : i32
    %mul3A_1205 = arith.muli %arg0, %mul3A_1204 : i32
    %add3A_1206 = arith.constant 41 : i32
    %add3A_1207 = arith.addi %mul3A_1205, %add3A_1206 : i32
    %get3A_1208 = arith.index_cast %add3A_1207 : i32 to index
    %get3A_1209 = memref.load %arg1[%get3A_1208] : memref<768xi32, #tpu.memory_space<smem>>
    %slice3A_1210 = vector.extract_strided_slice %dot_general3A_652 {offsets = [41, 0], sizes = [1, 64], strides = [1, 1]} : vector<48x64xf32> to vector<1x64xf32>
    %swap3A_1211 = arith.constant 0 : index
    %swap3A_1212 = arith.index_cast %get3A_1209 : i32 to index
    %swap3A_1213 = arith.constant 0 : index
    %swap3A_1214 = vector.load %arg5[%swap3A_1211, %swap3A_1212, %swap3A_1213] : memref<1x4096x64xf32, #tpu.memory_space<vmem>>, vector<1x1x64xf32>
    %swap3A_1215 = vector.shape_cast %swap3A_1214 : vector<1x1x64xf32> to vector<1x64xf32>
    %swap3A_1216 = vector.shape_cast %slice3A_1210 : vector<1x64xf32> to vector<1x1x64xf32>
    tpu.vector_store %arg5[%swap3A_1211, %swap3A_1212, %swap3A_1213], %swap3A_1216 {strides = array<i32>} : memref<1x4096x64xf32, #tpu.memory_space<vmem>>, vector<1x1x64xf32>,
    %mul3A_1217 = arith.constant 64 : i32
    %mul3A_1218 = arith.muli %arg0, %mul3A_1217 : i32
    %add3A_1219 = arith.constant 42 : i32
    %add3A_1220 = arith.addi %mul3A_1218, %add3A_1219 : i32
    %get3A_1221 = arith.index_cast %add3A_1220 : i32 to index
    %get3A_1222 = memref.load %arg1[%get3A_1221] : memref<768xi32, #tpu.memory_space<smem>>
    %slice3A_1223 = vector.extract_strided_slice %dot_general3A_652 {offsets = [42, 0], sizes = [1, 64], strides = [1, 1]} : vector<48x64xf32> to vector<1x64xf32>
    %swap3A_1224 = arith.constant 0 : index
    %swap3A_1225 = arith.index_cast %get3A_1222 : i32 to index
    %swap3A_1226 = arith.constant 0 : index
    %swap3A_1227 = vector.load %arg5[%swap3A_1224, %swap3A_1225, %swap3A_1226] : memref<1x4096x64xf32, #tpu.memory_space<vmem>>, vector<1x1x64xf32>
    %swap3A_1228 = vector.shape_cast %swap3A_1227 : vector<1x1x64xf32> to vector<1x64xf32>
    %swap3A_1229 = vector.shape_cast %slice3A_1223 : vector<1x64xf32> to vector<1x1x64xf32>
    tpu.vector_store %arg5[%swap3A_1224, %swap3A_1225, %swap3A_1226], %swap3A_1229 {strides = array<i32>} : memref<1x4096x64xf32, #tpu.memory_space<vmem>>, vector<1x1x64xf32>,
    %mul3A_1230 = arith.constant 64 : i32
    %mul3A_1231 = arith.muli %arg0, %mul3A_1230 : i32
    %add3A_1232 = arith.constant 43 : i32
    %add3A_1233 = arith.addi %mul3A_1231, %add3A_1232 : i32
    %get3A_1234 = arith.index_cast %add3A_1233 : i32 to index
    %get3A_1235 = memref.load %arg1[%get3A_1234] : memref<768xi32, #tpu.memory_space<smem>>
    %slice3A_1236 = vector.extract_strided_slice %dot_general3A_652 {offsets = [43, 0], sizes = [1, 64], strides = [1, 1]} : vector<48x64xf32> to vector<1x64xf32>
    %swap3A_1237 = arith.constant 0 : index
    %swap3A_1238 = arith.index_cast %get3A_1235 : i32 to index
    %swap3A_1239 = arith.constant 0 : index
    %swap3A_1240 = vector.load %arg5[%swap3A_1237, %swap3A_1238, %swap3A_1239] : memref<1x4096x64xf32, #tpu.memory_space<vmem>>, vector<1x1x64xf32>
    %swap3A_1241 = vector.shape_cast %swap3A_1240 : vector<1x1x64xf32> to vector<1x64xf32>
    %swap3A_1242 = vector.shape_cast %slice3A_1236 : vector<1x64xf32> to vector<1x1x64xf32>
    tpu.vector_store %arg5[%swap3A_1237, %swap3A_1238, %swap3A_1239], %swap3A_1242 {strides = array<i32>} : memref<1x4096x64xf32, #tpu.memory_space<vmem>>, vector<1x1x64xf32>,
    %mul3A_1243 = arith.constant 64 : i32
    %mul3A_1244 = arith.muli %arg0, %mul3A_1243 : i32
    %add3A_1245 = arith.constant 44 : i32
    %add3A_1246 = arith.addi %mul3A_1244, %add3A_1245 : i32
    %get3A_1247 = arith.index_cast %add3A_1246 : i32 to index
    %get3A_1248 = memref.load %arg1[%get3A_1247] : memref<768xi32, #tpu.memory_space<smem>>
    %slice3A_1249 = vector.extract_strided_slice %dot_general3A_652 {offsets = [44, 0], sizes = [1, 64], strides = [1, 1]} : vector<48x64xf32> to vector<1x64xf32>
    %swap3A_1250 = arith.constant 0 : index
    %swap3A_1251 = arith.index_cast %get3A_1248 : i32 to index
    %swap3A_1252 = arith.constant 0 : index
    %swap3A_1253 = vector.load %arg5[%swap3A_1250, %swap3A_1251, %swap3A_1252] : memref<1x4096x64xf32, #tpu.memory_space<vmem>>, vector<1x1x64xf32>
    %swap3A_1254 = vector.shape_cast %swap3A_1253 : vector<1x1x64xf32> to vector<1x64xf32>
    %swap3A_1255 = vector.shape_cast %slice3A_1249 : vector<1x64xf32> to vector<1x1x64xf32>
    tpu.vector_store %arg5[%swap3A_1250, %swap3A_1251, %swap3A_1252], %swap3A_1255 {strides = array<i32>} : memref<1x4096x64xf32, #tpu.memory_space<vmem>>, vector<1x1x64xf32>,
    return
  }
  func.func @transform_0(%arg0: i32, %arg1: memref<768xi32, #tpu.memory_space<smem>>) -> (i32, i32, i32) {
    %c0_i32 = arith.constant 0 : i32
    %c0_i32_0 = arith.constant 0 : i32
    %c0_i32_1 = arith.constant 0 : i32
    return %arg0, %c0_i32, %c0_i32_0 : i32, i32, i32
  }
  func.func @transform_1(%arg0: i32, %arg1: memref<768xi32, #tpu.memory_space<smem>>) -> (i32, i32, i32) {
    %c0_i32 = arith.constant 0 : i32
    %c0_i32_0 = arith.constant 0 : i32
    %c0_i32_1 = arith.constant 0 : i32
    return %arg0, %c0_i32, %c0_i32_0 : i32, i32, i32
  }
  func.func @transform_2(%arg0: i32, %arg1: memref<768xi32, #tpu.memory_space<smem>>) -> (i32, i32, i32) {
    %c0_i32 = arith.constant 0 : i32
    %c0_i32_0 = arith.constant 0 : i32
    %c0_i32_1 = arith.constant 0 : i32
    return %arg0, %c0_i32, %c0_i32_0 : i32, i32, i32
  }
  func.func @transform_3(%arg0: i32, %arg1: memref<768xi32, #tpu.memory_space<smem>>) -> (i32, i32, i32) {
    %c0_i32 = arith.constant 0 : i32
    %c0_i32_0 = arith.constant 0 : i32
    %c0_i32_1 = arith.constant 0 : i32
    return %arg0, %c0_i32, %c0_i32_0 : i32, i32, i32
  }
}

</mosaic_0001>

<sc_bundles>
// kernel: kernel.7.cloned.1.call-start
scs
__scs_entry_jumppad:
0x0: {  	(pc) =	sbr.rel $0x88, $3  }
0x1: {  	(tag) =	ssettag $0x0;
	lr =	simm.s32 $0x1  }
0x2: {  	[smem:$0x3F94] =	sst lr;
	_ =	strace $0xD0000000  }
0x3: {  	_ = 	snop  }
0x4: {  	_ = 	snop  }
0x5: {  	_ = 	snop  }
0x6: {  	_ = 	snop  }
0x7: {  	_ = 	snop  }
__scs_overlays_trampoline_lowered:
0x8: {  	[smem:$0x3FA3] =	sst s0  }
0x9: {  	[smem:$0x3FA4] =	sst s1  }
0xa: {  	[smem:$0x3FA5] =	sst s2  }
0xb: {  	[smem:$0x3FA6] =	sst s3  }
0xc: {  	[smem:$0x3FA7] =	sst s4  }
0xd: {  	[smem:$0x3FA8] =	sst s5  }
0xe: {  	[smem:$0x3FA9] =	sst s6  }
0xf: {  	[smem:$0x3FAA] =	sst s7  }
0x10: {  	[smem:$0x3FAB] =	sst s8  }
0x11: {  	[smem:$0x3FAC] =	sst s9;
	s0 =	simm.s32 @!p0 $0x0  }
0x12: {  	s1 =	sld [smem:$0x3F92];
	s0 =	simm.s32 @p0 $0x1  }
0x13: {  	[smem:$0x3FAD] =	sst s0;
	s0 =	simm.s32 @!p1 $0x0  }
0x14: {  	s2 =	sld [smem:$0x3F91];
	s0 =	simm.s32 @p1 $0x1  }
0x15: {  	[smem:$0x3FAE] =	sst s0;
	s0 =	simm.s32 @!p2 $0x0  }
0x16: {  	s3 =	sld [smem:$0x3FDB];
	s0 =	simm.s32 @p2 $0x1  }
0x17: {  	s4 =	simm.s32 $0x1BF5;
	[smem:$0x3FB0] =	sst s0  }
0x18: {  	s0 =	sld [smem:$0x3F93];
	_ =	swait.ge [sflag:s4], $0x0  }
0x19: {  	s7 =	sld [smem:$0x3F94]  }
0x1a: {  	s8 =	sadd.s32 $0xFFFFE003, lr  }
0x1b: {  	s9 =	sadd.s32 $0xFFFFFEF7, lr;
	s5 =	simm.s32 $0xFFFFFFFF;
	p2 =	slt.u32 s8, $0xFFFFF086  }
0x1c: {  	p1 =	slt.u32 s9, $0xF7A;
	s5 =	simm.s32 @!p2 $0x0  }
0x1d: {  	s5 =	simm.s32 @p1 $0x1;
	p0 =	seq.s32 s7, s2  }
0x1e: {  	s7 =	smul.u32 @!p0 $0xF7A, s2;
	p2 =	seq.s32 @!p0 s5, $0x0  }
0x1f: {  	s9 =	smul.u32 $0xF7A, s1;
	s8 =	simm.s32 @!p0 $0x1BF5;
	p2 =	por !p2, p0  }
0x20: {  	[sflag:s8] =	ssyncset.s32 @!p0 $0xFFFFF086;
	s6 =	sadd.s32 @!p0 s3, s7;
	s7 =	simm.s32 @!p0 $0x108  }
0x21: {  	s3 =	sadd.s32 s3, s9;
	s6 =	sadd.s32 @!p0 $0x88, s6;
	s7 =	simm.s32 @p2 $0x1082  }
0x22: {  	[simem:s7], [sflag:s8] =	dma.local @!p0 [hbm:s6], $0xF7A  }
0x23: {  	s9 =	sor.u32 $0xD0000000, s2;
	s6 =	simm.s32 $0x108;
	_ =	swait.ge @!p0 [sflag:s8], $0x0  }
0x24: {  	s3 =	sadd.s32 $0x88, s3;
	s6 =	simm.s32 @!p1 $0x1082;
	[sflag:s4] =	ssyncset.s32 $0xFFFFF086  }
0x25: {  	[simem:s6], [sflag:s4] =	dma.local [hbm:s3], $0xF7A  }
0x26: {  	[smem:$0x3F94] =	sst s1;
	(tag) =	ssettag s2;
	_ =	strace s9  }
0x27: {  	s1 =	sld [smem:$0x3FA4]  }
0x28: {  	s2 =	sld [smem:$0x3FA5]  }
0x29: {  	s4 =	sld [smem:$0x3FA7]  }
0x2a: {  	p0 =	seq.s32 s5, $0x0;
	s5 =	sld [smem:$0x3FA8]  }
0x2b: {  	s6 =	sld [smem:$0x3FA9]  }
0x2c: {  	s7 =	sld [smem:$0x3FAA]  }
0x2d: {  	s3 =	simm.s32 $0x108;
	s8 =	sld [smem:$0x3FAB]  }
0x2e: {  	s3 =	simm.s32 @!p0 $0x1082;
	s9 =	sld [smem:$0x3FAC]  }
0x2f: {  	lr =	sadd.s32 s0, s3;
	s0 =	sld [smem:$0x3FA3]  }
0x30: {  	s3 =	sld [smem:$0x3FA6]  }
0x31: {  	[smem:$0x3FAF] =	sst s10  }
0x32: {  	s10 =	sld [smem:$0x3FAD];
	_ =	sdelay $0x3  }
0x33: {  	p0 =	seq.s32 s10, $0x1;
	s10 =	sld [smem:$0x3FAF];
	_ =	sdelay $0x3  }
0x34: {  	[smem:$0x3FAF] =	sst s10  }
0x35: {  	s10 =	sld [smem:$0x3FAE];
	_ =	sdelay $0x3  }
0x36: {  	p1 =	seq.s32 s10, $0x1;
	s10 =	sld [smem:$0x3FAF];
	_ =	sdelay $0x3  }
0x37: {  	[smem:$0x3FAF] =	sst s10  }
0x38: {  	s10 =	sld [smem:$0x3FB0]  }
0x39: {  	_ = 	snop;
	(pc) =	sbr.ind lr, $3  }
0x3a: {  	_ = 	snop  }
0x3b: {  	_ = 	snop  }
0x3c: {  	p2 =	seq.s32 s10, $0x1;
	s10 =	sld [smem:$0x3FAF]  }
0x3d: {  	_ =	shalt  }
0x3e: {  	_ =	shalt  }
0x3f: {  	_ =	shalt  }
0x40: {  	_ =	shalt  }
0x41: {  	_ =	shalt  }
0x42: {  	_ =	shalt  }
0x43: {  	_ =	shalt  }
0x44: {  	_ =	shalt  }
0x45: {  	_ =	shalt  }
0x46: {  	_ =	shalt  }
0x47: {  	_ =	shalt  }
0x48: {  	_ =	shalt  }
0x49: {  	_ =	shalt  }
0x4a: {  	_ =	shalt  }
0x4b: {  	_ =	shalt  }
0x4c: {  	_ =	shalt  }
0x4d: {  	_ =	shalt  }
0x4e: {  	_ =	shalt  }
0x4f: {  	_ =	shalt  }
0x50: {  	_ =	shalt  }
0x51: {  	_ =	shalt  }
0x52: {  	_ =	shalt  }
0x53: {  	_ =	shalt  }
0x54: {  	_ =	shalt  }
0x55: {  	_ =	shalt  }
0x56: {  	_ =	shalt  }
0x57: {  	_ =	shalt  }
0x58: {  	_ =	shalt  }
0x59: {  	_ =	shalt  }
0x5a: {  	_ =	shalt  }
0x5b: {  	_ =	shalt  }
0x5c: {  	_ =	shalt  }
0x5d: {  	_ =	shalt  }
0x5e: {  	_ =	shalt  }
0x5f: {  	_ =	shalt  }
0x60: {  	_ =	shalt  }
0x61: {  	_ =	shalt  }
0x62: {  	_ =	shalt  }
0x63: {  	_ =	shalt  }
0x64: {  	_ =	shalt  }
0x65: {  	_ =	shalt  }
0x66: {  	_ =	shalt  }
0x67: {  	_ =	shalt  }
0x68: {  	_ =	shalt  }
0x69: {  	_ =	shalt  }
0x6a: {  	_ =	shalt  }
0x6b: {  	_ =	shalt  }
0x6c: {  	_ =	shalt  }
0x6d: {  	_ =	shalt  }
0x6e: {  	_ =	shalt  }
0x6f: {  	_ =	shalt  }
0x70: {  	_ =	shalt  }
0x71: {  	_ =	shalt  }
0x72: {  	_ =	shalt  }
0x73: {  	_ =	shalt  }
0x74: {  	_ =	shalt  }
0x75: {  	_ =	shalt  }
0x76: {  	_ =	shalt  }
0x77: {  	_ =	shalt  }
0x78: {  	_ =	shalt  }
0x79: {  	_ =	shalt  }
0x7a: {  	_ =	shalt  }
0x7b: {  	_ =	shalt  }
0x7c: {  	_ =	shalt  }
0x7d: {  	_ =	shalt  }
0x7e: {  	_ =	shalt  }
0x7f: {  	_ =	shalt  }
0x80: {  	_ =	shalt  }
0x81: {  	_ =	shalt  }
0x82: {  	_ =	shalt  }
0x83: {  	_ =	shalt  }
0x84: {  	_ =	shalt  }
0x85: {  	_ =	shalt  }
0x86: {  	_ =	shalt  }
0x87: {  	_ =	shalt  }
.Lfunc_end0:
.L_simem_size_0:
called_computation_lowered:
.L_overlay_start_0:
0x88: {  	s2 =	sld [smem:$0x3FD9]  }
0x89: {  	s3 =	sld [smem:$0x3FFE];
	_ =	sdelay $0x1  }
0x8a: {  	s1 =	srdreg.scid  }
0x8b: {  	s0 =	sand.u32 $0x1, s1  }
0x8c: {  	s16 =	sshll.u32 s0, $0xA;
	s2 =	sadd.s32 s3, s2  }
0x8d: {  	s2 =	sadd.s32 s2, s16  }
0x8e: {  	[smem:$0x3FBB] =	sst s2  }
0x8f: {  	_ = 	snop  }
0x90: {  	(tm) =	ssettm $0x1  }
0x91: {  	s17 =	sld [smem:$0x3FFB];
	_ =	sdelay $0x3  }
0x92: {  	_ =	strace s17  }
0x93: {  	s2 =	sld [smem:$0x3FFC];
	_ =	sdelay $0x3  }
0x94: {  	_ =	strace s2  }
0x95: {  	s2 =	sld [smem:$0x3FFD];
	_ =	sdelay $0x3  }
0x96: {  	_ =	strace s2  }
0x97: {  	_ =	strace $0x8FFFFFFF  }
0x98: {  	s18 =	sld [smem:$0x3FDB];
	_ =	sdelay $0x1  }
0x99: {  	s19 =	simm.s32 $_scs_section_size  }
0x9a: {  	s4 =	simm.s32 $_size__tile_overlayer_lowered;
	s5 =	simm.s32 $_tile_overlayer_lowered  }
0x9b: {  	s22 =	simm.s32 $0x1BFF;
	s21 =	sshll.u32 s5, $0x1;
	s2 =	sadd.s32 s19, s18  }
0x9c: {  	s6 =	simm.s32 $0x0;
	s20 =	sshll.u32 s4, $0x1;
	s4 =	sadd.s32 s21, s2  }
0x9d: {  	[timem:s6], [sflag:s22] =	dma.local [hbm:s4], s20  }
0x9e: {  	_ =	swait.ge [sflag:s22], s20  }
0x9f: {  	s3 =	ssub.s32 $0x0, s20;
	[sflag:s22] =	ssyncset.done $0x0  }
0xa0: {  	[sflag:s22] =	ssyncadd.s32 s3;
	_ =	sdelay $0x1  }
0xa1: {  	s23 =	simm.s32 $0x1B8B  }
0xa2: {  	_ =	swait.ge [sflag:s23], $0x1  }
0xa3: {  	[sflag:s23] =	ssyncset.done $0x0  }
0xa4: {  	s25 =	simm.s32 $0x1B8E;
	s24 =	sld [smem:$0x3FFE];
	[sflag:s23] =	ssyncadd.s32 $0xFFFFFFFF  }
0xa5: {  	s26 =	simm.s32 $execute0_lowered;
	[smem:$0x3FD2] =	sst s25  }
0xa6: {  	s4 =	sshll.u32 s26, $0x1;
	_ =	strace $0x80000046;
	[dreg:$0x1] =	wrdreg $0xFFFFFFFF  }
0xa7: {  	s28 =	simm.s32 $_size_execute0_lowered;
	s2 =	sadd.s32 s2, s4;
	[dreg:$0x0] =	wrdreg $0x0  }
0xa8: {  	s4 =	sshll.u32 s28, $0x1;
	[dreg:$0x2] =	wrdreg s2  }
0xa9: {  	[dreg:$0x3] =	wrdreg s4  }
0xaa: {  	[dreg:$0x4] =	wrdreg $0xC0  }
0xab: {  	_ =	task [dreg:s6], $0x5FFFF  }
0xac: {  	[dreg:$0x1] =	wrdreg $0xFFFFFFFF  }
0xad: {  	[dreg:$0x0] =	wrdreg $0x60  }
0xae: {  	[dreg:$0x2] =	wrdreg s24  }
0xaf: {  	[dreg:$0x3] =	wrdreg $0x9  }
0xb0: {  	_ =	task.clear_ibuf [dreg:s6], $0x4FFFF;
	_ =	strace $0x90000046  }
0xb1: {  	s29 =	simm.s32 $0x9;
	_ =	strace $0x80000048  }
0xb2: {  	_ =	swait.ge [sflag:s29], $0x1  }
0xb3: {  	[sflag:s29] =	ssyncadd.s32 $0xFFFFFFFF  }
0xb4: {  	_ =	strace $0x90000048  }
0xb5: {  	_ =	sfence  }
0xb6: {  	s30 =	sld [smem:$0x0];
	_ =	sdelay $0x2  }
0xb7: {  	s31 =	sshll.u32 s1, $0xD;
	s1 =	sshrl.u32 s1, $0x2  }
0xb8: {  	s3 =	sand.u32 $0x4000, s31;
	s1 =	sadd.s32 s1, s30  }
0xb9: {  	s0 =	sor.u32 s3, s0;
	s1 =	sshll.u32 s1, $0x11  }
0xba: {  	s0 =	sor.u32 s1, s0  }
0xbb: {  	s0 =	sadd.s32 $0x8F2B, s0  }
0xbc: {  	[sflag:s0] =	ssyncadd.remote.s32 $0x1  }
0xbd: {  	_ =	sfence.sel $0xFFFF  }
0xbe: {  	[dreg:$0x0] =	wrdreg $0xFFFFFFFF;
	(pc) =	sbr.abs _section_cstart, $3  }
0xbf: {  	[dreg:$0x1] =	wrdreg $0xFFFFFFFF  }
0xc0: {  	_ =	task.clear_ibuf [dreg:s6], $0x2FFFF;
	_ =	strace $0x9FFFFFFF  }
0xc1: {  	(tm) =	ssettm $0x7FFFFFFF  }
tec
execute0_lowered:
.L_overlay_start_1:
0x0: {  	(tag) =	ssettag $0x1  }
0x1: {  	s6 =	rddreg [dreg:$0x0]  }
0x2: {  	s0 =	rddreg [dreg:$0x1];
	s1 =	simm.s32 $0x0;
	s2 =	srdreg.scid  }
0x3: {  	s11 =	simm.s32 $0x10000;
	s12 =	simm.s32 $0x1;
	s13 =	simm.s32 $0x8000  }
0x4: {  	s14 =	simm.s32 $0x1B400;
	[smem:$0x7FF] =	sst s1;
	s7 =	sand.u32 $0x1, s2  }
0x5: {  	s3 =	sadd.s32 $0x203000, s6;
	s2 =	stileid.u32;
	s4 =	sadd.s32 $0x183000, s6  }
0x6: {  	s5 =	sadd.s32 $0x283000, s6;
	s6 =	sadd.s32 $0x288A00, s6;
	s8 =	ssub.s32 $0x2, s7  }
0x7: {  	_ =	strace $0x80000047;
	s10 =	sshll.u32 s2, $0x1;
	s9 =	sshrl.u32 s8, $0x1  }
0x8: {  	s7 =	sor.u32 s7, s10;
	s10 =	simm.s32 $0x400;
	s8 =	ssub.s32 s8, s9  }
0x9: {  	v0 =	vimm.f32 $0.0e+00;
	s7 =	smul.u32 $0x3, s7;
	s9 =	simm.s32 $0x80;
	s8 =	smax.u32 s8, $0x1  }
.LBB2_1:
0xa: {  	s15 =	simm.s32 $0x0  }
.LBB2_2:
0xb: {  	s17 =	sadd.s32 s7, s15  }
0xc: {  	s16 =	sand.u32 $0x7, s17  }
0xd: {  	s18 =	sshll.u32 s16, $0x4  }
0xe: {  	s18 =	sadd.s32 s5, s18  }
0xf: {  	[tilespmem:s11], [sflag:$0x1] =	stream.strided.gather [hbm4b:s18+s9], $0x5A00, s10, s9, $0x38;
	[tilespmem:$0x1B600] =	vst v63  }
0x10: {  	s18 =	sshrl.u32 s17, $0x6  }
0x11: {  	s19 =	sshll.u32 s16, $0x13;
	s17 =	sshll.u32 s17, $0x4;
	s20 =	sshll.u32 s18, $0x12  }
0x12: {  	s17 =	sand.u32 $0x380, s17;
	s19 =	sadd.s32 s20, s19  }
0x13: {  	_ =	swait.ge [sflag:s12], $0x5A00;
	s19 =	sor.u32 s17, s19  }
0x14: {  	[sflag:s12] =	ssyncset.done $0x0;
	s19 =	sshrl.u32 s19, $0x3  }
0x15: {  	[sflag:s12] =	ssyncadd.s32 $0xFFFFA600;
	s19 =	sadd.s32 s3, s19  }
0x16: {  	[tilespmem:s13], [sflag:$0x1] =	stream.strided.gather [hbm4b:s19+s9], $0x8000, s10, s9, $0x38;
	[tilespmem:$0x1B600] =	vst v63  }
0x17: {  	_ =	swait.ge [sflag:s12], $0x8000  }
0x18: {  	[sflag:s12] =	ssyncset.done $0x0  }
0x19: {  	s20 =	simm.s32 $0x0;
	s19 =	simm.s32 $0x40;
	[sflag:s12] =	ssyncadd.s32 $0xFFFF8000  }
.LBB2_3:
0x1a: {  	p0 =	seq.s32 s19, $0x167C0;
	[tilespmem:s20+$0x15A00] =	vst v0;
	s20 =	smov.u32 s19;
	s19 =	sadd.s32 $0x40, s19  }
.Ltmp0:
0x1b: {  	(pc) =	sbr.rel @!p0 .LBB2_3-.Ltmp0, $2  }
0x1c: {  	_ =	sdelay $0x2  }
0x1d: {  	s20 =	sshra.s32 s20, $0x2  }
0x1e: {  	s19 =	sshll.u32 s18, $0x15  }
0x1f: {  	s19 =	sor.u32 s17, s19  }
0x20: {  	s19 =	sshrl.u32 s19, $0x3  }
0x21: {  	[tilespmem:s20+$0x15A00] =	vst v0;
	s21 =	simm.s32 $0x0;
	s19 =	sadd.s32 s4, s19  }
0x22: {  	[tilespmem:s21], [sflag:$0x1] =	stream.strided.gather [hbm4b:s19+s9], $0x8000, s10, s9, $0x38;
	[tilespmem:$0x1B600] =	vst v63  }
0x23: {  	_ =	swait.ge [sflag:s12], $0x8000  }
0x24: {  	[sflag:s12] =	ssyncset.done $0x0  }
0x25: {  	s24 =	sadd.s32 $0x8000, s19;
	[sflag:s12] =	ssyncadd.s32 $0xFFFF8000  }
0x26: {  	[tilespmem:s21], [sflag:$0x1] =	stream.strided.gather [hbm4b:s24+s9], $0x8000, s10, s9, $0x38;
	[tilespmem:$0x1B600] =	vst v63  }
0x27: {  	_ =	swait.ge [sflag:s12], $0x8000  }
0x28: {  	[sflag:s12] =	ssyncset.done $0x0  }
0x29: {  	s25 =	sadd.s32 $0x10000, s19;
	[sflag:s12] =	ssyncadd.s32 $0xFFFF8000  }
0x2a: {  	[tilespmem:s21], [sflag:$0x1] =	stream.strided.gather [hbm4b:s25+s9], $0x8000, s10, s9, $0x38;
	[tilespmem:$0x1B600] =	vst v63  }
0x2b: {  	_ =	swait.ge [sflag:s12], $0x8000  }
0x2c: {  	[sflag:s12] =	ssyncset.done $0x0  }
0x2d: {  	s26 =	sadd.s32 $0x18000, s19;
	[sflag:s12] =	ssyncadd.s32 $0xFFFF8000  }
0x2e: {  	[tilespmem:s21], [sflag:$0x1] =	stream.strided.gather [hbm4b:s26+s9], $0x8000, s10, s9, $0x38;
	[tilespmem:$0x1B600] =	vst v63  }
0x2f: {  	_ =	swait.ge [sflag:s12], $0x8000  }
0x30: {  	[sflag:s12] =	ssyncset.done $0x0  }
0x31: {  	s28 =	sadd.s32 $0x20000, s19;
	[sflag:s12] =	ssyncadd.s32 $0xFFFF8000  }
0x32: {  	[tilespmem:s21], [sflag:$0x1] =	stream.strided.gather [hbm4b:s28+s9], $0x8000, s10, s9, $0x38;
	[tilespmem:$0x1B600] =	vst v63  }
0x33: {  	_ =	swait.ge [sflag:s12], $0x8000  }
0x34: {  	[sflag:s12] =	ssyncset.done $0x0  }
0x35: {  	s29 =	sadd.s32 $0x28000, s19;
	[sflag:s12] =	ssyncadd.s32 $0xFFFF8000  }
0x36: {  	[tilespmem:s21], [sflag:$0x1] =	stream.strided.gather [hbm4b:s29+s9], $0x8000, s10, s9, $0x38;
	[tilespmem:$0x1B600] =	vst v63  }
0x37: {  	_ =	swait.ge [sflag:s12], $0x8000  }
0x38: {  	[sflag:s12] =	ssyncset.done $0x0  }
0x39: {  	s30 =	sadd.s32 $0x30000, s19;
	[sflag:s12] =	ssyncadd.s32 $0xFFFF8000  }
0x3a: {  	[tilespmem:s21], [sflag:$0x1] =	stream.strided.gather [hbm4b:s30+s9], $0x8000, s10, s9, $0x38;
	[tilespmem:$0x1B600] =	vst v63  }
0x3b: {  	_ =	swait.ge [sflag:s12], $0x8000  }
0x3c: {  	[sflag:s12] =	ssyncset.done $0x0  }
0x3d: {  	s19 =	sadd.s32 $0x38000, s19;
	[sflag:s12] =	ssyncadd.s32 $0xFFFF8000  }
0x3e: {  	[tilespmem:s21], [sflag:$0x1] =	stream.strided.gather [hbm4b:s19+s9], $0x8000, s10, s9, $0x38;
	[tilespmem:$0x1B600] =	vst v63  }
0x3f: {  	_ =	swait.ge [sflag:s12], $0x8000  }
0x40: {  	[sflag:s12] =	ssyncset.done $0x0  }
0x41: {  	s31 =	simm.s32 $0x15B60;
	[sflag:s12] =	ssyncadd.s32 $0xFFFF8000  }
0x42: {  	v1 =	vld [tilespmem:s31+$0xFFFFFEB0]  }
0x43: {  	v2 =	vld [tilespmem:s31+$0xFFFFFEA0];
	_ =	sdelay $0x1  }
0x44: {  	v3 =	vld [tilespmem:s31+$0xFFFFFEC0];
	_ =	sdelay $0x1  }
0x45: {  	v4 =	vld [tilespmem:s31+$0xFFFFFED0]  }
0x46: {  	v5 =	vadd.f32 v1, v2  }
0x47: {  	v6 =	vld [tilespmem:s31+$0xFFFFFEE0]  }
0x48: {  	v5 =	vadd.f32 v3, v5  }
0x49: {  	v7 =	vld [tilespmem:s31+$0xFFFFFEF0]  }
0x4a: {  	v5 =	vadd.f32 v4, v5  }
0x4b: {  	v8 =	vld [tilespmem:s31+$0xFFFFFF00]  }
0x4c: {  	v5 =	vadd.f32 v6, v5  }
0x4d: {  	v9 =	vld [tilespmem:s31+$0xFFFFFF10]  }
0x4e: {  	s21 =	sand.u32 $0x7FF0, s21;
	v5 =	vadd.f32 v7, v5  }
0x4f: {  	v10 =	vld [tilespmem:s21+$0x15A80]  }
0x50: {  	v5 =	vadd.f32 v8, v5  }
0x51: {  	v11 =	vld [tilespmem:s31+$0xFFFFFF30]  }
0x52: {  	v5 =	vadd.f32 v9, v5  }
0x53: {  	v12 =	vld [tilespmem:s31+$0xFFFFFF40]  }
0x54: {  	v5 =	vadd.f32 v10, v5  }
0x55: {  	v13 =	vld [tilespmem:s31+$0xFFFFFF50]  }
0x56: {  	v5 =	vadd.f32 v11, v5  }
0x57: {  	v14 =	vld [tilespmem:s31+$0xFFFFFF60]  }
0x58: {  	v5 =	vadd.f32 v12, v5  }
0x59: {  	v15 =	vld [tilespmem:s31+$0xFFFFFF70]  }
0x5a: {  	v5 =	vadd.f32 v13, v5  }
0x5b: {  	v16 =	vld [tilespmem:s31+$0xFFFFFF80]  }
0x5c: {  	v5 =	vadd.f32 v14, v5  }
0x5d: {  	v17 =	vld [tilespmem:s31+$0xFFFFFF90]  }
0x5e: {  	v5 =	vadd.f32 v15, v5  }
0x5f: {  	v18 =	vld [tilespmem:s21+$0x15B00]  }
0x60: {  	v5 =	vadd.f32 v16, v5  }
0x61: {  	v19 =	vld [tilespmem:s31+$0xFFFFFFB0]  }
0x62: {  	v5 =	vadd.f32 v17, v5  }
0x63: {  	v20 =	vld [tilespmem:s31+$0xFFFFFFC0]  }
0x64: {  	v5 =	vadd.f32 v18, v5  }
0x65: {  	v21 =	vld [tilespmem:s31+$0xFFFFFFD0]  }
0x66: {  	v5 =	vadd.f32 v19, v5  }
0x67: {  	v22 =	vld [tilespmem:s31+$0xFFFFFFE0]  }
0x68: {  	v5 =	vadd.f32 v20, v5  }
0x69: {  	v23 =	vld [tilespmem:s31+$0xFFFFFFF0]  }
0x6a: {  	v5 =	vadd.f32 v21, v5  }
0x6b: {  	v24 =	vld [tilespmem:s31+$0x0]  }
0x6c: {  	v5 =	vadd.f32 v22, v5  }
0x6d: {  	v25 =	vld [tilespmem:s31+$0x10]  }
0x6e: {  	v5 =	vadd.f32 v23, v5  }
0x6f: {  	v26 =	vld [tilespmem:s21+$0x15B80]  }
0x70: {  	v5 =	vadd.f32 v24, v5  }
0x71: {  	v27 =	vld [tilespmem:s31+$0x30]  }
0x72: {  	v5 =	vadd.f32 v25, v5  }
0x73: {  	v28 =	vld [tilespmem:s31+$0x40]  }
0x74: {  	v1 =	vmax.f32 v2, v1;
	v2 =	vadd.f32 v26, v5  }
0x75: {  	v1 =	vmax.f32 v1, v3;
	v3 =	vld [tilespmem:s31+$0x50]  }
0x76: {  	v1 =	vmax.f32 v1, v4;
	v2 =	vadd.f32 v27, v2  }
0x77: {  	v48 =	vld [tilespmem:s31+$0x60];
	v1 =	vmax.f32 v1, v6  }
0x78: {  	v1 =	vmax.f32 v1, v7;
	v2 =	vadd.f32 v28, v2  }
0x79: {  	v49 =	vld [tilespmem:s31+$0x70];
	v1 =	vmax.f32 v1, v8  }
0x7a: {  	v1 =	vmax.f32 v1, v9;
	v2 =	vadd.f32 v3, v2  }
0x7b: {  	v50 =	vld [tilespmem:s31+$0x80];
	v1 =	vmax.f32 v1, v10  }
0x7c: {  	v1 =	vmax.f32 v1, v11;
	v2 =	vadd.f32 v48, v2  }
0x7d: {  	v51 =	vld [tilespmem:s31+$0x90];
	v1 =	vmax.f32 v1, v12  }
0x7e: {  	v1 =	vmax.f32 v1, v13;
	v2 =	vadd.f32 v49, v2  }
0x7f: {  	v52 =	vld [tilespmem:s21+$0x15C00];
	v1 =	vmax.f32 v1, v14  }
0x80: {  	v1 =	vmax.f32 v1, v15;
	v2 =	vadd.f32 v50, v2  }
0x81: {  	v53 =	vld [tilespmem:s31+$0xB0];
	v1 =	vmax.f32 v1, v16  }
0x82: {  	v1 =	vmax.f32 v1, v17;
	v2 =	vadd.f32 v51, v2  }
0x83: {  	v54 =	vld [tilespmem:s31+$0xC0];
	v1 =	vmax.f32 v1, v18  }
0x84: {  	v1 =	vmax.f32 v1, v19;
	v2 =	vadd.f32 v52, v2  }
0x85: {  	v55 =	vld [tilespmem:s31+$0xD0];
	v1 =	vmax.f32 v1, v20  }
0x86: {  	v1 =	vmax.f32 v1, v21;
	v2 =	vadd.f32 v53, v2  }
0x87: {  	v56 =	vld [tilespmem:s31+$0xE0];
	v1 =	vmax.f32 v1, v22  }
0x88: {  	v1 =	vmax.f32 v1, v23;
	v2 =	vadd.f32 v54, v2  }
0x89: {  	v57 =	vld [tilespmem:s31+$0xF0];
	v1 =	vmax.f32 v1, v24  }
0x8a: {  	v1 =	vmax.f32 v1, v25;
	v2 =	vadd.f32 v55, v2  }
0x8b: {  	v58 =	vld [tilespmem:s31+$0x100];
	v1 =	vmax.f32 v1, v26  }
0x8c: {  	v1 =	vmax.f32 v1, v27;
	v2 =	vadd.f32 v56, v2  }
0x8d: {  	v59 =	vld [tilespmem:s31+$0x110];
	v1 =	vmax.f32 v1, v28  }
0x8e: {  	v1 =	vmax.f32 v1, v3;
	v2 =	vadd.f32 v57, v2  }
0x8f: {  	v1 =	vmax.f32 v1, v48;
	v3 =	vld [tilespmem:s21+$0x15C80]  }
0x90: {  	v1 =	vmax.f32 v1, v49;
	v2 =	vadd.f32 v58, v2  }
0x91: {  	v60 =	vld [tilespmem:s31+$0x130];
	v1 =	vmax.f32 v1, v50  }
0x92: {  	v1 =	vmax.f32 v1, v51;
	v2 =	vadd.f32 v59, v2  }
0x93: {  	v61 =	vld [tilespmem:s31+$0x140];
	v1 =	vmax.f32 v1, v52  }
0x94: {  	v1 =	vmax.f32 v1, v53;
	v2 =	vadd.f32 v3, v2  }
0x95: {  	v62 =	vld [tilespmem:s31+$0x150];
	v1 =	vmax.f32 v1, v54  }
0x96: {  	v1 =	vmax.f32 v1, v55;
	v2 =	vadd.f32 v60, v2  }
0x97: {  	v63 =	vld [tilespmem:s31+$0x160];
	v1 =	vmax.f32 v1, v56  }
0x98: {  	v1 =	vmax.f32 v1, v57;
	v2 =	vadd.f32 v61, v2  }
0x99: {  	v1 =	vmax.f32 v1, v58  }
0x9a: {  	v1 =	vmax.f32 v1, v59;
	v2 =	vadd.f32 v62, v2  }
0x9b: {  	v1 =	vmax.f32 v1, v3  }
0x9c: {  	v1 =	vmax.f32 v1, v60;
	v2 =	vadd.f32 v63, v2  }
0x9d: {  	v1 =	vmax.f32 v1, v61  }
0x9e: {  	v1 =	vmax.f32 v1, v62;
	v2 =	vmul.f32 $-2.222222280e-02, v2  }
0x9f: {  	v1 =	vmax.f32 v1, v63  }
0xa0: {  	v1 =	vadd.f32 v2, v1  }
0xa1: {  	s19 =	simm.s32 $0x1B400  }
0xa2: {  	s20 =	simm.s32 $0x15E30;
	[tilespmem:s19+$0x0] =	vst v1  }
0xa3: {  	v1 =	vld [tilespmem:s20+$0xFFFFFEB0]  }
0xa4: {  	s22 =	simm.s32 $0x5A0;
	s21 =	simm.s32 $0x2D0;
	v2 =	vld [tilespmem:s20+$0xFFFFFEA0]  }
.LBB2_5:
0xa5: {  	p0 =	sne.s32 s22, $0x5730  }
0xa6: {  	v3 =	vld [tilespmem:s20+$0xFFFFFEC0];
	_ =	sdelay $0x1  }
0xa7: {  	v4 =	vld [tilespmem:s20+$0xFFFFFED0]  }
0xa8: {  	v5 =	vadd.f32 v1, v2  }
0xa9: {  	v6 =	vld [tilespmem:s20+$0xFFFFFEE0]  }
0xaa: {  	v5 =	vadd.f32 v3, v5  }
0xab: {  	v7 =	vld [tilespmem:s20+$0xFFFFFEF0]  }
0xac: {  	v5 =	vadd.f32 v4, v5  }
0xad: {  	v8 =	vld [tilespmem:s20+$0xFFFFFF00]  }
0xae: {  	v5 =	vadd.f32 v6, v5  }
0xaf: {  	v9 =	vld [tilespmem:s20+$0xFFFFFF10]  }
0xb0: {  	s23 =	sand.u32 $0x7FF0, s21;
	s21 =	smov.u32 s22;
	v5 =	vadd.f32 v7, v5  }
0xb1: {  	v10 =	vld [tilespmem:s23+$0x15A80]  }
0xb2: {  	v5 =	vadd.f32 v8, v5  }
0xb3: {  	v11 =	vld [tilespmem:s20+$0xFFFFFF30]  }
0xb4: {  	v5 =	vadd.f32 v9, v5  }
0xb5: {  	v12 =	vld [tilespmem:s20+$0xFFFFFF40]  }
0xb6: {  	v5 =	vadd.f32 v10, v5  }
0xb7: {  	v13 =	vld [tilespmem:s20+$0xFFFFFF50]  }
0xb8: {  	v5 =	vadd.f32 v11, v5  }
0xb9: {  	v14 =	vld [tilespmem:s20+$0xFFFFFF60]  }
0xba: {  	v5 =	vadd.f32 v12, v5  }
0xbb: {  	v15 =	vld [tilespmem:s20+$0xFFFFFF70]  }
0xbc: {  	v5 =	vadd.f32 v13, v5  }
0xbd: {  	v16 =	vld [tilespmem:s20+$0xFFFFFF80]  }
0xbe: {  	v5 =	vadd.f32 v14, v5  }
0xbf: {  	v17 =	vld [tilespmem:s20+$0xFFFFFF90]  }
0xc0: {  	v5 =	vadd.f32 v15, v5  }
0xc1: {  	v18 =	vld [tilespmem:s23+$0x15B00]  }
0xc2: {  	v5 =	vadd.f32 v16, v5  }
0xc3: {  	v19 =	vld [tilespmem:s20+$0xFFFFFFB0]  }
0xc4: {  	v5 =	vadd.f32 v17, v5  }
0xc5: {  	v20 =	vld [tilespmem:s20+$0xFFFFFFC0]  }
0xc6: {  	v5 =	vadd.f32 v18, v5  }
0xc7: {  	v21 =	vld [tilespmem:s20+$0xFFFFFFD0]  }
0xc8: {  	v5 =	vadd.f32 v19, v5  }
0xc9: {  	v22 =	vld [tilespmem:s20+$0xFFFFFFE0]  }
0xca: {  	v5 =	vadd.f32 v20, v5  }
0xcb: {  	v23 =	vld [tilespmem:s20+$0xFFFFFFF0]  }
0xcc: {  	v5 =	vadd.f32 v21, v5  }
0xcd: {  	v24 =	vld [tilespmem:s20+$0x0]  }
0xce: {  	v5 =	vadd.f32 v22, v5  }
0xcf: {  	v25 =	vld [tilespmem:s20+$0x10]  }
0xd0: {  	v5 =	vadd.f32 v23, v5  }
0xd1: {  	v26 =	vld [tilespmem:s23+$0x15B80]  }
0xd2: {  	v5 =	vadd.f32 v24, v5  }
0xd3: {  	v27 =	vld [tilespmem:s20+$0x30]  }
0xd4: {  	v5 =	vadd.f32 v25, v5  }
0xd5: {  	v28 =	vld [tilespmem:s20+$0x40]  }
0xd6: {  	v1 =	vmax.f32 v2, v1;
	v2 =	vadd.f32 v26, v5  }
0xd7: {  	v1 =	vmax.f32 v1, v3;
	v3 =	vld [tilespmem:s20+$0x50]  }
0xd8: {  	v1 =	vmax.f32 v1, v4;
	v2 =	vadd.f32 v27, v2  }
0xd9: {  	v1 =	vmax.f32 v1, v6;
	v4 =	vld [tilespmem:s20+$0x60]  }
0xda: {  	v1 =	vmax.f32 v1, v7;
	v2 =	vadd.f32 v28, v2  }
0xdb: {  	v1 =	vmax.f32 v1, v8;
	v5 =	vld [tilespmem:s20+$0x70]  }
0xdc: {  	v1 =	vmax.f32 v1, v9;
	v2 =	vadd.f32 v3, v2  }
0xdd: {  	v1 =	vmax.f32 v1, v10;
	v6 =	vld [tilespmem:s20+$0x80]  }
0xde: {  	v1 =	vmax.f32 v1, v11;
	v2 =	vadd.f32 v4, v2  }
0xdf: {  	v1 =	vmax.f32 v1, v12;
	v7 =	vld [tilespmem:s20+$0x90]  }
0xe0: {  	v1 =	vmax.f32 v1, v13;
	v2 =	vadd.f32 v5, v2  }
0xe1: {  	v1 =	vmax.f32 v1, v14;
	v8 =	vld [tilespmem:s23+$0x15C00]  }
0xe2: {  	v1 =	vmax.f32 v1, v15;
	v2 =	vadd.f32 v6, v2  }
0xe3: {  	v1 =	vmax.f32 v1, v16;
	v9 =	vld [tilespmem:s20+$0xB0]  }
0xe4: {  	v1 =	vmax.f32 v1, v17;
	v2 =	vadd.f32 v7, v2  }
0xe5: {  	v1 =	vmax.f32 v1, v18;
	v10 =	vld [tilespmem:s20+$0xC0]  }
0xe6: {  	v1 =	vmax.f32 v1, v19;
	v2 =	vadd.f32 v8, v2  }
0xe7: {  	v1 =	vmax.f32 v1, v20;
	v11 =	vld [tilespmem:s20+$0xD0]  }
0xe8: {  	v1 =	vmax.f32 v1, v21;
	v2 =	vadd.f32 v9, v2  }
0xe9: {  	v1 =	vmax.f32 v1, v22;
	v12 =	vld [tilespmem:s20+$0xE0]  }
0xea: {  	v1 =	vmax.f32 v1, v23;
	v2 =	vadd.f32 v10, v2  }
0xeb: {  	v1 =	vmax.f32 v1, v24;
	v13 =	vld [tilespmem:s20+$0xF0]  }
0xec: {  	v1 =	vmax.f32 v1, v25;
	v2 =	vadd.f32 v11, v2  }
0xed: {  	v1 =	vmax.f32 v1, v26;
	v14 =	vld [tilespmem:s20+$0x100]  }
0xee: {  	v1 =	vmax.f32 v1, v27;
	v2 =	vadd.f32 v12, v2  }
0xef: {  	v1 =	vmax.f32 v1, v28;
	v15 =	vld [tilespmem:s20+$0x110]  }
0xf0: {  	v1 =	vmax.f32 v1, v3;
	v2 =	vadd.f32 v13, v2  }
0xf1: {  	v1 =	vmax.f32 v1, v4;
	v3 =	vld [tilespmem:s23+$0x15C80]  }
0xf2: {  	v1 =	vmax.f32 v1, v5;
	v2 =	vadd.f32 v14, v2  }
0xf3: {  	v1 =	vmax.f32 v1, v6;
	v4 =	vld [tilespmem:s20+$0x130]  }
0xf4: {  	v1 =	vmax.f32 v1, v7;
	v2 =	vadd.f32 v15, v2  }
0xf5: {  	v1 =	vmax.f32 v1, v8;
	v5 =	vld [tilespmem:s20+$0x140]  }
0xf6: {  	v1 =	vmax.f32 v1, v9;
	v2 =	vadd.f32 v3, v2  }
0xf7: {  	v1 =	vmax.f32 v1, v10;
	v6 =	vld [tilespmem:s20+$0x150]  }
0xf8: {  	v1 =	vmax.f32 v1, v11;
	v2 =	vadd.f32 v4, v2  }
0xf9: {  	v1 =	vmax.f32 v1, v12;
	v7 =	vld [tilespmem:s20+$0x160]  }
0xfa: {  	v1 =	vmax.f32 v1, v13;
	v2 =	vadd.f32 v5, v2  }
0xfb: {  	v1 =	vmax.f32 v1, v14  }
0xfc: {  	v1 =	vmax.f32 v1, v15;
	v2 =	vadd.f32 v6, v2  }
0xfd: {  	v1 =	vmax.f32 v1, v3  }
0xfe: {  	v1 =	vmax.f32 v1, v4;
	v2 =	vadd.f32 v7, v2  }
0xff: {  	v1 =	vmax.f32 v1, v5  }
0x100: {  	v1 =	vmax.f32 v1, v6;
	v2 =	vmul.f32 $-2.222222280e-02, v2  }
0x101: {  	v1 =	vmax.f32 v1, v7  }
.Ltmp1:
0x102: {  	v1 =	vadd.f32 v2, v1;
	(pc) =	sbr.rel @p0 .LBB2_5-.Ltmp1, $4  }
0x103: {  	s19 =	sadd.s32 $0x10, s19  }
0x104: {  	s20 =	sadd.s32 $0x2D0, s20;
	[tilespmem:s19+$0x0] =	vst v1  }
0x105: {  	v1 =	vld [tilespmem:s20+$0xFFFFFEB0]  }
0x106: {  	s22 =	sadd.s32 $0x2D0, s22;
	v2 =	vld [tilespmem:s20+$0xFFFFFEA0]  }
0x107: {  	_ = 	snop  }
0x108: {  	v3 =	vld [tilespmem:s20+$0xFFFFFEC0];
	_ =	sdelay $0x1  }
0x109: {  	v4 =	vld [tilespmem:s20+$0xFFFFFED0]  }
0x10a: {  	v5 =	vadd.f32 v1, v2  }
0x10b: {  	v6 =	vld [tilespmem:s20+$0xFFFFFEE0]  }
0x10c: {  	v5 =	vadd.f32 v3, v5  }
0x10d: {  	v7 =	vld [tilespmem:s20+$0xFFFFFEF0]  }
0x10e: {  	v5 =	vadd.f32 v4, v5  }
0x10f: {  	v8 =	vld [tilespmem:s20+$0xFFFFFF00]  }
0x110: {  	v5 =	vadd.f32 v6, v5  }
0x111: {  	v9 =	vld [tilespmem:s20+$0xFFFFFF10]  }
0x112: {  	s21 =	sand.u32 $0x7FF0, s21;
	v5 =	vadd.f32 v7, v5  }
0x113: {  	v10 =	vld [tilespmem:s21+$0x15A80]  }
0x114: {  	v5 =	vadd.f32 v8, v5  }
0x115: {  	v11 =	vld [tilespmem:s20+$0xFFFFFF30]  }
0x116: {  	v5 =	vadd.f32 v9, v5  }
0x117: {  	v12 =	vld [tilespmem:s20+$0xFFFFFF40]  }
0x118: {  	v5 =	vadd.f32 v10, v5  }
0x119: {  	v13 =	vld [tilespmem:s20+$0xFFFFFF50]  }
0x11a: {  	v5 =	vadd.f32 v11, v5  }
0x11b: {  	v14 =	vld [tilespmem:s20+$0xFFFFFF60]  }
0x11c: {  	v5 =	vadd.f32 v12, v5  }
0x11d: {  	v15 =	vld [tilespmem:s20+$0xFFFFFF70]  }
0x11e: {  	v5 =	vadd.f32 v13, v5  }
0x11f: {  	v16 =	vld [tilespmem:s20+$0xFFFFFF80]  }
0x120: {  	v5 =	vadd.f32 v14, v5  }
0x121: {  	v17 =	vld [tilespmem:s20+$0xFFFFFF90]  }
0x122: {  	v5 =	vadd.f32 v15, v5  }
0x123: {  	v18 =	vld [tilespmem:s21+$0x15B00]  }
0x124: {  	v5 =	vadd.f32 v16, v5  }
0x125: {  	v19 =	vld [tilespmem:s20+$0xFFFFFFB0]  }
0x126: {  	v5 =	vadd.f32 v17, v5  }
0x127: {  	v20 =	vld [tilespmem:s20+$0xFFFFFFC0]  }
0x128: {  	v5 =	vadd.f32 v18, v5  }
0x129: {  	v21 =	vld [tilespmem:s20+$0xFFFFFFD0]  }
0x12a: {  	v5 =	vadd.f32 v19, v5  }
0x12b: {  	v22 =	vld [tilespmem:s20+$0xFFFFFFE0]  }
0x12c: {  	v5 =	vadd.f32 v20, v5  }
0x12d: {  	v23 =	vld [tilespmem:s20+$0xFFFFFFF0]  }
0x12e: {  	v5 =	vadd.f32 v21, v5  }
0x12f: {  	v24 =	vld [tilespmem:s20+$0x0]  }
0x130: {  	v5 =	vadd.f32 v22, v5  }
0x131: {  	v25 =	vld [tilespmem:s20+$0x10]  }
0x132: {  	v5 =	vadd.f32 v23, v5  }
0x133: {  	v26 =	vld [tilespmem:s21+$0x15B80]  }
0x134: {  	v5 =	vadd.f32 v24, v5  }
0x135: {  	v27 =	vld [tilespmem:s20+$0x30]  }
0x136: {  	v5 =	vadd.f32 v25, v5  }
0x137: {  	v28 =	vld [tilespmem:s20+$0x40]  }
0x138: {  	v1 =	vmax.f32 v2, v1;
	v2 =	vadd.f32 v26, v5  }
0x139: {  	v1 =	vmax.f32 v1, v3;
	v3 =	vld [tilespmem:s20+$0x50]  }
0x13a: {  	v1 =	vmax.f32 v1, v4;
	v2 =	vadd.f32 v27, v2  }
0x13b: {  	v48 =	vld [tilespmem:s20+$0x60];
	v1 =	vmax.f32 v1, v6  }
0x13c: {  	v1 =	vmax.f32 v1, v7;
	v2 =	vadd.f32 v28, v2  }
0x13d: {  	v49 =	vld [tilespmem:s20+$0x70];
	v1 =	vmax.f32 v1, v8  }
0x13e: {  	v1 =	vmax.f32 v1, v9;
	v2 =	vadd.f32 v3, v2  }
0x13f: {  	v50 =	vld [tilespmem:s20+$0x80];
	v1 =	vmax.f32 v1, v10  }
0x140: {  	v1 =	vmax.f32 v1, v11;
	v2 =	vadd.f32 v48, v2  }
0x141: {  	v51 =	vld [tilespmem:s20+$0x90];
	v1 =	vmax.f32 v1, v12  }
0x142: {  	v1 =	vmax.f32 v1, v13;
	v2 =	vadd.f32 v49, v2  }
0x143: {  	v52 =	vld [tilespmem:s21+$0x15C00];
	v1 =	vmax.f32 v1, v14  }
0x144: {  	v1 =	vmax.f32 v1, v15;
	v2 =	vadd.f32 v50, v2  }
0x145: {  	v53 =	vld [tilespmem:s20+$0xB0];
	v1 =	vmax.f32 v1, v16  }
0x146: {  	v1 =	vmax.f32 v1, v17;
	v2 =	vadd.f32 v51, v2  }
0x147: {  	v54 =	vld [tilespmem:s20+$0xC0];
	v1 =	vmax.f32 v1, v18  }
0x148: {  	v1 =	vmax.f32 v1, v19;
	v2 =	vadd.f32 v52, v2  }
0x149: {  	v55 =	vld [tilespmem:s20+$0xD0];
	v1 =	vmax.f32 v1, v20  }
0x14a: {  	v1 =	vmax.f32 v1, v21;
	v2 =	vadd.f32 v53, v2  }
0x14b: {  	v56 =	vld [tilespmem:s20+$0xE0];
	v1 =	vmax.f32 v1, v22  }
0x14c: {  	v1 =	vmax.f32 v1, v23;
	v2 =	vadd.f32 v54, v2  }
0x14d: {  	v57 =	vld [tilespmem:s20+$0xF0];
	v1 =	vmax.f32 v1, v24  }
0x14e: {  	v1 =	vmax.f32 v1, v25;
	v2 =	vadd.f32 v55, v2  }
0x14f: {  	v58 =	vld [tilespmem:s20+$0x100];
	v1 =	vmax.f32 v1, v26  }
0x150: {  	v1 =	vmax.f32 v1, v27;
	v2 =	vadd.f32 v56, v2  }
0x151: {  	v59 =	vld [tilespmem:s20+$0x110];
	v1 =	vmax.f32 v1, v28  }
0x152: {  	v1 =	vmax.f32 v1, v3;
	v2 =	vadd.f32 v57, v2  }
0x153: {  	v1 =	vmax.f32 v1, v48;
	v3 =	vld [tilespmem:s21+$0x15C80]  }
0x154: {  	v1 =	vmax.f32 v1, v49;
	v2 =	vadd.f32 v58, v2  }
0x155: {  	v60 =	vld [tilespmem:s20+$0x130];
	v1 =	vmax.f32 v1, v50  }
0x156: {  	v1 =	vmax.f32 v1, v51;
	v2 =	vadd.f32 v59, v2  }
0x157: {  	v61 =	vld [tilespmem:s20+$0x140];
	v1 =	vmax.f32 v1, v52  }
0x158: {  	v1 =	vmax.f32 v1, v53;
	v2 =	vadd.f32 v3, v2  }
0x159: {  	v62 =	vld [tilespmem:s20+$0x150];
	v1 =	vmax.f32 v1, v54  }
0x15a: {  	v1 =	vmax.f32 v1, v55;
	v2 =	vadd.f32 v60, v2  }
0x15b: {  	v63 =	vld [tilespmem:s20+$0x160];
	v1 =	vmax.f32 v1, v56  }
0x15c: {  	v1 =	vmax.f32 v1, v57;
	v2 =	vadd.f32 v61, v2  }
0x15d: {  	v1 =	vmax.f32 v1, v58  }
0x15e: {  	v1 =	vmax.f32 v1, v59;
	v2 =	vadd.f32 v62, v2  }
0x15f: {  	v1 =	vmax.f32 v1, v3  }
0x160: {  	v1 =	vmax.f32 v1, v60;
	v2 =	vadd.f32 v63, v2  }
0x161: {  	v1 =	vmax.f32 v1, v61  }
0x162: {  	s18 =	sshll.u32 s18, $0xF;
	s16 =	sshll.u32 s16, $0xC;
	v1 =	vmax.f32 v1, v62;
	v2 =	vmul.f32 $-2.222222280e-02, v2  }
0x163: {  	s16 =	sor.u32 s16, s18;
	v1 =	vmax.f32 v1, v63  }
0x164: {  	s15 =	sadd.s32 $0x1, s15;
	s16 =	sor.u32 s17, s16;
	v1 =	vadd.f32 v2, v1  }
0x165: {  	s31 =	sadd.s32 $0x10, s19;
	p0 =	sne.s32 s15, $0x3;
	s16 =	sshrl.u32 s16, $0x3  }
.Ltmp2:
0x166: {  	s16 =	sadd.s32 s6, s16;
	[tilespmem:s31+$0x0] =	vst v1;
	(pc) =	sbr.rel @p0 .LBB2_2-.Ltmp2, $4  }
0x167: {  	[hbm4b:s16+s9] =	stream.strided.scatter [tilespmem:s14], [sflag:$0x1], $0x200, s10, s9, $0x38;
	[tilespmem:$0x1B600] =	vst v63  }
0x168: {  	_ =	swait.ge [sflag:s12], $0x200  }
0x169: {  	[sflag:s12] =	ssyncset.done $0x0  }
0x16a: {  	[sflag:s12] =	ssyncadd.s32 $0xFFFFFE00  }
0x16b: {  	s1 =	sadd.s32 $0x1, s1  }
0x16c: {  	p0 =	sne.s32 s1, s8  }
.Ltmp3:
0x16d: {  	_ = 	snop;
	(pc) =	sbr.rel @p0 .LBB2_1-.Ltmp3, $1  }
0x16e: {  	_ =	sdelay $0x3  }
0x16f: {  	_ =	sfence.sel $0x180000  }
0x170: {  	[bflag:$0x0] =	sbarrier.arrive $0xFFFF  }
0x171: {  	p0 =	sne.s32 s2, $0x0;
	_ =	strace $0x90000047  }
0x172: {  	s0 =	sadd.s32 @!p0 $0x100000, s0;
	[bflag:$0x2] =	sbarrier.arrive $0xFFFF  }
0x173: {  	[sflag:s0] =	ssyncadd.tile.s32 @!p0 $0x1;
	_ =	shalt  }
.Lfunc_end2:
_tile_overlayer_lowered:
.L_overlay_start_2:
0x174: {  	(tag) =	ssettag $0x2  }
0x175: {  	s0 =	rddreg [dreg:$0x0];
	s2 =	stileid.u32  }
0x176: {  	s1 =	rddreg [dreg:$0x1];
	p0 =	sne.s32 s2, $0x0  }
0x177: {  	s3 =	rddreg [dreg:$0x2];
	[bflag:$0x3] =	sbarrier.arrive $0xFFFF;
	s2 =	simm.s32 @!p0 $0x1C01  }
0x178: {  	[timem:s3], [sflag:s2] =	dma.local @!p0 [hbm:s0], s1  }
0x179: {  	s0 =	simm.s32 @!p0 $0x1  }
0x17a: {  	_ =	swait.ge @!p0 [sflag:s0], s1  }
0x17b: {  	s1 =	ssub.s32 @!p0 $0x0, s1;
	[sflag:s0] =	ssyncset.done @!p0 $0x0  }
0x17c: {  	[sflag:s0] =	ssyncadd.s32 @!p0 s1  }
0x17d: {  	[bflag:$0x3] =	sbarrier.arrive $0xFFFF  }
0x17e: {  	_ =	shalt  }

</sc_bundles>
